<compile_context>
chip_gen: v7x
topology: tpu7x:2x2x1
jax: 0.10.2.dev20260603
libtpu: 0.0.44.dev20260713+nightly
codegen_flags: <defaults>
</compile_context>

<pallas_src>
import functools

import jax
import jax.numpy as jnp
from jax import lax
from jax.experimental import pallas as pl
from jax.experimental.pallas import tpu as pltpu
from jax.experimental.pallas import tpu_sc as plsc

BLK = 512

SC_CORES = 2
SC_SUBCORES = 16
SC_WORKERS = SC_CORES * SC_SUBCORES


def _sc_route_and_scatter(x, e_flat, n_expert, blk):
    n, d = x.shape
    per_w = n // SC_WORKERS
    n_vec = per_w // 16
    num_tiles = n // blk
    mesh = plsc.VectorSubcoreMesh(core_axis_name="c", subcore_axis_name="s")

    @functools.partial(
        pl.kernel,
        mesh=mesh,
        compiler_params=pltpu.CompilerParams(needs_layout_passes=False),
        out_type=(
            jax.ShapeDtypeStruct((n, d), x.dtype),
            jax.ShapeDtypeStruct((n,), jnp.int32),
            jax.ShapeDtypeStruct((16,), jnp.int32),
            jax.ShapeDtypeStruct((16,), jnp.int32),
            jax.ShapeDtypeStruct((16,), jnp.int32),
            jax.ShapeDtypeStruct((16,), jnp.int32),
            jax.ShapeDtypeStruct((SC_WORKERS, 16), jnp.int32),
        ),
        scratch_types=[
            pltpu.VMEM((per_w,), jnp.int32),
            pltpu.VMEM((per_w,), jnp.int32),
            pltpu.VMEM((per_w,), jnp.int32),
            pltpu.VMEM((per_w, d), x.dtype),
            pltpu.VMEM((16,), jnp.int32),
            pltpu.VMEM((16,), jnp.int32),
            pltpu.VMEM((SC_WORKERS, 16), jnp.int32),
            pltpu.SemaphoreType.DMA,
            pltpu.SemaphoreType.DMA,
        ],
    )
    def route_kernel(x_hbm, e_hbm, xs_hbm, invp_hbm, ti_hbm, es_hbm,
                     lo_hbm, hi_hbm, tbl_hbm, e_v, sib_v, dest_v, rows_v,
                     stage_v, stage2_v, tbl_v, sem_x, sem_sc):
        sid = lax.axis_index("s")
        cid = lax.axis_index("c")
        wid = sid * SC_CORES + cid
        base = wid * per_w
        lane = lax.iota(jnp.int32, 16)

        x_copy = pltpu.async_copy(x_hbm.at[pl.ds(base, per_w)], rows_v,
                                  sem_x)
        pltpu.sync_copy(e_hbm.at[pl.ds(base, per_w)], e_v)

        sib = sid * 2 + (1 - cid)
        pltpu.sync_copy(e_hbm.at[pl.ds(sib * per_w, per_w)], sib_v)
        for (src, row) in ((e_v, wid), (sib_v, sib)):
            vecs_h = [src[pl.ds(k * 16, 16)] for k in range(n_vec)]
            cnt_vec = jnp.zeros((16,), jnp.int32)
            for ex in range(n_expert):
                c = jnp.int32(0)
                for v in vecs_h:
                    c = c + jnp.sum((v == ex).astype(jnp.int32))
                cnt_vec = cnt_vec + jnp.where(lane == ex, c, 0)
            stage_v[...] = cnt_vec
            pltpu.sync_copy(stage_v, tbl_hbm.at[row])
        plsc.subcore_barrier()
        vecs = [e_v[pl.ds(k * 16, 16)] for k in range(n_vec)]

        pltpu.sync_copy(tbl_hbm, tbl_v)
        total_vec = jnp.zeros((16,), jnp.int32)
        before_vec = jnp.zeros((16,), jnp.int32)
        for r in range(SC_WORKERS):
            row = tbl_v[r]
            total_vec = total_vec + row
            before_vec = before_vec + row * jnp.where(
                jnp.int32(r) < wid, jnp.int32(1), jnp.int32(0))
        incl = jnp.cumsum(total_vec)
        starts_vec = incl - total_vec
        my_base_vec = starts_vec + before_vec

        @pl.when(wid == 0)
        def _():
            ends_vec = starts_vec + total_vec
            bp = jnp.full((16,), n, jnp.int32)
            hi = jnp.full((16,), n, jnp.int32)
            for t in range(num_tiles):
                v = jnp.int32(t * blk)
                m = (starts_vec < v) & (lane >= 1) & (lane < n_expert)
                r = plsc.all_reduce_population_count(m) + t
                bp = jnp.where(lane == r, v, bp)
                hi = jnp.where(lane == r - 1, v, hi)
            edges = lane * blk
            for j in range(1, n_expert):
                sv = starts_vec[j]
                m = (lane < num_tiles) & (edges <= sv)
                r = plsc.all_reduce_population_count(m) + (j - 1)
                bp = jnp.where(lane == r, sv, bp)
                hi = jnp.where(lane == r - 1, sv, hi)
            tiles = jnp.clip(bp // blk, 0, num_tiles - 1)
            esel = jnp.zeros((16,), jnp.int32)
            for ee in range(n_expert):
                endv = ends_vec[ee]
                esel = esel + jnp.where(endv <= bp, 1, 0)
            esel = jnp.clip(esel, 0, n_expert - 1)
            stage_v[...] = tiles
            pltpu.sync_copy(stage_v, ti_hbm)
            stage_v[...] = esel
            pltpu.sync_copy(stage_v, es_hbm)
            stage_v[...] = bp - tiles * blk
            pltpu.sync_copy(stage_v, lo_hbm)
            stage_v[...] = hi - tiles * blk
            pltpu.sync_copy(stage_v, hi_hbm)

        bases = [
            jnp.sum(jnp.where(lane == ex, my_base_vec, 0))
            for ex in range(n_expert)
        ]
        for k in range(n_vec):
            v = vecs[k]
            dest = jnp.zeros((16,), jnp.int32)
            for ex in range(n_expert):
                m = (v == ex).astype(jnp.int32)
                pc = jnp.cumsum(m)
                dest = dest + m * (bases[ex] + pc - 1)
                bases[ex] = bases[ex] + jnp.sum(m)
            dest_v[pl.ds(k * 16, 16)] = dest

        x_copy.wait()
        pltpu.async_copy(rows_v, xs_hbm.at[dest_v], sem_sc).wait()
        pltpu.sync_copy(dest_v, invp_hbm.at[pl.ds(base, per_w)])

    xs, invp, ti, es, lo, hi, _ = route_kernel(x, e_flat)
    return xs, invp, ti, es, lo, hi


def _sc_row_gather(table, idx):
    n_rows, d = table.shape
    b = idx.shape[0]
    rows_per_w = b // SC_WORKERS
    mesh = plsc.VectorSubcoreMesh(core_axis_name="c", subcore_axis_name="s")

    @functools.partial(
        pl.kernel,
        mesh=mesh,
        out_type=jax.ShapeDtypeStruct((b, d), table.dtype),
        scratch_types=[
            pltpu.VMEM((rows_per_w,), jnp.int32),
            pltpu.VMEM((rows_per_w, d), table.dtype),
            pltpu.SemaphoreType.DMA,
        ],
    )
    def gather_kernel(table_hbm, idx_hbm, out_hbm, idx_v, rows_v, sem):
        wid = lax.axis_index("s") * SC_CORES + lax.axis_index("c")
        base = wid * rows_per_w
        pltpu.sync_copy(idx_hbm.at[pl.ds(base, rows_per_w)], idx_v)
        pltpu.async_copy(table_hbm.at[idx_v], rows_v, sem).wait()
        pltpu.sync_copy(rows_v, out_hbm.at[pl.ds(base, rows_per_w)])

    return gather_kernel(table, idx)


def _mm_body(tile_ids, expert_sel, lo_arr, hi_arr, xs_ref, w_ref, b_ref,
             out_ref):
    i = pl.program_id(0)
    t_cur = tile_ids[i]
    t_prev = tile_ids[jnp.maximum(i - 1, 0)]
    first_visit = jnp.logical_or(i == 0, t_cur != t_prev)
    lo = lo_arr[i]
    hi = hi_arr[i]

    @pl.when(first_visit)
    def _():
        out_ref[...] = jnp.zeros_like(out_ref)

    @pl.when(hi > lo)
    def _():
        rid = lax.broadcasted_iota(jnp.int32, (BLK, 1), 0)
        mask = (rid >= lo) & (rid < hi)
        acc = jnp.dot(xs_ref[...].astype(jnp.bfloat16),
                      w_ref[0].astype(jnp.bfloat16),
                      preferred_element_type=jnp.float32)
        out_ref[...] += jnp.where(mask, acc + b_ref[0], 0.0)


def _grouped_matmul(xs, w, b3, tile_ids, expert_sel, lo_rel, hi_rel):
    n, d = xs.shape
    num_items = tile_ids.shape[0]
    grid_spec = pltpu.PrefetchScalarGridSpec(
        num_scalar_prefetch=4,
        grid=(num_items,),
        in_specs=[
            pl.BlockSpec((BLK, d), lambda i, t, es, lo, hi: (t[i], 0)),
            pl.BlockSpec((1, d, d), lambda i, t, es, lo, hi: (es[i], 0, 0)),
            pl.BlockSpec((1, 1, d), lambda i, t, es, lo, hi: (es[i], 0, 0)),
        ],
        out_specs=pl.BlockSpec((BLK, d), lambda i, t, es, lo, hi: (t[i], 0)),
    )
    return pl.pallas_call(
        _mm_body,
        grid_spec=grid_spec,
        out_shape=jax.ShapeDtypeStruct((n, d), jnp.float32),
        compiler_params=pltpu.CompilerParams(
            dimension_semantics=("arbitrary",)),
    )(tile_ids, expert_sel, lo_rel, hi_rel, xs, w, b3)


def kernel(x, gate_idx, W, b):
    n, d = x.shape
    e_total = W.shape[0]
    e_flat = gate_idx.reshape(n).astype(jnp.int32)
    xs, inv_perm, tile_ids, expert_sel, lo_rel, hi_rel = (
        _sc_route_and_scatter(x, e_flat, e_total, BLK))
    b3 = b.reshape(e_total, 1, d)
    ys = _grouped_matmul(xs, W, b3, tile_ids, expert_sel, lo_rel, hi_rel)
    return _sc_row_gather(ys, inv_perm)

# --- scband reference (transcript-rebuilt; emitter-appended) ---
"""Pipeline reference for scband-gate-57080115364045 (READ-ONLY COPY).

The authoritative reference and input builder live on the scoring server;
editing this copy changes nothing except your own understanding.
"""

import jax, jax.numpy as jnp
import numpy as np

N_TOKENS = 2048
D_MODEL = 768
N_SUBNET = 8


def setup_inputs(seed: int = 0) -> dict:
    key = jax.random.key(seed)
    k1, k2, k3, k4 = jax.random.split(key, 4)
    x = jax.random.normal(k1, (N_TOKENS, D_MODEL), dtype=jnp.float32)
    # Gate weights are integer indices with a singleton trailing axis -> Gate
    # infers _gate_weights_are_indices=True and one-hot encodes them.
    gate_idx = jax.random.randint(k2, (N_TOKENS, 1), 0, N_SUBNET, dtype=jnp.int32)
    # Subnetwork (expert) parameters: one dense layer per subnet.
    W = 0.02 * jax.random.normal(k3, (N_SUBNET, D_MODEL, D_MODEL), dtype=jnp.float32)
    b = jnp.zeros((N_SUBNET, D_MODEL), dtype=jnp.float32)
    return {"x": x, "gate_idx": gate_idx, "W": W, "b": b}


def reference(x, gate_idx, W, b):
    # Faithful translation of Gate semantics for tuple-formatted inputs
    # inputs = (x, gate_weights) with gating_index=1.
    # _process_gate_weights: gate weights have singleton axis=-1 -> treated as
    # indices, squeezed, cast to int, one-hot encoded over n_subnet.
    gw = gate_idx[:, 0]
    gw = gw.astype(jnp.int32)
    gate_weights = jax.nn.one_hot(gw, N_SUBNET, dtype=x.dtype)  # [N, E]
    # Each subnet is applied to the (gate-stripped) inputs, and outputs are
    # mixed by the (one-hot) gate weights, as in psiz's concrete BraidGate.
    expert_out = jnp.einsum('nd,edf->nef', x, W) + b[None, :, :]  # [N, E, D]
    out = jnp.einsum('ne,nef->nf', gate_weights, expert_out)       # [N, D]
    return out

if __name__ == "__main__":
    import jax
    _d = setup_inputs()
    print(jax.jit(kernel)(*tuple(_d.values())))

</pallas_src>

<mosaic_0001>
#map = affine_map<(d0, d1) -> (0, 0)>
#map1 = affine_map<(d0, d1) -> (0)>
module attributes {stable_mosaic.version = 14 : i64} {
  func.func @gather_kernel(%arg0: i32, %arg1: i32, %arg2: memref<2048x768xf32, #tpu.memory_space<hbm>>, %arg3: memref<2048xi32, #tpu.memory_space<hbm>>, %arg4: memref<2048x768xf32, #tpu.memory_space<hbm>>, %arg5: memref<64xi32, #tpu.memory_space<vmem>>, %arg6: memref<64x768xf32, #tpu.memory_space<vmem>>, %arg7: memref<!tpu.dma_semaphore, #tpu.memory_space<semaphore_mem>>) attributes {dimension_semantics = [#tpu.dimension_semantics<core_parallel>, #tpu.dimension_semantics<subcore_parallel>], iteration_bounds = array<i64: 2, 16>, scalar_prefetch = 0 : i64, scratch_operands = 3 : i64, tpu.core_type = #tpu.core_type<sc_vector_subcore>, window_params = [{transform_indices = #map}, {transform_indices = #map1}, {transform_indices = #map}]} {
    %mul3A = arith.constant 2 : i32
    %mul3A_0 = arith.muli %arg1, %mul3A : i32
    %add3A = arith.addi %mul3A_0, %arg0 : i32
    %mul3A_1 = arith.constant 64 : i32
    %mul3A_2 = arith.muli %add3A, %mul3A_1 : i32
    "tpu.region"() ({
      %run_scoped3A = tpu.sem_alloc : memref<!tpu.dma_semaphore, #tpu.memory_space<semaphore_mem>>
      %dma_start3A_7 = tpu.memref_slice %arg3[%mul3A_2] : memref<2048xi32, #tpu.memory_space<hbm>> -> memref<64xi32, #tpu.memory_space<hbm>>
      %dma_start3A_8 = tpu.memref_slice %arg3[%mul3A_2] : memref<2048xi32, #tpu.memory_space<hbm>> -> memref<64xi32, #tpu.memory_space<hbm>>
      tpu.enqueue_dma source(%dma_start3A_8 : memref<64xi32, #tpu.memory_space<hbm>>) target(%arg5 : memref<64xi32, #tpu.memory_space<vmem>>) target_semaphore(%run_scoped3A : memref<!tpu.dma_semaphore, #tpu.memory_space<semaphore_mem>>)
      %dma_wait3A_9 = tpu.memref_slice %arg3[%mul3A_2] : memref<2048xi32, #tpu.memory_space<hbm>> -> memref<64xi32, #tpu.memory_space<hbm>>
      %dma_wait3A_10 = tpu.memref_slice %arg3[%mul3A_2] : memref<2048xi32, #tpu.memory_space<hbm>> -> memref<64xi32, #tpu.memory_space<hbm>>
      tpu.wait_dma2 semaphore(%run_scoped3A : memref<!tpu.dma_semaphore, #tpu.memory_space<semaphore_mem>>) src(%dma_wait3A_10 : memref<64xi32, #tpu.memory_space<hbm>>) dst(%arg5 : memref<64xi32, #tpu.memory_space<vmem>>)
      tpu.yield
    }) : () -> ()
    %dma_start3A = arith.constant 0 : i32
    %dma_start3A_3 = arith.constant 0 : i32
    %dma_start3A_4 = tpu.memref_slice %arg2[%dma_start3A, %dma_start3A_3] : memref<2048x768xf32, #tpu.memory_space<hbm>> -> memref<2048x768xf32, #tpu.memory_space<hbm>>
    tpu.enqueue_indirect_dma source(%dma_start3A_4 : memref<2048x768xf32, #tpu.memory_space<hbm>>) target(%arg6 : memref<64x768xf32, #tpu.memory_space<vmem>>) offsets(%arg5 : memref<64xi32, #tpu.memory_space<vmem>>) semaphore(%arg7 : memref<!tpu.dma_semaphore, #tpu.memory_space<semaphore_mem>>)
    %dma_wait3A = arith.constant 0 : i32
    %dma_wait3A_5 = arith.constant 0 : i32
    %dma_wait3A_6 = tpu.memref_slice %arg2[%dma_wait3A, %dma_wait3A_5] : memref<2048x768xf32, #tpu.memory_space<hbm>> -> memref<2048x768xf32, #tpu.memory_space<hbm>>
    tpu.wait_indirect_dma semaphore(%arg7 : memref<!tpu.dma_semaphore, #tpu.memory_space<semaphore_mem>>) src(%dma_wait3A_6 : memref<2048x768xf32, #tpu.memory_space<hbm>>) dst(%arg6 : memref<64x768xf32, #tpu.memory_space<vmem>>)
    "tpu.region"() ({
      %run_scoped3A = tpu.sem_alloc : memref<!tpu.dma_semaphore, #tpu.memory_space<semaphore_mem>>
      %dma_start3A_7 = arith.constant 0 : i32
      %dma_start3A_8 = tpu.memref_slice %arg4[%mul3A_2, %dma_start3A_7] : memref<2048x768xf32, #tpu.memory_space<hbm>> -> memref<64x768xf32, #tpu.memory_space<hbm>>
      %dma_start3A_9 = arith.constant 0 : i32
      %dma_start3A_10 = tpu.memref_slice %arg4[%mul3A_2, %dma_start3A_9] : memref<2048x768xf32, #tpu.memory_space<hbm>> -> memref<64x768xf32, #tpu.memory_space<hbm>>
      tpu.enqueue_dma source(%arg6 : memref<64x768xf32, #tpu.memory_space<vmem>>) target(%dma_start3A_10 : memref<64x768xf32, #tpu.memory_space<hbm>>) target_semaphore(%run_scoped3A : memref<!tpu.dma_semaphore, #tpu.memory_space<semaphore_mem>>)
      %dma_wait3A_11 = arith.constant 0 : i32
      %dma_wait3A_12 = tpu.memref_slice %arg4[%mul3A_2, %dma_wait3A_11] : memref<2048x768xf32, #tpu.memory_space<hbm>> -> memref<64x768xf32, #tpu.memory_space<hbm>>
      %dma_wait3A_13 = arith.constant 0 : i32
      %dma_wait3A_14 = tpu.memref_slice %arg4[%mul3A_2, %dma_wait3A_13] : memref<2048x768xf32, #tpu.memory_space<hbm>> -> memref<64x768xf32, #tpu.memory_space<hbm>>
      tpu.wait_dma2 semaphore(%run_scoped3A : memref<!tpu.dma_semaphore, #tpu.memory_space<semaphore_mem>>) src(%arg6 : memref<64x768xf32, #tpu.memory_space<vmem>>) dst(%dma_wait3A_14 : memref<64x768xf32, #tpu.memory_space<hbm>>)
      tpu.yield
    }) : () -> ()
    return
  }
}

#map = affine_map<(d0, d1) -> (0, 0)>
#map1 = affine_map<(d0, d1) -> (0)>
module attributes {stable_mosaic.version = 14 : i64} {
  func.func @route_kernel(%arg0: i32, %arg1: i32, %arg2: memref<2048x768xf32, #tpu.memory_space<hbm>>, %arg3: memref<2048xi32, #tpu.memory_space<hbm>>, %arg4: memref<2048x768xf32, #tpu.memory_space<hbm>>, %arg5: memref<2048xi32, #tpu.memory_space<hbm>>, %arg6: memref<16xi32, #tpu.memory_space<hbm>>, %arg7: memref<16xi32, #tpu.memory_space<hbm>>, %arg8: memref<16xi32, #tpu.memory_space<hbm>>, %arg9: memref<16xi32, #tpu.memory_space<hbm>>, %arg10: memref<32x16xi32, #tpu.memory_space<hbm>>, %arg11: memref<64xi32, #tpu.memory_space<vmem>>, %arg12: memref<64xi32, #tpu.memory_space<vmem>>, %arg13: memref<64xi32, #tpu.memory_space<vmem>>, %arg14: memref<64x768xf32, #tpu.memory_space<vmem>>, %arg15: memref<16xi32, #tpu.memory_space<vmem>>, %arg16: memref<16xi32, #tpu.memory_space<vmem>>, %arg17: memref<32x16xi32, #tpu.memory_space<vmem>>, %arg18: memref<!tpu.dma_semaphore, #tpu.memory_space<semaphore_mem>>, %arg19: memref<!tpu.dma_semaphore, #tpu.memory_space<semaphore_mem>>) attributes {dimension_semantics = [#tpu.dimension_semantics<core_parallel>, #tpu.dimension_semantics<subcore_parallel>], iteration_bounds = array<i64: 2, 16>, scalar_prefetch = 0 : i64, scratch_operands = 9 : i64, tpu.core_type = #tpu.core_type<sc_vector_subcore>, window_params = [{transform_indices = #map}, {transform_indices = #map1}, {transform_indices = #map}, {transform_indices = #map1}, {transform_indices = #map1}, {transform_indices = #map1}, {transform_indices = #map1}, {transform_indices = #map1}, {transform_indices = #map}]} {
    %mul3A = arith.constant 2 : i32
    %mul3A_0 = arith.muli %arg1, %mul3A : i32
    %add3A = arith.addi %mul3A_0, %arg0 : i32
    %mul3A_1 = arith.constant 64 : i32
    %mul3A_2 = arith.muli %add3A, %mul3A_1 : i32
    %iota3A = tpu.iota {dimensions = array<i32: 0>} : vector<16xi32>
    %dma_start3A = arith.constant 0 : i32
    %dma_start3A_3 = tpu.memref_slice %arg2[%mul3A_2, %dma_start3A] : memref<2048x768xf32, #tpu.memory_space<hbm>> -> memref<64x768xf32, #tpu.memory_space<hbm>>
    %dma_start3A_4 = arith.constant 0 : i32
    %dma_start3A_5 = tpu.memref_slice %arg2[%mul3A_2, %dma_start3A_4] : memref<2048x768xf32, #tpu.memory_space<hbm>> -> memref<64x768xf32, #tpu.memory_space<hbm>>
    tpu.enqueue_dma source(%dma_start3A_5 : memref<64x768xf32, #tpu.memory_space<hbm>>) target(%arg14 : memref<64x768xf32, #tpu.memory_space<vmem>>) target_semaphore(%arg18 : memref<!tpu.dma_semaphore, #tpu.memory_space<semaphore_mem>>)
    "tpu.region"() ({
      %run_scoped3A = tpu.sem_alloc : memref<!tpu.dma_semaphore, #tpu.memory_space<semaphore_mem>>
      %dma_start3A_1896 = tpu.memref_slice %arg3[%mul3A_2] : memref<2048xi32, #tpu.memory_space<hbm>> -> memref<64xi32, #tpu.memory_space<hbm>>
      %dma_start3A_1897 = tpu.memref_slice %arg3[%mul3A_2] : memref<2048xi32, #tpu.memory_space<hbm>> -> memref<64xi32, #tpu.memory_space<hbm>>
      tpu.enqueue_dma source(%dma_start3A_1897 : memref<64xi32, #tpu.memory_space<hbm>>) target(%arg11 : memref<64xi32, #tpu.memory_space<vmem>>) target_semaphore(%run_scoped3A : memref<!tpu.dma_semaphore, #tpu.memory_space<semaphore_mem>>)
      %dma_wait3A_1898 = tpu.memref_slice %arg3[%mul3A_2] : memref<2048xi32, #tpu.memory_space<hbm>> -> memref<64xi32, #tpu.memory_space<hbm>>
      %dma_wait3A_1899 = tpu.memref_slice %arg3[%mul3A_2] : memref<2048xi32, #tpu.memory_space<hbm>> -> memref<64xi32, #tpu.memory_space<hbm>>
      tpu.wait_dma2 semaphore(%run_scoped3A : memref<!tpu.dma_semaphore, #tpu.memory_space<semaphore_mem>>) src(%dma_wait3A_1899 : memref<64xi32, #tpu.memory_space<hbm>>) dst(%arg11 : memref<64xi32, #tpu.memory_space<vmem>>)
      tpu.yield
    }) : () -> ()
    %mul3A_6 = arith.constant 2 : i32
    %mul3A_7 = arith.muli %arg1, %mul3A_6 : i32
    %sub3A = arith.constant 1 : i32
    %sub3A_8 = arith.subi %sub3A, %arg0 : i32
    %add3A_9 = arith.addi %mul3A_7, %sub3A_8 : i32
    %mul3A_10 = arith.constant 64 : i32
    %mul3A_11 = arith.muli %add3A_9, %mul3A_10 : i32
    "tpu.region"() ({
      %run_scoped3A = tpu.sem_alloc : memref<!tpu.dma_semaphore, #tpu.memory_space<semaphore_mem>>
      %dma_start3A_1896 = tpu.memref_slice %arg3[%mul3A_11] : memref<2048xi32, #tpu.memory_space<hbm>> -> memref<64xi32, #tpu.memory_space<hbm>>
      %dma_start3A_1897 = tpu.memref_slice %arg3[%mul3A_11] : memref<2048xi32, #tpu.memory_space<hbm>> -> memref<64xi32, #tpu.memory_space<hbm>>
      tpu.enqueue_dma source(%dma_start3A_1897 : memref<64xi32, #tpu.memory_space<hbm>>) target(%arg12 : memref<64xi32, #tpu.memory_space<vmem>>) target_semaphore(%run_scoped3A : memref<!tpu.dma_semaphore, #tpu.memory_space<semaphore_mem>>)
      %dma_wait3A_1898 = tpu.memref_slice %arg3[%mul3A_11] : memref<2048xi32, #tpu.memory_space<hbm>> -> memref<64xi32, #tpu.memory_space<hbm>>
      %dma_wait3A_1899 = tpu.memref_slice %arg3[%mul3A_11] : memref<2048xi32, #tpu.memory_space<hbm>> -> memref<64xi32, #tpu.memory_space<hbm>>
      tpu.wait_dma2 semaphore(%run_scoped3A : memref<!tpu.dma_semaphore, #tpu.memory_space<semaphore_mem>>) src(%dma_wait3A_1899 : memref<64xi32, #tpu.memory_space<hbm>>) dst(%arg12 : memref<64xi32, #tpu.memory_space<vmem>>)
      tpu.yield
    }) : () -> ()
    %get3A = arith.constant 0 : index
    %get3A_12 = tpu.vector_load %arg11[%get3A] {strides = array<i32>} : memref<64xi32, #tpu.memory_space<vmem>>, vector<16xi32>,
    %get3A_13 = arith.constant 16 : index
    %get3A_14 = tpu.vector_load %arg11[%get3A_13] {strides = array<i32>} : memref<64xi32, #tpu.memory_space<vmem>>, vector<16xi32>,
    %get3A_15 = arith.constant 32 : index
    %get3A_16 = tpu.vector_load %arg11[%get3A_15] {strides = array<i32>} : memref<64xi32, #tpu.memory_space<vmem>>, vector<16xi32>,
    %get3A_17 = arith.constant 48 : index
    %get3A_18 = tpu.vector_load %arg11[%get3A_17] {strides = array<i32>} : memref<64xi32, #tpu.memory_space<vmem>>, vector<16xi32>,
    %broadcast_in_dim3A = arith.constant 0 : i32
    %broadcast_in_dim3A_19 = vector.broadcast %broadcast_in_dim3A : i32 to vector<16xi32>
    %eq3A = arith.constant 0 : i32
    %eq3A_20 = vector.broadcast %eq3A : i32 to vector<16xi32>
    %eq3A_21 = arith.cmpi eq, %get3A_12, %eq3A_20 : vector<16xi32>
    %convert_element_type3A = arith.extui %eq3A_21 : vector<16xi1> to vector<16xi32>
    %reduce_sum3A = arith.constant true
    %reduce_sum3A_22 = vector.broadcast %reduce_sum3A : i1 to vector<16xi1>
    %reduce_sum3A_23 = tpu.scan <sum>, %convert_element_type3A masked %reduce_sum3A_22 : vector<16xi32>, vector<16xi1> -> vector<16xi32>
    %reduce_sum3A_24 = vector.extract %reduce_sum3A_23[15] : i32 from vector<16xi32>
    %add3A_25 = arith.constant 0 : i32
    %add3A_26 = arith.addi %add3A_25, %reduce_sum3A_24 : i32
    %eq3A_27 = arith.constant 0 : i32
    %eq3A_28 = vector.broadcast %eq3A_27 : i32 to vector<16xi32>
    %eq3A_29 = arith.cmpi eq, %get3A_14, %eq3A_28 : vector<16xi32>
    %convert_element_type3A_30 = arith.extui %eq3A_29 : vector<16xi1> to vector<16xi32>
    %reduce_sum3A_31 = arith.constant true
    %reduce_sum3A_32 = vector.broadcast %reduce_sum3A_31 : i1 to vector<16xi1>
    %reduce_sum3A_33 = tpu.scan <sum>, %convert_element_type3A_30 masked %reduce_sum3A_32 : vector<16xi32>, vector<16xi1> -> vector<16xi32>
    %reduce_sum3A_34 = vector.extract %reduce_sum3A_33[15] : i32 from vector<16xi32>
    %add3A_35 = arith.addi %add3A_26, %reduce_sum3A_34 : i32
    %eq3A_36 = arith.constant 0 : i32
    %eq3A_37 = vector.broadcast %eq3A_36 : i32 to vector<16xi32>
    %eq3A_38 = arith.cmpi eq, %get3A_16, %eq3A_37 : vector<16xi32>
    %convert_element_type3A_39 = arith.extui %eq3A_38 : vector<16xi1> to vector<16xi32>
    %reduce_sum3A_40 = arith.constant true
    %reduce_sum3A_41 = vector.broadcast %reduce_sum3A_40 : i1 to vector<16xi1>
    %reduce_sum3A_42 = tpu.scan <sum>, %convert_element_type3A_39 masked %reduce_sum3A_41 : vector<16xi32>, vector<16xi1> -> vector<16xi32>
    %reduce_sum3A_43 = vector.extract %reduce_sum3A_42[15] : i32 from vector<16xi32>
    %add3A_44 = arith.addi %add3A_35, %reduce_sum3A_43 : i32
    %eq3A_45 = arith.constant 0 : i32
    %eq3A_46 = vector.broadcast %eq3A_45 : i32 to vector<16xi32>
    %eq3A_47 = arith.cmpi eq, %get3A_18, %eq3A_46 : vector<16xi32>
    %convert_element_type3A_48 = arith.extui %eq3A_47 : vector<16xi1> to vector<16xi32>
    %reduce_sum3A_49 = arith.constant true
    %reduce_sum3A_50 = vector.broadcast %reduce_sum3A_49 : i1 to vector<16xi1>
    %reduce_sum3A_51 = tpu.scan <sum>, %convert_element_type3A_48 masked %reduce_sum3A_50 : vector<16xi32>, vector<16xi1> -> vector<16xi32>
    %reduce_sum3A_52 = vector.extract %reduce_sum3A_51[15] : i32 from vector<16xi32>
    %add3A_53 = arith.addi %add3A_44, %reduce_sum3A_52 : i32
    %eq3A_54 = arith.constant 0 : i32
    %eq3A_55 = vector.broadcast %eq3A_54 : i32 to vector<16xi32>
    %eq3A_56 = arith.cmpi eq, %iota3A, %eq3A_55 : vector<16xi32>
    %jit3A = arith.constant 0 : i32
    %broadcast_in_dim3A_57 = vector.broadcast %add3A_53 : i32 to vector<16xi32>
    %broadcast_in_dim3A_58 = vector.broadcast %jit3A : i32 to vector<16xi32>
    %select_n3A = arith.select %eq3A_56, %broadcast_in_dim3A_57, %broadcast_in_dim3A_58 : vector<16xi1>, vector<16xi32>
    %add3A_59 = arith.addi %broadcast_in_dim3A_19, %select_n3A : vector<16xi32>
    %eq3A_60 = arith.constant 1 : i32
    %eq3A_61 = vector.broadcast %eq3A_60 : i32 to vector<16xi32>
    %eq3A_62 = arith.cmpi eq, %get3A_12, %eq3A_61 : vector<16xi32>
    %convert_element_type3A_63 = arith.extui %eq3A_62 : vector<16xi1> to vector<16xi32>
    %reduce_sum3A_64 = arith.constant true
    %reduce_sum3A_65 = vector.broadcast %reduce_sum3A_64 : i1 to vector<16xi1>
    %reduce_sum3A_66 = tpu.scan <sum>, %convert_element_type3A_63 masked %reduce_sum3A_65 : vector<16xi32>, vector<16xi1> -> vector<16xi32>
    %reduce_sum3A_67 = vector.extract %reduce_sum3A_66[15] : i32 from vector<16xi32>
    %add3A_68 = arith.constant 0 : i32
    %add3A_69 = arith.addi %add3A_68, %reduce_sum3A_67 : i32
    %eq3A_70 = arith.constant 1 : i32
    %eq3A_71 = vector.broadcast %eq3A_70 : i32 to vector<16xi32>
    %eq3A_72 = arith.cmpi eq, %get3A_14, %eq3A_71 : vector<16xi32>
    %convert_element_type3A_73 = arith.extui %eq3A_72 : vector<16xi1> to vector<16xi32>
    %reduce_sum3A_74 = arith.constant true
    %reduce_sum3A_75 = vector.broadcast %reduce_sum3A_74 : i1 to vector<16xi1>
    %reduce_sum3A_76 = tpu.scan <sum>, %convert_element_type3A_73 masked %reduce_sum3A_75 : vector<16xi32>, vector<16xi1> -> vector<16xi32>
    %reduce_sum3A_77 = vector.extract %reduce_sum3A_76[15] : i32 from vector<16xi32>
    %add3A_78 = arith.addi %add3A_69, %reduce_sum3A_77 : i32
    %eq3A_79 = arith.constant 1 : i32
    %eq3A_80 = vector.broadcast %eq3A_79 : i32 to vector<16xi32>
    %eq3A_81 = arith.cmpi eq, %get3A_16, %eq3A_80 : vector<16xi32>
    %convert_element_type3A_82 = arith.extui %eq3A_81 : vector<16xi1> to vector<16xi32>
    %reduce_sum3A_83 = arith.constant true
    %reduce_sum3A_84 = vector.broadcast %reduce_sum3A_83 : i1 to vector<16xi1>
    %reduce_sum3A_85 = tpu.scan <sum>, %convert_element_type3A_82 masked %reduce_sum3A_84 : vector<16xi32>, vector<16xi1> -> vector<16xi32>
    %reduce_sum3A_86 = vector.extract %reduce_sum3A_85[15] : i32 from vector<16xi32>
    %add3A_87 = arith.addi %add3A_78, %reduce_sum3A_86 : i32
    %eq3A_88 = arith.constant 1 : i32
    %eq3A_89 = vector.broadcast %eq3A_88 : i32 to vector<16xi32>
    %eq3A_90 = arith.cmpi eq, %get3A_18, %eq3A_89 : vector<16xi32>
    %convert_element_type3A_91 = arith.extui %eq3A_90 : vector<16xi1> to vector<16xi32>
    %reduce_sum3A_92 = arith.constant true
    %reduce_sum3A_93 = vector.broadcast %reduce_sum3A_92 : i1 to vector<16xi1>
    %reduce_sum3A_94 = tpu.scan <sum>, %convert_element_type3A_91 masked %reduce_sum3A_93 : vector<16xi32>, vector<16xi1> -> vector<16xi32>
    %reduce_sum3A_95 = vector.extract %reduce_sum3A_94[15] : i32 from vector<16xi32>
    %add3A_96 = arith.addi %add3A_87, %reduce_sum3A_95 : i32
    %eq3A_97 = arith.constant 1 : i32
    %eq3A_98 = vector.broadcast %eq3A_97 : i32 to vector<16xi32>
    %eq3A_99 = arith.cmpi eq, %iota3A, %eq3A_98 : vector<16xi32>
    %jit3A_100 = arith.constant 0 : i32
    %broadcast_in_dim3A_101 = vector.broadcast %add3A_96 : i32 to vector<16xi32>
    %broadcast_in_dim3A_102 = vector.broadcast %jit3A_100 : i32 to vector<16xi32>
    %select_n3A_103 = arith.select %eq3A_99, %broadcast_in_dim3A_101, %broadcast_in_dim3A_102 : vector<16xi1>, vector<16xi32>
    %add3A_104 = arith.addi %add3A_59, %select_n3A_103 : vector<16xi32>
    %eq3A_105 = arith.constant 2 : i32
    %eq3A_106 = vector.broadcast %eq3A_105 : i32 to vector<16xi32>
    %eq3A_107 = arith.cmpi eq, %get3A_12, %eq3A_106 : vector<16xi32>
    %convert_element_type3A_108 = arith.extui %eq3A_107 : vector<16xi1> to vector<16xi32>
    %reduce_sum3A_109 = arith.constant true
    %reduce_sum3A_110 = vector.broadcast %reduce_sum3A_109 : i1 to vector<16xi1>
    %reduce_sum3A_111 = tpu.scan <sum>, %convert_element_type3A_108 masked %reduce_sum3A_110 : vector<16xi32>, vector<16xi1> -> vector<16xi32>
    %reduce_sum3A_112 = vector.extract %reduce_sum3A_111[15] : i32 from vector<16xi32>
    %add3A_113 = arith.constant 0 : i32
    %add3A_114 = arith.addi %add3A_113, %reduce_sum3A_112 : i32
    %eq3A_115 = arith.constant 2 : i32
    %eq3A_116 = vector.broadcast %eq3A_115 : i32 to vector<16xi32>
    %eq3A_117 = arith.cmpi eq, %get3A_14, %eq3A_116 : vector<16xi32>
    %convert_element_type3A_118 = arith.extui %eq3A_117 : vector<16xi1> to vector<16xi32>
    %reduce_sum3A_119 = arith.constant true
    %reduce_sum3A_120 = vector.broadcast %reduce_sum3A_119 : i1 to vector<16xi1>
    %reduce_sum3A_121 = tpu.scan <sum>, %convert_element_type3A_118 masked %reduce_sum3A_120 : vector<16xi32>, vector<16xi1> -> vector<16xi32>
    %reduce_sum3A_122 = vector.extract %reduce_sum3A_121[15] : i32 from vector<16xi32>
    %add3A_123 = arith.addi %add3A_114, %reduce_sum3A_122 : i32
    %eq3A_124 = arith.constant 2 : i32
    %eq3A_125 = vector.broadcast %eq3A_124 : i32 to vector<16xi32>
    %eq3A_126 = arith.cmpi eq, %get3A_16, %eq3A_125 : vector<16xi32>
    %convert_element_type3A_127 = arith.extui %eq3A_126 : vector<16xi1> to vector<16xi32>
    %reduce_sum3A_128 = arith.constant true
    %reduce_sum3A_129 = vector.broadcast %reduce_sum3A_128 : i1 to vector<16xi1>
    %reduce_sum3A_130 = tpu.scan <sum>, %convert_element_type3A_127 masked %reduce_sum3A_129 : vector<16xi32>, vector<16xi1> -> vector<16xi32>
    %reduce_sum3A_131 = vector.extract %reduce_sum3A_130[15] : i32 from vector<16xi32>
    %add3A_132 = arith.addi %add3A_123, %reduce_sum3A_131 : i32
    %eq3A_133 = arith.constant 2 : i32
    %eq3A_134 = vector.broadcast %eq3A_133 : i32 to vector<16xi32>
    %eq3A_135 = arith.cmpi eq, %get3A_18, %eq3A_134 : vector<16xi32>
    %convert_element_type3A_136 = arith.extui %eq3A_135 : vector<16xi1> to vector<16xi32>
    %reduce_sum3A_137 = arith.constant true
    %reduce_sum3A_138 = vector.broadcast %reduce_sum3A_137 : i1 to vector<16xi1>
    %reduce_sum3A_139 = tpu.scan <sum>, %convert_element_type3A_136 masked %reduce_sum3A_138 : vector<16xi32>, vector<16xi1> -> vector<16xi32>
    %reduce_sum3A_140 = vector.extract %reduce_sum3A_139[15] : i32 from vector<16xi32>
    %add3A_141 = arith.addi %add3A_132, %reduce_sum3A_140 : i32
    %eq3A_142 = arith.constant 2 : i32
    %eq3A_143 = vector.broadcast %eq3A_142 : i32 to vector<16xi32>
    %eq3A_144 = arith.cmpi eq, %iota3A, %eq3A_143 : vector<16xi32>
    %jit3A_145 = arith.constant 0 : i32
    %broadcast_in_dim3A_146 = vector.broadcast %add3A_141 : i32 to vector<16xi32>
    %broadcast_in_dim3A_147 = vector.broadcast %jit3A_145 : i32 to vector<16xi32>
    %select_n3A_148 = arith.select %eq3A_144, %broadcast_in_dim3A_146, %broadcast_in_dim3A_147 : vector<16xi1>, vector<16xi32>
    %add3A_149 = arith.addi %add3A_104, %select_n3A_148 : vector<16xi32>
    %eq3A_150 = arith.constant 3 : i32
    %eq3A_151 = vector.broadcast %eq3A_150 : i32 to vector<16xi32>
    %eq3A_152 = arith.cmpi eq, %get3A_12, %eq3A_151 : vector<16xi32>
    %convert_element_type3A_153 = arith.extui %eq3A_152 : vector<16xi1> to vector<16xi32>
    %reduce_sum3A_154 = arith.constant true
    %reduce_sum3A_155 = vector.broadcast %reduce_sum3A_154 : i1 to vector<16xi1>
    %reduce_sum3A_156 = tpu.scan <sum>, %convert_element_type3A_153 masked %reduce_sum3A_155 : vector<16xi32>, vector<16xi1> -> vector<16xi32>
    %reduce_sum3A_157 = vector.extract %reduce_sum3A_156[15] : i32 from vector<16xi32>
    %add3A_158 = arith.constant 0 : i32
    %add3A_159 = arith.addi %add3A_158, %reduce_sum3A_157 : i32
    %eq3A_160 = arith.constant 3 : i32
    %eq3A_161 = vector.broadcast %eq3A_160 : i32 to vector<16xi32>
    %eq3A_162 = arith.cmpi eq, %get3A_14, %eq3A_161 : vector<16xi32>
    %convert_element_type3A_163 = arith.extui %eq3A_162 : vector<16xi1> to vector<16xi32>
    %reduce_sum3A_164 = arith.constant true
    %reduce_sum3A_165 = vector.broadcast %reduce_sum3A_164 : i1 to vector<16xi1>
    %reduce_sum3A_166 = tpu.scan <sum>, %convert_element_type3A_163 masked %reduce_sum3A_165 : vector<16xi32>, vector<16xi1> -> vector<16xi32>
    %reduce_sum3A_167 = vector.extract %reduce_sum3A_166[15] : i32 from vector<16xi32>
    %add3A_168 = arith.addi %add3A_159, %reduce_sum3A_167 : i32
    %eq3A_169 = arith.constant 3 : i32
    %eq3A_170 = vector.broadcast %eq3A_169 : i32 to vector<16xi32>
    %eq3A_171 = arith.cmpi eq, %get3A_16, %eq3A_170 : vector<16xi32>
    %convert_element_type3A_172 = arith.extui %eq3A_171 : vector<16xi1> to vector<16xi32>
    %reduce_sum3A_173 = arith.constant true
    %reduce_sum3A_174 = vector.broadcast %reduce_sum3A_173 : i1 to vector<16xi1>
    %reduce_sum3A_175 = tpu.scan <sum>, %convert_element_type3A_172 masked %reduce_sum3A_174 : vector<16xi32>, vector<16xi1> -> vector<16xi32>
    %reduce_sum3A_176 = vector.extract %reduce_sum3A_175[15] : i32 from vector<16xi32>
    %add3A_177 = arith.addi %add3A_168, %reduce_sum3A_176 : i32
    %eq3A_178 = arith.constant 3 : i32
    %eq3A_179 = vector.broadcast %eq3A_178 : i32 to vector<16xi32>
    %eq3A_180 = arith.cmpi eq, %get3A_18, %eq3A_179 : vector<16xi32>
    %convert_element_type3A_181 = arith.extui %eq3A_180 : vector<16xi1> to vector<16xi32>
    %reduce_sum3A_182 = arith.constant true
    %reduce_sum3A_183 = vector.broadcast %reduce_sum3A_182 : i1 to vector<16xi1>
    %reduce_sum3A_184 = tpu.scan <sum>, %convert_element_type3A_181 masked %reduce_sum3A_183 : vector<16xi32>, vector<16xi1> -> vector<16xi32>
    %reduce_sum3A_185 = vector.extract %reduce_sum3A_184[15] : i32 from vector<16xi32>
    %add3A_186 = arith.addi %add3A_177, %reduce_sum3A_185 : i32
    %eq3A_187 = arith.constant 3 : i32
    %eq3A_188 = vector.broadcast %eq3A_187 : i32 to vector<16xi32>
    %eq3A_189 = arith.cmpi eq, %iota3A, %eq3A_188 : vector<16xi32>
    %jit3A_190 = arith.constant 0 : i32
    %broadcast_in_dim3A_191 = vector.broadcast %add3A_186 : i32 to vector<16xi32>
    %broadcast_in_dim3A_192 = vector.broadcast %jit3A_190 : i32 to vector<16xi32>
    %select_n3A_193 = arith.select %eq3A_189, %broadcast_in_dim3A_191, %broadcast_in_dim3A_192 : vector<16xi1>, vector<16xi32>
    %add3A_194 = arith.addi %add3A_149, %select_n3A_193 : vector<16xi32>
    %eq3A_195 = arith.constant 4 : i32
    %eq3A_196 = vector.broadcast %eq3A_195 : i32 to vector<16xi32>
    %eq3A_197 = arith.cmpi eq, %get3A_12, %eq3A_196 : vector<16xi32>
    %convert_element_type3A_198 = arith.extui %eq3A_197 : vector<16xi1> to vector<16xi32>
    %reduce_sum3A_199 = arith.constant true
    %reduce_sum3A_200 = vector.broadcast %reduce_sum3A_199 : i1 to vector<16xi1>
    %reduce_sum3A_201 = tpu.scan <sum>, %convert_element_type3A_198 masked %reduce_sum3A_200 : vector<16xi32>, vector<16xi1> -> vector<16xi32>
    %reduce_sum3A_202 = vector.extract %reduce_sum3A_201[15] : i32 from vector<16xi32>
    %add3A_203 = arith.constant 0 : i32
    %add3A_204 = arith.addi %add3A_203, %reduce_sum3A_202 : i32
    %eq3A_205 = arith.constant 4 : i32
    %eq3A_206 = vector.broadcast %eq3A_205 : i32 to vector<16xi32>
    %eq3A_207 = arith.cmpi eq, %get3A_14, %eq3A_206 : vector<16xi32>
    %convert_element_type3A_208 = arith.extui %eq3A_207 : vector<16xi1> to vector<16xi32>
    %reduce_sum3A_209 = arith.constant true
    %reduce_sum3A_210 = vector.broadcast %reduce_sum3A_209 : i1 to vector<16xi1>
    %reduce_sum3A_211 = tpu.scan <sum>, %convert_element_type3A_208 masked %reduce_sum3A_210 : vector<16xi32>, vector<16xi1> -> vector<16xi32>
    %reduce_sum3A_212 = vector.extract %reduce_sum3A_211[15] : i32 from vector<16xi32>
    %add3A_213 = arith.addi %add3A_204, %reduce_sum3A_212 : i32
    %eq3A_214 = arith.constant 4 : i32
    %eq3A_215 = vector.broadcast %eq3A_214 : i32 to vector<16xi32>
    %eq3A_216 = arith.cmpi eq, %get3A_16, %eq3A_215 : vector<16xi32>
    %convert_element_type3A_217 = arith.extui %eq3A_216 : vector<16xi1> to vector<16xi32>
    %reduce_sum3A_218 = arith.constant true
    %reduce_sum3A_219 = vector.broadcast %reduce_sum3A_218 : i1 to vector<16xi1>
    %reduce_sum3A_220 = tpu.scan <sum>, %convert_element_type3A_217 masked %reduce_sum3A_219 : vector<16xi32>, vector<16xi1> -> vector<16xi32>
    %reduce_sum3A_221 = vector.extract %reduce_sum3A_220[15] : i32 from vector<16xi32>
    %add3A_222 = arith.addi %add3A_213, %reduce_sum3A_221 : i32
    %eq3A_223 = arith.constant 4 : i32
    %eq3A_224 = vector.broadcast %eq3A_223 : i32 to vector<16xi32>
    %eq3A_225 = arith.cmpi eq, %get3A_18, %eq3A_224 : vector<16xi32>
    %convert_element_type3A_226 = arith.extui %eq3A_225 : vector<16xi1> to vector<16xi32>
    %reduce_sum3A_227 = arith.constant true
    %reduce_sum3A_228 = vector.broadcast %reduce_sum3A_227 : i1 to vector<16xi1>
    %reduce_sum3A_229 = tpu.scan <sum>, %convert_element_type3A_226 masked %reduce_sum3A_228 : vector<16xi32>, vector<16xi1> -> vector<16xi32>
    %reduce_sum3A_230 = vector.extract %reduce_sum3A_229[15] : i32 from vector<16xi32>
    %add3A_231 = arith.addi %add3A_222, %reduce_sum3A_230 : i32
    %eq3A_232 = arith.constant 4 : i32
    %eq3A_233 = vector.broadcast %eq3A_232 : i32 to vector<16xi32>
    %eq3A_234 = arith.cmpi eq, %iota3A, %eq3A_233 : vector<16xi32>
    %jit3A_235 = arith.constant 0 : i32
    %broadcast_in_dim3A_236 = vector.broadcast %add3A_231 : i32 to vector<16xi32>
    %broadcast_in_dim3A_237 = vector.broadcast %jit3A_235 : i32 to vector<16xi32>
    %select_n3A_238 = arith.select %eq3A_234, %broadcast_in_dim3A_236, %broadcast_in_dim3A_237 : vector<16xi1>, vector<16xi32>
    %add3A_239 = arith.addi %add3A_194, %select_n3A_238 : vector<16xi32>
    %eq3A_240 = arith.constant 5 : i32
    %eq3A_241 = vector.broadcast %eq3A_240 : i32 to vector<16xi32>
    %eq3A_242 = arith.cmpi eq, %get3A_12, %eq3A_241 : vector<16xi32>
    %convert_element_type3A_243 = arith.extui %eq3A_242 : vector<16xi1> to vector<16xi32>
    %reduce_sum3A_244 = arith.constant true
    %reduce_sum3A_245 = vector.broadcast %reduce_sum3A_244 : i1 to vector<16xi1>
    %reduce_sum3A_246 = tpu.scan <sum>, %convert_element_type3A_243 masked %reduce_sum3A_245 : vector<16xi32>, vector<16xi1> -> vector<16xi32>
    %reduce_sum3A_247 = vector.extract %reduce_sum3A_246[15] : i32 from vector<16xi32>
    %add3A_248 = arith.constant 0 : i32
    %add3A_249 = arith.addi %add3A_248, %reduce_sum3A_247 : i32
    %eq3A_250 = arith.constant 5 : i32
    %eq3A_251 = vector.broadcast %eq3A_250 : i32 to vector<16xi32>
    %eq3A_252 = arith.cmpi eq, %get3A_14, %eq3A_251 : vector<16xi32>
    %convert_element_type3A_253 = arith.extui %eq3A_252 : vector<16xi1> to vector<16xi32>
    %reduce_sum3A_254 = arith.constant true
    %reduce_sum3A_255 = vector.broadcast %reduce_sum3A_254 : i1 to vector<16xi1>
    %reduce_sum3A_256 = tpu.scan <sum>, %convert_element_type3A_253 masked %reduce_sum3A_255 : vector<16xi32>, vector<16xi1> -> vector<16xi32>
    %reduce_sum3A_257 = vector.extract %reduce_sum3A_256[15] : i32 from vector<16xi32>
    %add3A_258 = arith.addi %add3A_249, %reduce_sum3A_257 : i32
    %eq3A_259 = arith.constant 5 : i32
    %eq3A_260 = vector.broadcast %eq3A_259 : i32 to vector<16xi32>
    %eq3A_261 = arith.cmpi eq, %get3A_16, %eq3A_260 : vector<16xi32>
    %convert_element_type3A_262 = arith.extui %eq3A_261 : vector<16xi1> to vector<16xi32>
    %reduce_sum3A_263 = arith.constant true
    %reduce_sum3A_264 = vector.broadcast %reduce_sum3A_263 : i1 to vector<16xi1>
    %reduce_sum3A_265 = tpu.scan <sum>, %convert_element_type3A_262 masked %reduce_sum3A_264 : vector<16xi32>, vector<16xi1> -> vector<16xi32>
    %reduce_sum3A_266 = vector.extract %reduce_sum3A_265[15] : i32 from vector<16xi32>
    %add3A_267 = arith.addi %add3A_258, %reduce_sum3A_266 : i32
    %eq3A_268 = arith.constant 5 : i32
    %eq3A_269 = vector.broadcast %eq3A_268 : i32 to vector<16xi32>
    %eq3A_270 = arith.cmpi eq, %get3A_18, %eq3A_269 : vector<16xi32>
    %convert_element_type3A_271 = arith.extui %eq3A_270 : vector<16xi1> to vector<16xi32>
    %reduce_sum3A_272 = arith.constant true
    %reduce_sum3A_273 = vector.broadcast %reduce_sum3A_272 : i1 to vector<16xi1>
    %reduce_sum3A_274 = tpu.scan <sum>, %convert_element_type3A_271 masked %reduce_sum3A_273 : vector<16xi32>, vector<16xi1> -> vector<16xi32>
    %reduce_sum3A_275 = vector.extract %reduce_sum3A_274[15] : i32 from vector<16xi32>
    %add3A_276 = arith.addi %add3A_267, %reduce_sum3A_275 : i32
    %eq3A_277 = arith.constant 5 : i32
    %eq3A_278 = vector.broadcast %eq3A_277 : i32 to vector<16xi32>
    %eq3A_279 = arith.cmpi eq, %iota3A, %eq3A_278 : vector<16xi32>
    %jit3A_280 = arith.constant 0 : i32
    %broadcast_in_dim3A_281 = vector.broadcast %add3A_276 : i32 to vector<16xi32>
    %broadcast_in_dim3A_282 = vector.broadcast %jit3A_280 : i32 to vector<16xi32>
    %select_n3A_283 = arith.select %eq3A_279, %broadcast_in_dim3A_281, %broadcast_in_dim3A_282 : vector<16xi1>, vector<16xi32>
    %add3A_284 = arith.addi %add3A_239, %select_n3A_283 : vector<16xi32>
    %eq3A_285 = arith.constant 6 : i32
    %eq3A_286 = vector.broadcast %eq3A_285 : i32 to vector<16xi32>
    %eq3A_287 = arith.cmpi eq, %get3A_12, %eq3A_286 : vector<16xi32>
    %convert_element_type3A_288 = arith.extui %eq3A_287 : vector<16xi1> to vector<16xi32>
    %reduce_sum3A_289 = arith.constant true
    %reduce_sum3A_290 = vector.broadcast %reduce_sum3A_289 : i1 to vector<16xi1>
    %reduce_sum3A_291 = tpu.scan <sum>, %convert_element_type3A_288 masked %reduce_sum3A_290 : vector<16xi32>, vector<16xi1> -> vector<16xi32>
    %reduce_sum3A_292 = vector.extract %reduce_sum3A_291[15] : i32 from vector<16xi32>
    %add3A_293 = arith.constant 0 : i32
    %add3A_294 = arith.addi %add3A_293, %reduce_sum3A_292 : i32
    %eq3A_295 = arith.constant 6 : i32
    %eq3A_296 = vector.broadcast %eq3A_295 : i32 to vector<16xi32>
    %eq3A_297 = arith.cmpi eq, %get3A_14, %eq3A_296 : vector<16xi32>
    %convert_element_type3A_298 = arith.extui %eq3A_297 : vector<16xi1> to vector<16xi32>
    %reduce_sum3A_299 = arith.constant true
    %reduce_sum3A_300 = vector.broadcast %reduce_sum3A_299 : i1 to vector<16xi1>
    %reduce_sum3A_301 = tpu.scan <sum>, %convert_element_type3A_298 masked %reduce_sum3A_300 : vector<16xi32>, vector<16xi1> -> vector<16xi32>
    %reduce_sum3A_302 = vector.extract %reduce_sum3A_301[15] : i32 from vector<16xi32>
    %add3A_303 = arith.addi %add3A_294, %reduce_sum3A_302 : i32
    %eq3A_304 = arith.constant 6 : i32
    %eq3A_305 = vector.broadcast %eq3A_304 : i32 to vector<16xi32>
    %eq3A_306 = arith.cmpi eq, %get3A_16, %eq3A_305 : vector<16xi32>
    %convert_element_type3A_307 = arith.extui %eq3A_306 : vector<16xi1> to vector<16xi32>
    %reduce_sum3A_308 = arith.constant true
    %reduce_sum3A_309 = vector.broadcast %reduce_sum3A_308 : i1 to vector<16xi1>
    %reduce_sum3A_310 = tpu.scan <sum>, %convert_element_type3A_307 masked %reduce_sum3A_309 : vector<16xi32>, vector<16xi1> -> vector<16xi32>
    %reduce_sum3A_311 = vector.extract %reduce_sum3A_310[15] : i32 from vector<16xi32>
    %add3A_312 = arith.addi %add3A_303, %reduce_sum3A_311 : i32
    %eq3A_313 = arith.constant 6 : i32
    %eq3A_314 = vector.broadcast %eq3A_313 : i32 to vector<16xi32>
    %eq3A_315 = arith.cmpi eq, %get3A_18, %eq3A_314 : vector<16xi32>
    %convert_element_type3A_316 = arith.extui %eq3A_315 : vector<16xi1> to vector<16xi32>
    %reduce_sum3A_317 = arith.constant true
    %reduce_sum3A_318 = vector.broadcast %reduce_sum3A_317 : i1 to vector<16xi1>
    %reduce_sum3A_319 = tpu.scan <sum>, %convert_element_type3A_316 masked %reduce_sum3A_318 : vector<16xi32>, vector<16xi1> -> vector<16xi32>
    %reduce_sum3A_320 = vector.extract %reduce_sum3A_319[15] : i32 from vector<16xi32>
    %add3A_321 = arith.addi %add3A_312, %reduce_sum3A_320 : i32
    %eq3A_322 = arith.constant 6 : i32
    %eq3A_323 = vector.broadcast %eq3A_322 : i32 to vector<16xi32>
    %eq3A_324 = arith.cmpi eq, %iota3A, %eq3A_323 : vector<16xi32>
    %jit3A_325 = arith.constant 0 : i32
    %broadcast_in_dim3A_326 = vector.broadcast %add3A_321 : i32 to vector<16xi32>
    %broadcast_in_dim3A_327 = vector.broadcast %jit3A_325 : i32 to vector<16xi32>
    %select_n3A_328 = arith.select %eq3A_324, %broadcast_in_dim3A_326, %broadcast_in_dim3A_327 : vector<16xi1>, vector<16xi32>
    %add3A_329 = arith.addi %add3A_284, %select_n3A_328 : vector<16xi32>
    %eq3A_330 = arith.constant 7 : i32
    %eq3A_331 = vector.broadcast %eq3A_330 : i32 to vector<16xi32>
    %eq3A_332 = arith.cmpi eq, %get3A_12, %eq3A_331 : vector<16xi32>
    %convert_element_type3A_333 = arith.extui %eq3A_332 : vector<16xi1> to vector<16xi32>
    %reduce_sum3A_334 = arith.constant true
    %reduce_sum3A_335 = vector.broadcast %reduce_sum3A_334 : i1 to vector<16xi1>
    %reduce_sum3A_336 = tpu.scan <sum>, %convert_element_type3A_333 masked %reduce_sum3A_335 : vector<16xi32>, vector<16xi1> -> vector<16xi32>
    %reduce_sum3A_337 = vector.extract %reduce_sum3A_336[15] : i32 from vector<16xi32>
    %add3A_338 = arith.constant 0 : i32
    %add3A_339 = arith.addi %add3A_338, %reduce_sum3A_337 : i32
    %eq3A_340 = arith.constant 7 : i32
    %eq3A_341 = vector.broadcast %eq3A_340 : i32 to vector<16xi32>
    %eq3A_342 = arith.cmpi eq, %get3A_14, %eq3A_341 : vector<16xi32>
    %convert_element_type3A_343 = arith.extui %eq3A_342 : vector<16xi1> to vector<16xi32>
    %reduce_sum3A_344 = arith.constant true
    %reduce_sum3A_345 = vector.broadcast %reduce_sum3A_344 : i1 to vector<16xi1>
    %reduce_sum3A_346 = tpu.scan <sum>, %convert_element_type3A_343 masked %reduce_sum3A_345 : vector<16xi32>, vector<16xi1> -> vector<16xi32>
    %reduce_sum3A_347 = vector.extract %reduce_sum3A_346[15] : i32 from vector<16xi32>
    %add3A_348 = arith.addi %add3A_339, %reduce_sum3A_347 : i32
    %eq3A_349 = arith.constant 7 : i32
    %eq3A_350 = vector.broadcast %eq3A_349 : i32 to vector<16xi32>
    %eq3A_351 = arith.cmpi eq, %get3A_16, %eq3A_350 : vector<16xi32>
    %convert_element_type3A_352 = arith.extui %eq3A_351 : vector<16xi1> to vector<16xi32>
    %reduce_sum3A_353 = arith.constant true
    %reduce_sum3A_354 = vector.broadcast %reduce_sum3A_353 : i1 to vector<16xi1>
    %reduce_sum3A_355 = tpu.scan <sum>, %convert_element_type3A_352 masked %reduce_sum3A_354 : vector<16xi32>, vector<16xi1> -> vector<16xi32>
    %reduce_sum3A_356 = vector.extract %reduce_sum3A_355[15] : i32 from vector<16xi32>
    %add3A_357 = arith.addi %add3A_348, %reduce_sum3A_356 : i32
    %eq3A_358 = arith.constant 7 : i32
    %eq3A_359 = vector.broadcast %eq3A_358 : i32 to vector<16xi32>
    %eq3A_360 = arith.cmpi eq, %get3A_18, %eq3A_359 : vector<16xi32>
    %convert_element_type3A_361 = arith.extui %eq3A_360 : vector<16xi1> to vector<16xi32>
    %reduce_sum3A_362 = arith.constant true
    %reduce_sum3A_363 = vector.broadcast %reduce_sum3A_362 : i1 to vector<16xi1>
    %reduce_sum3A_364 = tpu.scan <sum>, %convert_element_type3A_361 masked %reduce_sum3A_363 : vector<16xi32>, vector<16xi1> -> vector<16xi32>
    %reduce_sum3A_365 = vector.extract %reduce_sum3A_364[15] : i32 from vector<16xi32>
    %add3A_366 = arith.addi %add3A_357, %reduce_sum3A_365 : i32
    %eq3A_367 = arith.constant 7 : i32
    %eq3A_368 = vector.broadcast %eq3A_367 : i32 to vector<16xi32>
    %eq3A_369 = arith.cmpi eq, %iota3A, %eq3A_368 : vector<16xi32>
    %jit3A_370 = arith.constant 0 : i32
    %broadcast_in_dim3A_371 = vector.broadcast %add3A_366 : i32 to vector<16xi32>
    %broadcast_in_dim3A_372 = vector.broadcast %jit3A_370 : i32 to vector<16xi32>
    %select_n3A_373 = arith.select %eq3A_369, %broadcast_in_dim3A_371, %broadcast_in_dim3A_372 : vector<16xi1>, vector<16xi32>
    %add3A_374 = arith.addi %add3A_329, %select_n3A_373 : vector<16xi32>
    %swap3A = arith.constant 0 : index
    %swap3A_375 = tpu.vector_load %arg15[%swap3A] {strides = array<i32>} : memref<16xi32, #tpu.memory_space<vmem>>, vector<16xi32>,
    tpu.vector_store %arg15[%swap3A], %add3A_374 {strides = array<i32>} : memref<16xi32, #tpu.memory_space<vmem>>, vector<16xi32>,
    "tpu.region"() ({
      %run_scoped3A = tpu.sem_alloc : memref<!tpu.dma_semaphore, #tpu.memory_space<semaphore_mem>>
      %dma_start3A_1896 = arith.constant 0 : i32
      %dma_start3A_1897 = tpu.memref_slice %arg10[%add3A, %dma_start3A_1896] : memref<32x16xi32, #tpu.memory_space<hbm>> -> memref<1x16xi32, #tpu.memory_space<hbm>>
      %dma_start3A_1898 = tpu.memref_squeeze %dma_start3A_1897 : memref<1x16xi32, #tpu.memory_space<hbm>> -> memref<16xi32, #tpu.memory_space<hbm>>
      %dma_start3A_1899 = arith.constant 0 : i32
      %dma_start3A_1900 = tpu.memref_slice %arg10[%add3A, %dma_start3A_1899] : memref<32x16xi32, #tpu.memory_space<hbm>> -> memref<1x16xi32, #tpu.memory_space<hbm>>
      %dma_start3A_1901 = tpu.memref_squeeze %dma_start3A_1900 : memref<1x16xi32, #tpu.memory_space<hbm>> -> memref<16xi32, #tpu.memory_space<hbm>>
      tpu.enqueue_dma source(%arg15 : memref<16xi32, #tpu.memory_space<vmem>>) target(%dma_start3A_1901 : memref<16xi32, #tpu.memory_space<hbm>>) target_semaphore(%run_scoped3A : memref<!tpu.dma_semaphore, #tpu.memory_space<semaphore_mem>>)
      %dma_wait3A_1902 = arith.constant 0 : i32
      %dma_wait3A_1903 = tpu.memref_slice %arg10[%add3A, %dma_wait3A_1902] : memref<32x16xi32, #tpu.memory_space<hbm>> -> memref<1x16xi32, #tpu.memory_space<hbm>>
      %dma_wait3A_1904 = tpu.memref_squeeze %dma_wait3A_1903 : memref<1x16xi32, #tpu.memory_space<hbm>> -> memref<16xi32, #tpu.memory_space<hbm>>
      %dma_wait3A_1905 = arith.constant 0 : i32
      %dma_wait3A_1906 = tpu.memref_slice %arg10[%add3A, %dma_wait3A_1905] : memref<32x16xi32, #tpu.memory_space<hbm>> -> memref<1x16xi32, #tpu.memory_space<hbm>>
      %dma_wait3A_1907 = tpu.memref_squeeze %dma_wait3A_1906 : memref<1x16xi32, #tpu.memory_space<hbm>> -> memref<16xi32, #tpu.memory_space<hbm>>
      tpu.wait_dma2 semaphore(%run_scoped3A : memref<!tpu.dma_semaphore, #tpu.memory_space<semaphore_mem>>) src(%arg15 : memref<16xi32, #tpu.memory_space<vmem>>) dst(%dma_wait3A_1907 : memref<16xi32, #tpu.memory_space<hbm>>)
      tpu.yield
    }) : () -> ()
    %get3A_376 = arith.constant 0 : index
    %get3A_377 = tpu.vector_load %arg12[%get3A_376] {strides = array<i32>} : memref<64xi32, #tpu.memory_space<vmem>>, vector<16xi32>,
    %get3A_378 = arith.constant 16 : index
    %get3A_379 = tpu.vector_load %arg12[%get3A_378] {strides = array<i32>} : memref<64xi32, #tpu.memory_space<vmem>>, vector<16xi32>,
    %get3A_380 = arith.constant 32 : index
    %get3A_381 = tpu.vector_load %arg12[%get3A_380] {strides = array<i32>} : memref<64xi32, #tpu.memory_space<vmem>>, vector<16xi32>,
    %get3A_382 = arith.constant 48 : index
    %get3A_383 = tpu.vector_load %arg12[%get3A_382] {strides = array<i32>} : memref<64xi32, #tpu.memory_space<vmem>>, vector<16xi32>,
    %broadcast_in_dim3A_384 = arith.constant 0 : i32
    %broadcast_in_dim3A_385 = vector.broadcast %broadcast_in_dim3A_384 : i32 to vector<16xi32>
    %eq3A_386 = arith.constant 0 : i32
    %eq3A_387 = vector.broadcast %eq3A_386 : i32 to vector<16xi32>
    %eq3A_388 = arith.cmpi eq, %get3A_377, %eq3A_387 : vector<16xi32>
    %convert_element_type3A_389 = arith.extui %eq3A_388 : vector<16xi1> to vector<16xi32>
    %reduce_sum3A_390 = arith.constant true
    %reduce_sum3A_391 = vector.broadcast %reduce_sum3A_390 : i1 to vector<16xi1>
    %reduce_sum3A_392 = tpu.scan <sum>, %convert_element_type3A_389 masked %reduce_sum3A_391 : vector<16xi32>, vector<16xi1> -> vector<16xi32>
    %reduce_sum3A_393 = vector.extract %reduce_sum3A_392[15] : i32 from vector<16xi32>
    %add3A_394 = arith.constant 0 : i32
    %add3A_395 = arith.addi %add3A_394, %reduce_sum3A_393 : i32
    %eq3A_396 = arith.constant 0 : i32
    %eq3A_397 = vector.broadcast %eq3A_396 : i32 to vector<16xi32>
    %eq3A_398 = arith.cmpi eq, %get3A_379, %eq3A_397 : vector<16xi32>
    %convert_element_type3A_399 = arith.extui %eq3A_398 : vector<16xi1> to vector<16xi32>
    %reduce_sum3A_400 = arith.constant true
    %reduce_sum3A_401 = vector.broadcast %reduce_sum3A_400 : i1 to vector<16xi1>
    %reduce_sum3A_402 = tpu.scan <sum>, %convert_element_type3A_399 masked %reduce_sum3A_401 : vector<16xi32>, vector<16xi1> -> vector<16xi32>
    %reduce_sum3A_403 = vector.extract %reduce_sum3A_402[15] : i32 from vector<16xi32>
    %add3A_404 = arith.addi %add3A_395, %reduce_sum3A_403 : i32
    %eq3A_405 = arith.constant 0 : i32
    %eq3A_406 = vector.broadcast %eq3A_405 : i32 to vector<16xi32>
    %eq3A_407 = arith.cmpi eq, %get3A_381, %eq3A_406 : vector<16xi32>
    %convert_element_type3A_408 = arith.extui %eq3A_407 : vector<16xi1> to vector<16xi32>
    %reduce_sum3A_409 = arith.constant true
    %reduce_sum3A_410 = vector.broadcast %reduce_sum3A_409 : i1 to vector<16xi1>
    %reduce_sum3A_411 = tpu.scan <sum>, %convert_element_type3A_408 masked %reduce_sum3A_410 : vector<16xi32>, vector<16xi1> -> vector<16xi32>
    %reduce_sum3A_412 = vector.extract %reduce_sum3A_411[15] : i32 from vector<16xi32>
    %add3A_413 = arith.addi %add3A_404, %reduce_sum3A_412 : i32
    %eq3A_414 = arith.constant 0 : i32
    %eq3A_415 = vector.broadcast %eq3A_414 : i32 to vector<16xi32>
    %eq3A_416 = arith.cmpi eq, %get3A_383, %eq3A_415 : vector<16xi32>
    %convert_element_type3A_417 = arith.extui %eq3A_416 : vector<16xi1> to vector<16xi32>
    %reduce_sum3A_418 = arith.constant true
    %reduce_sum3A_419 = vector.broadcast %reduce_sum3A_418 : i1 to vector<16xi1>
    %reduce_sum3A_420 = tpu.scan <sum>, %convert_element_type3A_417 masked %reduce_sum3A_419 : vector<16xi32>, vector<16xi1> -> vector<16xi32>
    %reduce_sum3A_421 = vector.extract %reduce_sum3A_420[15] : i32 from vector<16xi32>
    %add3A_422 = arith.addi %add3A_413, %reduce_sum3A_421 : i32
    %eq3A_423 = arith.constant 0 : i32
    %eq3A_424 = vector.broadcast %eq3A_423 : i32 to vector<16xi32>
    %eq3A_425 = arith.cmpi eq, %iota3A, %eq3A_424 : vector<16xi32>
    %jit3A_426 = arith.constant 0 : i32
    %broadcast_in_dim3A_427 = vector.broadcast %add3A_422 : i32 to vector<16xi32>
    %broadcast_in_dim3A_428 = vector.broadcast %jit3A_426 : i32 to vector<16xi32>
    %select_n3A_429 = arith.select %eq3A_425, %broadcast_in_dim3A_427, %broadcast_in_dim3A_428 : vector<16xi1>, vector<16xi32>
    %add3A_430 = arith.addi %broadcast_in_dim3A_385, %select_n3A_429 : vector<16xi32>
    %eq3A_431 = arith.constant 1 : i32
    %eq3A_432 = vector.broadcast %eq3A_431 : i32 to vector<16xi32>
    %eq3A_433 = arith.cmpi eq, %get3A_377, %eq3A_432 : vector<16xi32>
    %convert_element_type3A_434 = arith.extui %eq3A_433 : vector<16xi1> to vector<16xi32>
    %reduce_sum3A_435 = arith.constant true
    %reduce_sum3A_436 = vector.broadcast %reduce_sum3A_435 : i1 to vector<16xi1>
    %reduce_sum3A_437 = tpu.scan <sum>, %convert_element_type3A_434 masked %reduce_sum3A_436 : vector<16xi32>, vector<16xi1> -> vector<16xi32>
    %reduce_sum3A_438 = vector.extract %reduce_sum3A_437[15] : i32 from vector<16xi32>
    %add3A_439 = arith.constant 0 : i32
    %add3A_440 = arith.addi %add3A_439, %reduce_sum3A_438 : i32
    %eq3A_441 = arith.constant 1 : i32
    %eq3A_442 = vector.broadcast %eq3A_441 : i32 to vector<16xi32>
    %eq3A_443 = arith.cmpi eq, %get3A_379, %eq3A_442 : vector<16xi32>
    %convert_element_type3A_444 = arith.extui %eq3A_443 : vector<16xi1> to vector<16xi32>
    %reduce_sum3A_445 = arith.constant true
    %reduce_sum3A_446 = vector.broadcast %reduce_sum3A_445 : i1 to vector<16xi1>
    %reduce_sum3A_447 = tpu.scan <sum>, %convert_element_type3A_444 masked %reduce_sum3A_446 : vector<16xi32>, vector<16xi1> -> vector<16xi32>
    %reduce_sum3A_448 = vector.extract %reduce_sum3A_447[15] : i32 from vector<16xi32>
    %add3A_449 = arith.addi %add3A_440, %reduce_sum3A_448 : i32
    %eq3A_450 = arith.constant 1 : i32
    %eq3A_451 = vector.broadcast %eq3A_450 : i32 to vector<16xi32>
    %eq3A_452 = arith.cmpi eq, %get3A_381, %eq3A_451 : vector<16xi32>
    %convert_element_type3A_453 = arith.extui %eq3A_452 : vector<16xi1> to vector<16xi32>
    %reduce_sum3A_454 = arith.constant true
    %reduce_sum3A_455 = vector.broadcast %reduce_sum3A_454 : i1 to vector<16xi1>
    %reduce_sum3A_456 = tpu.scan <sum>, %convert_element_type3A_453 masked %reduce_sum3A_455 : vector<16xi32>, vector<16xi1> -> vector<16xi32>
    %reduce_sum3A_457 = vector.extract %reduce_sum3A_456[15] : i32 from vector<16xi32>
    %add3A_458 = arith.addi %add3A_449, %reduce_sum3A_457 : i32
    %eq3A_459 = arith.constant 1 : i32
    %eq3A_460 = vector.broadcast %eq3A_459 : i32 to vector<16xi32>
    %eq3A_461 = arith.cmpi eq, %get3A_383, %eq3A_460 : vector<16xi32>
    %convert_element_type3A_462 = arith.extui %eq3A_461 : vector<16xi1> to vector<16xi32>
    %reduce_sum3A_463 = arith.constant true
    %reduce_sum3A_464 = vector.broadcast %reduce_sum3A_463 : i1 to vector<16xi1>
    %reduce_sum3A_465 = tpu.scan <sum>, %convert_element_type3A_462 masked %reduce_sum3A_464 : vector<16xi32>, vector<16xi1> -> vector<16xi32>
    %reduce_sum3A_466 = vector.extract %reduce_sum3A_465[15] : i32 from vector<16xi32>
    %add3A_467 = arith.addi %add3A_458, %reduce_sum3A_466 : i32
    %eq3A_468 = arith.constant 1 : i32
    %eq3A_469 = vector.broadcast %eq3A_468 : i32 to vector<16xi32>
    %eq3A_470 = arith.cmpi eq, %iota3A, %eq3A_469 : vector<16xi32>
    %jit3A_471 = arith.constant 0 : i32
    %broadcast_in_dim3A_472 = vector.broadcast %add3A_467 : i32 to vector<16xi32>
    %broadcast_in_dim3A_473 = vector.broadcast %jit3A_471 : i32 to vector<16xi32>
    %select_n3A_474 = arith.select %eq3A_470, %broadcast_in_dim3A_472, %broadcast_in_dim3A_473 : vector<16xi1>, vector<16xi32>
    %add3A_475 = arith.addi %add3A_430, %select_n3A_474 : vector<16xi32>
    %eq3A_476 = arith.constant 2 : i32
    %eq3A_477 = vector.broadcast %eq3A_476 : i32 to vector<16xi32>
    %eq3A_478 = arith.cmpi eq, %get3A_377, %eq3A_477 : vector<16xi32>
    %convert_element_type3A_479 = arith.extui %eq3A_478 : vector<16xi1> to vector<16xi32>
    %reduce_sum3A_480 = arith.constant true
    %reduce_sum3A_481 = vector.broadcast %reduce_sum3A_480 : i1 to vector<16xi1>
    %reduce_sum3A_482 = tpu.scan <sum>, %convert_element_type3A_479 masked %reduce_sum3A_481 : vector<16xi32>, vector<16xi1> -> vector<16xi32>
    %reduce_sum3A_483 = vector.extract %reduce_sum3A_482[15] : i32 from vector<16xi32>
    %add3A_484 = arith.constant 0 : i32
    %add3A_485 = arith.addi %add3A_484, %reduce_sum3A_483 : i32
    %eq3A_486 = arith.constant 2 : i32
    %eq3A_487 = vector.broadcast %eq3A_486 : i32 to vector<16xi32>
    %eq3A_488 = arith.cmpi eq, %get3A_379, %eq3A_487 : vector<16xi32>
    %convert_element_type3A_489 = arith.extui %eq3A_488 : vector<16xi1> to vector<16xi32>
    %reduce_sum3A_490 = arith.constant true
    %reduce_sum3A_491 = vector.broadcast %reduce_sum3A_490 : i1 to vector<16xi1>
    %reduce_sum3A_492 = tpu.scan <sum>, %convert_element_type3A_489 masked %reduce_sum3A_491 : vector<16xi32>, vector<16xi1> -> vector<16xi32>
    %reduce_sum3A_493 = vector.extract %reduce_sum3A_492[15] : i32 from vector<16xi32>
    %add3A_494 = arith.addi %add3A_485, %reduce_sum3A_493 : i32
    %eq3A_495 = arith.constant 2 : i32
    %eq3A_496 = vector.broadcast %eq3A_495 : i32 to vector<16xi32>
    %eq3A_497 = arith.cmpi eq, %get3A_381, %eq3A_496 : vector<16xi32>
    %convert_element_type3A_498 = arith.extui %eq3A_497 : vector<16xi1> to vector<16xi32>
    %reduce_sum3A_499 = arith.constant true
    %reduce_sum3A_500 = vector.broadcast %reduce_sum3A_499 : i1 to vector<16xi1>
    %reduce_sum3A_501 = tpu.scan <sum>, %convert_element_type3A_498 masked %reduce_sum3A_500 : vector<16xi32>, vector<16xi1> -> vector<16xi32>
    %reduce_sum3A_502 = vector.extract %reduce_sum3A_501[15] : i32 from vector<16xi32>
    %add3A_503 = arith.addi %add3A_494, %reduce_sum3A_502 : i32
    %eq3A_504 = arith.constant 2 : i32
    %eq3A_505 = vector.broadcast %eq3A_504 : i32 to vector<16xi32>
    %eq3A_506 = arith.cmpi eq, %get3A_383, %eq3A_505 : vector<16xi32>
    %convert_element_type3A_507 = arith.extui %eq3A_506 : vector<16xi1> to vector<16xi32>
    %reduce_sum3A_508 = arith.constant true
    %reduce_sum3A_509 = vector.broadcast %reduce_sum3A_508 : i1 to vector<16xi1>
    %reduce_sum3A_510 = tpu.scan <sum>, %convert_element_type3A_507 masked %reduce_sum3A_509 : vector<16xi32>, vector<16xi1> -> vector<16xi32>
    %reduce_sum3A_511 = vector.extract %reduce_sum3A_510[15] : i32 from vector<16xi32>
    %add3A_512 = arith.addi %add3A_503, %reduce_sum3A_511 : i32
    %eq3A_513 = arith.constant 2 : i32
    %eq3A_514 = vector.broadcast %eq3A_513 : i32 to vector<16xi32>
    %eq3A_515 = arith.cmpi eq, %iota3A, %eq3A_514 : vector<16xi32>
    %jit3A_516 = arith.constant 0 : i32
    %broadcast_in_dim3A_517 = vector.broadcast %add3A_512 : i32 to vector<16xi32>
    %broadcast_in_dim3A_518 = vector.broadcast %jit3A_516 : i32 to vector<16xi32>
    %select_n3A_519 = arith.select %eq3A_515, %broadcast_in_dim3A_517, %broadcast_in_dim3A_518 : vector<16xi1>, vector<16xi32>
    %add3A_520 = arith.addi %add3A_475, %select_n3A_519 : vector<16xi32>
    %eq3A_521 = arith.constant 3 : i32
    %eq3A_522 = vector.broadcast %eq3A_521 : i32 to vector<16xi32>
    %eq3A_523 = arith.cmpi eq, %get3A_377, %eq3A_522 : vector<16xi32>
    %convert_element_type3A_524 = arith.extui %eq3A_523 : vector<16xi1> to vector<16xi32>
    %reduce_sum3A_525 = arith.constant true
    %reduce_sum3A_526 = vector.broadcast %reduce_sum3A_525 : i1 to vector<16xi1>
    %reduce_sum3A_527 = tpu.scan <sum>, %convert_element_type3A_524 masked %reduce_sum3A_526 : vector<16xi32>, vector<16xi1> -> vector<16xi32>
    %reduce_sum3A_528 = vector.extract %reduce_sum3A_527[15] : i32 from vector<16xi32>
    %add3A_529 = arith.constant 0 : i32
    %add3A_530 = arith.addi %add3A_529, %reduce_sum3A_528 : i32
    %eq3A_531 = arith.constant 3 : i32
    %eq3A_532 = vector.broadcast %eq3A_531 : i32 to vector<16xi32>
    %eq3A_533 = arith.cmpi eq, %get3A_379, %eq3A_532 : vector<16xi32>
    %convert_element_type3A_534 = arith.extui %eq3A_533 : vector<16xi1> to vector<16xi32>
    %reduce_sum3A_535 = arith.constant true
    %reduce_sum3A_536 = vector.broadcast %reduce_sum3A_535 : i1 to vector<16xi1>
    %reduce_sum3A_537 = tpu.scan <sum>, %convert_element_type3A_534 masked %reduce_sum3A_536 : vector<16xi32>, vector<16xi1> -> vector<16xi32>
    %reduce_sum3A_538 = vector.extract %reduce_sum3A_537[15] : i32 from vector<16xi32>
    %add3A_539 = arith.addi %add3A_530, %reduce_sum3A_538 : i32
    %eq3A_540 = arith.constant 3 : i32
    %eq3A_541 = vector.broadcast %eq3A_540 : i32 to vector<16xi32>
    %eq3A_542 = arith.cmpi eq, %get3A_381, %eq3A_541 : vector<16xi32>
    %convert_element_type3A_543 = arith.extui %eq3A_542 : vector<16xi1> to vector<16xi32>
    %reduce_sum3A_544 = arith.constant true
    %reduce_sum3A_545 = vector.broadcast %reduce_sum3A_544 : i1 to vector<16xi1>
    %reduce_sum3A_546 = tpu.scan <sum>, %convert_element_type3A_543 masked %reduce_sum3A_545 : vector<16xi32>, vector<16xi1> -> vector<16xi32>
    %reduce_sum3A_547 = vector.extract %reduce_sum3A_546[15] : i32 from vector<16xi32>
    %add3A_548 = arith.addi %add3A_539, %reduce_sum3A_547 : i32
    %eq3A_549 = arith.constant 3 : i32
    %eq3A_550 = vector.broadcast %eq3A_549 : i32 to vector<16xi32>
    %eq3A_551 = arith.cmpi eq, %get3A_383, %eq3A_550 : vector<16xi32>
    %convert_element_type3A_552 = arith.extui %eq3A_551 : vector<16xi1> to vector<16xi32>
    %reduce_sum3A_553 = arith.constant true
    %reduce_sum3A_554 = vector.broadcast %reduce_sum3A_553 : i1 to vector<16xi1>
    %reduce_sum3A_555 = tpu.scan <sum>, %convert_element_type3A_552 masked %reduce_sum3A_554 : vector<16xi32>, vector<16xi1> -> vector<16xi32>
    %reduce_sum3A_556 = vector.extract %reduce_sum3A_555[15] : i32 from vector<16xi32>
    %add3A_557 = arith.addi %add3A_548, %reduce_sum3A_556 : i32
    %eq3A_558 = arith.constant 3 : i32
    %eq3A_559 = vector.broadcast %eq3A_558 : i32 to vector<16xi32>
    %eq3A_560 = arith.cmpi eq, %iota3A, %eq3A_559 : vector<16xi32>
    %jit3A_561 = arith.constant 0 : i32
    %broadcast_in_dim3A_562 = vector.broadcast %add3A_557 : i32 to vector<16xi32>
    %broadcast_in_dim3A_563 = vector.broadcast %jit3A_561 : i32 to vector<16xi32>
    %select_n3A_564 = arith.select %eq3A_560, %broadcast_in_dim3A_562, %broadcast_in_dim3A_563 : vector<16xi1>, vector<16xi32>
    %add3A_565 = arith.addi %add3A_520, %select_n3A_564 : vector<16xi32>
    %eq3A_566 = arith.constant 4 : i32
    %eq3A_567 = vector.broadcast %eq3A_566 : i32 to vector<16xi32>
    %eq3A_568 = arith.cmpi eq, %get3A_377, %eq3A_567 : vector<16xi32>
    %convert_element_type3A_569 = arith.extui %eq3A_568 : vector<16xi1> to vector<16xi32>
    %reduce_sum3A_570 = arith.constant true
    %reduce_sum3A_571 = vector.broadcast %reduce_sum3A_570 : i1 to vector<16xi1>
    %reduce_sum3A_572 = tpu.scan <sum>, %convert_element_type3A_569 masked %reduce_sum3A_571 : vector<16xi32>, vector<16xi1> -> vector<16xi32>
    %reduce_sum3A_573 = vector.extract %reduce_sum3A_572[15] : i32 from vector<16xi32>
    %add3A_574 = arith.constant 0 : i32
    %add3A_575 = arith.addi %add3A_574, %reduce_sum3A_573 : i32
    %eq3A_576 = arith.constant 4 : i32
    %eq3A_577 = vector.broadcast %eq3A_576 : i32 to vector<16xi32>
    %eq3A_578 = arith.cmpi eq, %get3A_379, %eq3A_577 : vector<16xi32>
    %convert_element_type3A_579 = arith.extui %eq3A_578 : vector<16xi1> to vector<16xi32>
    %reduce_sum3A_580 = arith.constant true
    %reduce_sum3A_581 = vector.broadcast %reduce_sum3A_580 : i1 to vector<16xi1>
    %reduce_sum3A_582 = tpu.scan <sum>, %convert_element_type3A_579 masked %reduce_sum3A_581 : vector<16xi32>, vector<16xi1> -> vector<16xi32>
    %reduce_sum3A_583 = vector.extract %reduce_sum3A_582[15] : i32 from vector<16xi32>
    %add3A_584 = arith.addi %add3A_575, %reduce_sum3A_583 : i32
    %eq3A_585 = arith.constant 4 : i32
    %eq3A_586 = vector.broadcast %eq3A_585 : i32 to vector<16xi32>
    %eq3A_587 = arith.cmpi eq, %get3A_381, %eq3A_586 : vector<16xi32>
    %convert_element_type3A_588 = arith.extui %eq3A_587 : vector<16xi1> to vector<16xi32>
    %reduce_sum3A_589 = arith.constant true
    %reduce_sum3A_590 = vector.broadcast %reduce_sum3A_589 : i1 to vector<16xi1>
    %reduce_sum3A_591 = tpu.scan <sum>, %convert_element_type3A_588 masked %reduce_sum3A_590 : vector<16xi32>, vector<16xi1> -> vector<16xi32>
    %reduce_sum3A_592 = vector.extract %reduce_sum3A_591[15] : i32 from vector<16xi32>
    %add3A_593 = arith.addi %add3A_584, %reduce_sum3A_592 : i32
    %eq3A_594 = arith.constant 4 : i32
    %eq3A_595 = vector.broadcast %eq3A_594 : i32 to vector<16xi32>
    %eq3A_596 = arith.cmpi eq, %get3A_383, %eq3A_595 : vector<16xi32>
    %convert_element_type3A_597 = arith.extui %eq3A_596 : vector<16xi1> to vector<16xi32>
    %reduce_sum3A_598 = arith.constant true
    %reduce_sum3A_599 = vector.broadcast %reduce_sum3A_598 : i1 to vector<16xi1>
    %reduce_sum3A_600 = tpu.scan <sum>, %convert_element_type3A_597 masked %reduce_sum3A_599 : vector<16xi32>, vector<16xi1> -> vector<16xi32>
    %reduce_sum3A_601 = vector.extract %reduce_sum3A_600[15] : i32 from vector<16xi32>
    %add3A_602 = arith.addi %add3A_593, %reduce_sum3A_601 : i32
    %eq3A_603 = arith.constant 4 : i32
    %eq3A_604 = vector.broadcast %eq3A_603 : i32 to vector<16xi32>
    %eq3A_605 = arith.cmpi eq, %iota3A, %eq3A_604 : vector<16xi32>
    %jit3A_606 = arith.constant 0 : i32
    %broadcast_in_dim3A_607 = vector.broadcast %add3A_602 : i32 to vector<16xi32>
    %broadcast_in_dim3A_608 = vector.broadcast %jit3A_606 : i32 to vector<16xi32>
    %select_n3A_609 = arith.select %eq3A_605, %broadcast_in_dim3A_607, %broadcast_in_dim3A_608 : vector<16xi1>, vector<16xi32>
    %add3A_610 = arith.addi %add3A_565, %select_n3A_609 : vector<16xi32>
    %eq3A_611 = arith.constant 5 : i32
    %eq3A_612 = vector.broadcast %eq3A_611 : i32 to vector<16xi32>
    %eq3A_613 = arith.cmpi eq, %get3A_377, %eq3A_612 : vector<16xi32>
    %convert_element_type3A_614 = arith.extui %eq3A_613 : vector<16xi1> to vector<16xi32>
    %reduce_sum3A_615 = arith.constant true
    %reduce_sum3A_616 = vector.broadcast %reduce_sum3A_615 : i1 to vector<16xi1>
    %reduce_sum3A_617 = tpu.scan <sum>, %convert_element_type3A_614 masked %reduce_sum3A_616 : vector<16xi32>, vector<16xi1> -> vector<16xi32>
    %reduce_sum3A_618 = vector.extract %reduce_sum3A_617[15] : i32 from vector<16xi32>
    %add3A_619 = arith.constant 0 : i32
    %add3A_620 = arith.addi %add3A_619, %reduce_sum3A_618 : i32
    %eq3A_621 = arith.constant 5 : i32
    %eq3A_622 = vector.broadcast %eq3A_621 : i32 to vector<16xi32>
    %eq3A_623 = arith.cmpi eq, %get3A_379, %eq3A_622 : vector<16xi32>
    %convert_element_type3A_624 = arith.extui %eq3A_623 : vector<16xi1> to vector<16xi32>
    %reduce_sum3A_625 = arith.constant true
    %reduce_sum3A_626 = vector.broadcast %reduce_sum3A_625 : i1 to vector<16xi1>
    %reduce_sum3A_627 = tpu.scan <sum>, %convert_element_type3A_624 masked %reduce_sum3A_626 : vector<16xi32>, vector<16xi1> -> vector<16xi32>
    %reduce_sum3A_628 = vector.extract %reduce_sum3A_627[15] : i32 from vector<16xi32>
    %add3A_629 = arith.addi %add3A_620, %reduce_sum3A_628 : i32
    %eq3A_630 = arith.constant 5 : i32
    %eq3A_631 = vector.broadcast %eq3A_630 : i32 to vector<16xi32>
    %eq3A_632 = arith.cmpi eq, %get3A_381, %eq3A_631 : vector<16xi32>
    %convert_element_type3A_633 = arith.extui %eq3A_632 : vector<16xi1> to vector<16xi32>
    %reduce_sum3A_634 = arith.constant true
    %reduce_sum3A_635 = vector.broadcast %reduce_sum3A_634 : i1 to vector<16xi1>
    %reduce_sum3A_636 = tpu.scan <sum>, %convert_element_type3A_633 masked %reduce_sum3A_635 : vector<16xi32>, vector<16xi1> -> vector<16xi32>
    %reduce_sum3A_637 = vector.extract %reduce_sum3A_636[15] : i32 from vector<16xi32>
    %add3A_638 = arith.addi %add3A_629, %reduce_sum3A_637 : i32
    %eq3A_639 = arith.constant 5 : i32
    %eq3A_640 = vector.broadcast %eq3A_639 : i32 to vector<16xi32>
    %eq3A_641 = arith.cmpi eq, %get3A_383, %eq3A_640 : vector<16xi32>
    %convert_element_type3A_642 = arith.extui %eq3A_641 : vector<16xi1> to vector<16xi32>
    %reduce_sum3A_643 = arith.constant true
    %reduce_sum3A_644 = vector.broadcast %reduce_sum3A_643 : i1 to vector<16xi1>
    %reduce_sum3A_645 = tpu.scan <sum>, %convert_element_type3A_642 masked %reduce_sum3A_644 : vector<16xi32>, vector<16xi1> -> vector<16xi32>
    %reduce_sum3A_646 = vector.extract %reduce_sum3A_645[15] : i32 from vector<16xi32>
    %add3A_647 = arith.addi %add3A_638, %reduce_sum3A_646 : i32
    %eq3A_648 = arith.constant 5 : i32
    %eq3A_649 = vector.broadcast %eq3A_648 : i32 to vector<16xi32>
    %eq3A_650 = arith.cmpi eq, %iota3A, %eq3A_649 : vector<16xi32>
    %jit3A_651 = arith.constant 0 : i32
    %broadcast_in_dim3A_652 = vector.broadcast %add3A_647 : i32 to vector<16xi32>
    %broadcast_in_dim3A_653 = vector.broadcast %jit3A_651 : i32 to vector<16xi32>
    %select_n3A_654 = arith.select %eq3A_650, %broadcast_in_dim3A_652, %broadcast_in_dim3A_653 : vector<16xi1>, vector<16xi32>
    %add3A_655 = arith.addi %add3A_610, %select_n3A_654 : vector<16xi32>
    %eq3A_656 = arith.constant 6 : i32
    %eq3A_657 = vector.broadcast %eq3A_656 : i32 to vector<16xi32>
    %eq3A_658 = arith.cmpi eq, %get3A_377, %eq3A_657 : vector<16xi32>
    %convert_element_type3A_659 = arith.extui %eq3A_658 : vector<16xi1> to vector<16xi32>
    %reduce_sum3A_660 = arith.constant true
    %reduce_sum3A_661 = vector.broadcast %reduce_sum3A_660 : i1 to vector<16xi1>
    %reduce_sum3A_662 = tpu.scan <sum>, %convert_element_type3A_659 masked %reduce_sum3A_661 : vector<16xi32>, vector<16xi1> -> vector<16xi32>
    %reduce_sum3A_663 = vector.extract %reduce_sum3A_662[15] : i32 from vector<16xi32>
    %add3A_664 = arith.constant 0 : i32
    %add3A_665 = arith.addi %add3A_664, %reduce_sum3A_663 : i32
    %eq3A_666 = arith.constant 6 : i32
    %eq3A_667 = vector.broadcast %eq3A_666 : i32 to vector<16xi32>
    %eq3A_668 = arith.cmpi eq, %get3A_379, %eq3A_667 : vector<16xi32>
    %convert_element_type3A_669 = arith.extui %eq3A_668 : vector<16xi1> to vector<16xi32>
    %reduce_sum3A_670 = arith.constant true
    %reduce_sum3A_671 = vector.broadcast %reduce_sum3A_670 : i1 to vector<16xi1>
    %reduce_sum3A_672 = tpu.scan <sum>, %convert_element_type3A_669 masked %reduce_sum3A_671 : vector<16xi32>, vector<16xi1> -> vector<16xi32>
    %reduce_sum3A_673 = vector.extract %reduce_sum3A_672[15] : i32 from vector<16xi32>
    %add3A_674 = arith.addi %add3A_665, %reduce_sum3A_673 : i32
    %eq3A_675 = arith.constant 6 : i32
    %eq3A_676 = vector.broadcast %eq3A_675 : i32 to vector<16xi32>
    %eq3A_677 = arith.cmpi eq, %get3A_381, %eq3A_676 : vector<16xi32>
    %convert_element_type3A_678 = arith.extui %eq3A_677 : vector<16xi1> to vector<16xi32>
    %reduce_sum3A_679 = arith.constant true
    %reduce_sum3A_680 = vector.broadcast %reduce_sum3A_679 : i1 to vector<16xi1>
    %reduce_sum3A_681 = tpu.scan <sum>, %convert_element_type3A_678 masked %reduce_sum3A_680 : vector<16xi32>, vector<16xi1> -> vector<16xi32>
    %reduce_sum3A_682 = vector.extract %reduce_sum3A_681[15] : i32 from vector<16xi32>
    %add3A_683 = arith.addi %add3A_674, %reduce_sum3A_682 : i32
    %eq3A_684 = arith.constant 6 : i32
    %eq3A_685 = vector.broadcast %eq3A_684 : i32 to vector<16xi32>
    %eq3A_686 = arith.cmpi eq, %get3A_383, %eq3A_685 : vector<16xi32>
    %convert_element_type3A_687 = arith.extui %eq3A_686 : vector<16xi1> to vector<16xi32>
    %reduce_sum3A_688 = arith.constant true
    %reduce_sum3A_689 = vector.broadcast %reduce_sum3A_688 : i1 to vector<16xi1>
    %reduce_sum3A_690 = tpu.scan <sum>, %convert_element_type3A_687 masked %reduce_sum3A_689 : vector<16xi32>, vector<16xi1> -> vector<16xi32>
    %reduce_sum3A_691 = vector.extract %reduce_sum3A_690[15] : i32 from vector<16xi32>
    %add3A_692 = arith.addi %add3A_683, %reduce_sum3A_691 : i32
    %eq3A_693 = arith.constant 6 : i32
    %eq3A_694 = vector.broadcast %eq3A_693 : i32 to vector<16xi32>
    %eq3A_695 = arith.cmpi eq, %iota3A, %eq3A_694 : vector<16xi32>
    %jit3A_696 = arith.constant 0 : i32
    %broadcast_in_dim3A_697 = vector.broadcast %add3A_692 : i32 to vector<16xi32>
    %broadcast_in_dim3A_698 = vector.broadcast %jit3A_696 : i32 to vector<16xi32>
    %select_n3A_699 = arith.select %eq3A_695, %broadcast_in_dim3A_697, %broadcast_in_dim3A_698 : vector<16xi1>, vector<16xi32>
    %add3A_700 = arith.addi %add3A_655, %select_n3A_699 : vector<16xi32>
    %eq3A_701 = arith.constant 7 : i32
    %eq3A_702 = vector.broadcast %eq3A_701 : i32 to vector<16xi32>
    %eq3A_703 = arith.cmpi eq, %get3A_377, %eq3A_702 : vector<16xi32>
    %convert_element_type3A_704 = arith.extui %eq3A_703 : vector<16xi1> to vector<16xi32>
    %reduce_sum3A_705 = arith.constant true
    %reduce_sum3A_706 = vector.broadcast %reduce_sum3A_705 : i1 to vector<16xi1>
    %reduce_sum3A_707 = tpu.scan <sum>, %convert_element_type3A_704 masked %reduce_sum3A_706 : vector<16xi32>, vector<16xi1> -> vector<16xi32>
    %reduce_sum3A_708 = vector.extract %reduce_sum3A_707[15] : i32 from vector<16xi32>
    %add3A_709 = arith.constant 0 : i32
    %add3A_710 = arith.addi %add3A_709, %reduce_sum3A_708 : i32
    %eq3A_711 = arith.constant 7 : i32
    %eq3A_712 = vector.broadcast %eq3A_711 : i32 to vector<16xi32>
    %eq3A_713 = arith.cmpi eq, %get3A_379, %eq3A_712 : vector<16xi32>
    %convert_element_type3A_714 = arith.extui %eq3A_713 : vector<16xi1> to vector<16xi32>
    %reduce_sum3A_715 = arith.constant true
    %reduce_sum3A_716 = vector.broadcast %reduce_sum3A_715 : i1 to vector<16xi1>
    %reduce_sum3A_717 = tpu.scan <sum>, %convert_element_type3A_714 masked %reduce_sum3A_716 : vector<16xi32>, vector<16xi1> -> vector<16xi32>
    %reduce_sum3A_718 = vector.extract %reduce_sum3A_717[15] : i32 from vector<16xi32>
    %add3A_719 = arith.addi %add3A_710, %reduce_sum3A_718 : i32
    %eq3A_720 = arith.constant 7 : i32
    %eq3A_721 = vector.broadcast %eq3A_720 : i32 to vector<16xi32>
    %eq3A_722 = arith.cmpi eq, %get3A_381, %eq3A_721 : vector<16xi32>
    %convert_element_type3A_723 = arith.extui %eq3A_722 : vector<16xi1> to vector<16xi32>
    %reduce_sum3A_724 = arith.constant true
    %reduce_sum3A_725 = vector.broadcast %reduce_sum3A_724 : i1 to vector<16xi1>
    %reduce_sum3A_726 = tpu.scan <sum>, %convert_element_type3A_723 masked %reduce_sum3A_725 : vector<16xi32>, vector<16xi1> -> vector<16xi32>
    %reduce_sum3A_727 = vector.extract %reduce_sum3A_726[15] : i32 from vector<16xi32>
    %add3A_728 = arith.addi %add3A_719, %reduce_sum3A_727 : i32
    %eq3A_729 = arith.constant 7 : i32
    %eq3A_730 = vector.broadcast %eq3A_729 : i32 to vector<16xi32>
    %eq3A_731 = arith.cmpi eq, %get3A_383, %eq3A_730 : vector<16xi32>
    %convert_element_type3A_732 = arith.extui %eq3A_731 : vector<16xi1> to vector<16xi32>
    %reduce_sum3A_733 = arith.constant true
    %reduce_sum3A_734 = vector.broadcast %reduce_sum3A_733 : i1 to vector<16xi1>
    %reduce_sum3A_735 = tpu.scan <sum>, %convert_element_type3A_732 masked %reduce_sum3A_734 : vector<16xi32>, vector<16xi1> -> vector<16xi32>
    %reduce_sum3A_736 = vector.extract %reduce_sum3A_735[15] : i32 from vector<16xi32>
    %add3A_737 = arith.addi %add3A_728, %reduce_sum3A_736 : i32
    %eq3A_738 = arith.constant 7 : i32
    %eq3A_739 = vector.broadcast %eq3A_738 : i32 to vector<16xi32>
    %eq3A_740 = arith.cmpi eq, %iota3A, %eq3A_739 : vector<16xi32>
    %jit3A_741 = arith.constant 0 : i32
    %broadcast_in_dim3A_742 = vector.broadcast %add3A_737 : i32 to vector<16xi32>
    %broadcast_in_dim3A_743 = vector.broadcast %jit3A_741 : i32 to vector<16xi32>
    %select_n3A_744 = arith.select %eq3A_740, %broadcast_in_dim3A_742, %broadcast_in_dim3A_743 : vector<16xi1>, vector<16xi32>
    %add3A_745 = arith.addi %add3A_700, %select_n3A_744 : vector<16xi32>
    %swap3A_746 = arith.constant 0 : index
    %swap3A_747 = tpu.vector_load %arg15[%swap3A_746] {strides = array<i32>} : memref<16xi32, #tpu.memory_space<vmem>>, vector<16xi32>,
    tpu.vector_store %arg15[%swap3A_746], %add3A_745 {strides = array<i32>} : memref<16xi32, #tpu.memory_space<vmem>>, vector<16xi32>,
    "tpu.region"() ({
      %run_scoped3A = tpu.sem_alloc : memref<!tpu.dma_semaphore, #tpu.memory_space<semaphore_mem>>
      %dma_start3A_1896 = arith.constant 0 : i32
      %dma_start3A_1897 = tpu.memref_slice %arg10[%add3A_9, %dma_start3A_1896] : memref<32x16xi32, #tpu.memory_space<hbm>> -> memref<1x16xi32, #tpu.memory_space<hbm>>
      %dma_start3A_1898 = tpu.memref_squeeze %dma_start3A_1897 : memref<1x16xi32, #tpu.memory_space<hbm>> -> memref<16xi32, #tpu.memory_space<hbm>>
      %dma_start3A_1899 = arith.constant 0 : i32
      %dma_start3A_1900 = tpu.memref_slice %arg10[%add3A_9, %dma_start3A_1899] : memref<32x16xi32, #tpu.memory_space<hbm>> -> memref<1x16xi32, #tpu.memory_space<hbm>>
      %dma_start3A_1901 = tpu.memref_squeeze %dma_start3A_1900 : memref<1x16xi32, #tpu.memory_space<hbm>> -> memref<16xi32, #tpu.memory_space<hbm>>
      tpu.enqueue_dma source(%arg15 : memref<16xi32, #tpu.memory_space<vmem>>) target(%dma_start3A_1901 : memref<16xi32, #tpu.memory_space<hbm>>) target_semaphore(%run_scoped3A : memref<!tpu.dma_semaphore, #tpu.memory_space<semaphore_mem>>)
      %dma_wait3A_1902 = arith.constant 0 : i32
      %dma_wait3A_1903 = tpu.memref_slice %arg10[%add3A_9, %dma_wait3A_1902] : memref<32x16xi32, #tpu.memory_space<hbm>> -> memref<1x16xi32, #tpu.memory_space<hbm>>
      %dma_wait3A_1904 = tpu.memref_squeeze %dma_wait3A_1903 : memref<1x16xi32, #tpu.memory_space<hbm>> -> memref<16xi32, #tpu.memory_space<hbm>>
      %dma_wait3A_1905 = arith.constant 0 : i32
      %dma_wait3A_1906 = tpu.memref_slice %arg10[%add3A_9, %dma_wait3A_1905] : memref<32x16xi32, #tpu.memory_space<hbm>> -> memref<1x16xi32, #tpu.memory_space<hbm>>
      %dma_wait3A_1907 = tpu.memref_squeeze %dma_wait3A_1906 : memref<1x16xi32, #tpu.memory_space<hbm>> -> memref<16xi32, #tpu.memory_space<hbm>>
      tpu.wait_dma2 semaphore(%run_scoped3A : memref<!tpu.dma_semaphore, #tpu.memory_space<semaphore_mem>>) src(%arg15 : memref<16xi32, #tpu.memory_space<vmem>>) dst(%dma_wait3A_1907 : memref<16xi32, #tpu.memory_space<hbm>>)
      tpu.yield
    }) : () -> ()
    %barrier3A = arith.constant 0 : index
    tpu.barrier barrier_id(%barrier3A)
    %get3A_748 = arith.constant 0 : index
    %get3A_749 = tpu.vector_load %arg11[%get3A_748] {strides = array<i32>} : memref<64xi32, #tpu.memory_space<vmem>>, vector<16xi32>,
    %get3A_750 = arith.constant 16 : index
    %get3A_751 = tpu.vector_load %arg11[%get3A_750] {strides = array<i32>} : memref<64xi32, #tpu.memory_space<vmem>>, vector<16xi32>,
    %get3A_752 = arith.constant 32 : index
    %get3A_753 = tpu.vector_load %arg11[%get3A_752] {strides = array<i32>} : memref<64xi32, #tpu.memory_space<vmem>>, vector<16xi32>,
    %get3A_754 = arith.constant 48 : index
    %get3A_755 = tpu.vector_load %arg11[%get3A_754] {strides = array<i32>} : memref<64xi32, #tpu.memory_space<vmem>>, vector<16xi32>,
    "tpu.region"() ({
      %run_scoped3A = tpu.sem_alloc : memref<!tpu.dma_semaphore, #tpu.memory_space<semaphore_mem>>
      tpu.enqueue_dma source(%arg10 : memref<32x16xi32, #tpu.memory_space<hbm>>) target(%arg17 : memref<32x16xi32, #tpu.memory_space<vmem>>) target_semaphore(%run_scoped3A : memref<!tpu.dma_semaphore, #tpu.memory_space<semaphore_mem>>)
      tpu.wait_dma2 semaphore(%run_scoped3A : memref<!tpu.dma_semaphore, #tpu.memory_space<semaphore_mem>>) src(%arg10 : memref<32x16xi32, #tpu.memory_space<hbm>>) dst(%arg17 : memref<32x16xi32, #tpu.memory_space<vmem>>)
      tpu.yield
    }) : () -> ()
    %broadcast_in_dim3A_756 = arith.constant 0 : i32
    %broadcast_in_dim3A_757 = vector.broadcast %broadcast_in_dim3A_756 : i32 to vector<16xi32>
    %broadcast_in_dim3A_758 = arith.constant 0 : i32
    %broadcast_in_dim3A_759 = vector.broadcast %broadcast_in_dim3A_758 : i32 to vector<16xi32>
    %get3A_760 = arith.constant 0 : i32
    %get3A_761 = arith.index_cast %get3A_760 : i32 to index
    %get3A_762 = arith.constant 0 : index
    %get3A_763 = tpu.vector_load %arg17[%get3A_761, %get3A_762] {strides = array<i32>} : memref<32x16xi32, #tpu.memory_space<vmem>>, vector<16xi32>,
    %add3A_764 = arith.addi %broadcast_in_dim3A_757, %get3A_763 : vector<16xi32>
    %lt3A = arith.constant 0 : i32
    %lt3A_765 = arith.cmpi slt, %lt3A, %add3A : i32
    %jit3A_766 = arith.constant 1 : i32
    %jit3A_767 = arith.constant 0 : i32
    %select_n3A_768 = arith.select %lt3A_765, %jit3A_766, %jit3A_767 : i32
    %mul3A_769 = vector.broadcast %select_n3A_768 : i32 to vector<16xi32>
    %mul3A_770 = arith.muli %get3A_763, %mul3A_769 : vector<16xi32>
    %add3A_771 = arith.addi %broadcast_in_dim3A_759, %mul3A_770 : vector<16xi32>
    %get3A_772 = arith.constant 1 : i32
    %get3A_773 = arith.index_cast %get3A_772 : i32 to index
    %get3A_774 = arith.constant 0 : index
    %get3A_775 = tpu.vector_load %arg17[%get3A_773, %get3A_774] {strides = array<i32>} : memref<32x16xi32, #tpu.memory_space<vmem>>, vector<16xi32>,
    %add3A_776 = arith.addi %add3A_764, %get3A_775 : vector<16xi32>
    %lt3A_777 = arith.constant 1 : i32
    %lt3A_778 = arith.cmpi slt, %lt3A_777, %add3A : i32
    %jit3A_779 = arith.constant 1 : i32
    %jit3A_780 = arith.constant 0 : i32
    %select_n3A_781 = arith.select %lt3A_778, %jit3A_779, %jit3A_780 : i32
    %mul3A_782 = vector.broadcast %select_n3A_781 : i32 to vector<16xi32>
    %mul3A_783 = arith.muli %get3A_775, %mul3A_782 : vector<16xi32>
    %add3A_784 = arith.addi %add3A_771, %mul3A_783 : vector<16xi32>
    %get3A_785 = arith.constant 2 : i32
    %get3A_786 = arith.index_cast %get3A_785 : i32 to index
    %get3A_787 = arith.constant 0 : index
    %get3A_788 = tpu.vector_load %arg17[%get3A_786, %get3A_787] {strides = array<i32>} : memref<32x16xi32, #tpu.memory_space<vmem>>, vector<16xi32>,
    %add3A_789 = arith.addi %add3A_776, %get3A_788 : vector<16xi32>
    %lt3A_790 = arith.constant 2 : i32
    %lt3A_791 = arith.cmpi slt, %lt3A_790, %add3A : i32
    %jit3A_792 = arith.constant 1 : i32
    %jit3A_793 = arith.constant 0 : i32
    %select_n3A_794 = arith.select %lt3A_791, %jit3A_792, %jit3A_793 : i32
    %mul3A_795 = vector.broadcast %select_n3A_794 : i32 to vector<16xi32>
    %mul3A_796 = arith.muli %get3A_788, %mul3A_795 : vector<16xi32>
    %add3A_797 = arith.addi %add3A_784, %mul3A_796 : vector<16xi32>
    %get3A_798 = arith.constant 3 : i32
    %get3A_799 = arith.index_cast %get3A_798 : i32 to index
    %get3A_800 = arith.constant 0 : index
    %get3A_801 = tpu.vector_load %arg17[%get3A_799, %get3A_800] {strides = array<i32>} : memref<32x16xi32, #tpu.memory_space<vmem>>, vector<16xi32>,
    %add3A_802 = arith.addi %add3A_789, %get3A_801 : vector<16xi32>
    %lt3A_803 = arith.constant 3 : i32
    %lt3A_804 = arith.cmpi slt, %lt3A_803, %add3A : i32
    %jit3A_805 = arith.constant 1 : i32
    %jit3A_806 = arith.constant 0 : i32
    %select_n3A_807 = arith.select %lt3A_804, %jit3A_805, %jit3A_806 : i32
    %mul3A_808 = vector.broadcast %select_n3A_807 : i32 to vector<16xi32>
    %mul3A_809 = arith.muli %get3A_801, %mul3A_808 : vector<16xi32>
    %add3A_810 = arith.addi %add3A_797, %mul3A_809 : vector<16xi32>
    %get3A_811 = arith.constant 4 : i32
    %get3A_812 = arith.index_cast %get3A_811 : i32 to index
    %get3A_813 = arith.constant 0 : index
    %get3A_814 = tpu.vector_load %arg17[%get3A_812, %get3A_813] {strides = array<i32>} : memref<32x16xi32, #tpu.memory_space<vmem>>, vector<16xi32>,
    %add3A_815 = arith.addi %add3A_802, %get3A_814 : vector<16xi32>
    %lt3A_816 = arith.constant 4 : i32
    %lt3A_817 = arith.cmpi slt, %lt3A_816, %add3A : i32
    %jit3A_818 = arith.constant 1 : i32
    %jit3A_819 = arith.constant 0 : i32
    %select_n3A_820 = arith.select %lt3A_817, %jit3A_818, %jit3A_819 : i32
    %mul3A_821 = vector.broadcast %select_n3A_820 : i32 to vector<16xi32>
    %mul3A_822 = arith.muli %get3A_814, %mul3A_821 : vector<16xi32>
    %add3A_823 = arith.addi %add3A_810, %mul3A_822 : vector<16xi32>
    %get3A_824 = arith.constant 5 : i32
    %get3A_825 = arith.index_cast %get3A_824 : i32 to index
    %get3A_826 = arith.constant 0 : index
    %get3A_827 = tpu.vector_load %arg17[%get3A_825, %get3A_826] {strides = array<i32>} : memref<32x16xi32, #tpu.memory_space<vmem>>, vector<16xi32>,
    %add3A_828 = arith.addi %add3A_815, %get3A_827 : vector<16xi32>
    %lt3A_829 = arith.constant 5 : i32
    %lt3A_830 = arith.cmpi slt, %lt3A_829, %add3A : i32
    %jit3A_831 = arith.constant 1 : i32
    %jit3A_832 = arith.constant 0 : i32
    %select_n3A_833 = arith.select %lt3A_830, %jit3A_831, %jit3A_832 : i32
    %mul3A_834 = vector.broadcast %select_n3A_833 : i32 to vector<16xi32>
    %mul3A_835 = arith.muli %get3A_827, %mul3A_834 : vector<16xi32>
    %add3A_836 = arith.addi %add3A_823, %mul3A_835 : vector<16xi32>
    %get3A_837 = arith.constant 6 : i32
    %get3A_838 = arith.index_cast %get3A_837 : i32 to index
    %get3A_839 = arith.constant 0 : index
    %get3A_840 = tpu.vector_load %arg17[%get3A_838, %get3A_839] {strides = array<i32>} : memref<32x16xi32, #tpu.memory_space<vmem>>, vector<16xi32>,
    %add3A_841 = arith.addi %add3A_828, %get3A_840 : vector<16xi32>
    %lt3A_842 = arith.constant 6 : i32
    %lt3A_843 = arith.cmpi slt, %lt3A_842, %add3A : i32
    %jit3A_844 = arith.constant 1 : i32
    %jit3A_845 = arith.constant 0 : i32
    %select_n3A_846 = arith.select %lt3A_843, %jit3A_844, %jit3A_845 : i32
    %mul3A_847 = vector.broadcast %select_n3A_846 : i32 to vector<16xi32>
    %mul3A_848 = arith.muli %get3A_840, %mul3A_847 : vector<16xi32>
    %add3A_849 = arith.addi %add3A_836, %mul3A_848 : vector<16xi32>
    %get3A_850 = arith.constant 7 : i32
    %get3A_851 = arith.index_cast %get3A_850 : i32 to index
    %get3A_852 = arith.constant 0 : index
    %get3A_853 = tpu.vector_load %arg17[%get3A_851, %get3A_852] {strides = array<i32>} : memref<32x16xi32, #tpu.memory_space<vmem>>, vector<16xi32>,
    %add3A_854 = arith.addi %add3A_841, %get3A_853 : vector<16xi32>
    %lt3A_855 = arith.constant 7 : i32
    %lt3A_856 = arith.cmpi slt, %lt3A_855, %add3A : i32
    %jit3A_857 = arith.constant 1 : i32
    %jit3A_858 = arith.constant 0 : i32
    %select_n3A_859 = arith.select %lt3A_856, %jit3A_857, %jit3A_858 : i32
    %mul3A_860 = vector.broadcast %select_n3A_859 : i32 to vector<16xi32>
    %mul3A_861 = arith.muli %get3A_853, %mul3A_860 : vector<16xi32>
    %add3A_862 = arith.addi %add3A_849, %mul3A_861 : vector<16xi32>
    %get3A_863 = arith.constant 8 : i32
    %get3A_864 = arith.index_cast %get3A_863 : i32 to index
    %get3A_865 = arith.constant 0 : index
    %get3A_866 = tpu.vector_load %arg17[%get3A_864, %get3A_865] {strides = array<i32>} : memref<32x16xi32, #tpu.memory_space<vmem>>, vector<16xi32>,
    %add3A_867 = arith.addi %add3A_854, %get3A_866 : vector<16xi32>
    %lt3A_868 = arith.constant 8 : i32
    %lt3A_869 = arith.cmpi slt, %lt3A_868, %add3A : i32
    %jit3A_870 = arith.constant 1 : i32
    %jit3A_871 = arith.constant 0 : i32
    %select_n3A_872 = arith.select %lt3A_869, %jit3A_870, %jit3A_871 : i32
    %mul3A_873 = vector.broadcast %select_n3A_872 : i32 to vector<16xi32>
    %mul3A_874 = arith.muli %get3A_866, %mul3A_873 : vector<16xi32>
    %add3A_875 = arith.addi %add3A_862, %mul3A_874 : vector<16xi32>
    %get3A_876 = arith.constant 9 : i32
    %get3A_877 = arith.index_cast %get3A_876 : i32 to index
    %get3A_878 = arith.constant 0 : index
    %get3A_879 = tpu.vector_load %arg17[%get3A_877, %get3A_878] {strides = array<i32>} : memref<32x16xi32, #tpu.memory_space<vmem>>, vector<16xi32>,
    %add3A_880 = arith.addi %add3A_867, %get3A_879 : vector<16xi32>
    %lt3A_881 = arith.constant 9 : i32
    %lt3A_882 = arith.cmpi slt, %lt3A_881, %add3A : i32
    %jit3A_883 = arith.constant 1 : i32
    %jit3A_884 = arith.constant 0 : i32
    %select_n3A_885 = arith.select %lt3A_882, %jit3A_883, %jit3A_884 : i32
    %mul3A_886 = vector.broadcast %select_n3A_885 : i32 to vector<16xi32>
    %mul3A_887 = arith.muli %get3A_879, %mul3A_886 : vector<16xi32>
    %add3A_888 = arith.addi %add3A_875, %mul3A_887 : vector<16xi32>
    %get3A_889 = arith.constant 10 : i32
    %get3A_890 = arith.index_cast %get3A_889 : i32 to index
    %get3A_891 = arith.constant 0 : index
    %get3A_892 = tpu.vector_load %arg17[%get3A_890, %get3A_891] {strides = array<i32>} : memref<32x16xi32, #tpu.memory_space<vmem>>, vector<16xi32>,
    %add3A_893 = arith.addi %add3A_880, %get3A_892 : vector<16xi32>
    %lt3A_894 = arith.constant 10 : i32
    %lt3A_895 = arith.cmpi slt, %lt3A_894, %add3A : i32
    %jit3A_896 = arith.constant 1 : i32
    %jit3A_897 = arith.constant 0 : i32
    %select_n3A_898 = arith.select %lt3A_895, %jit3A_896, %jit3A_897 : i32
    %mul3A_899 = vector.broadcast %select_n3A_898 : i32 to vector<16xi32>
    %mul3A_900 = arith.muli %get3A_892, %mul3A_899 : vector<16xi32>
    %add3A_901 = arith.addi %add3A_888, %mul3A_900 : vector<16xi32>
    %get3A_902 = arith.constant 11 : i32
    %get3A_903 = arith.index_cast %get3A_902 : i32 to index
    %get3A_904 = arith.constant 0 : index
    %get3A_905 = tpu.vector_load %arg17[%get3A_903, %get3A_904] {strides = array<i32>} : memref<32x16xi32, #tpu.memory_space<vmem>>, vector<16xi32>,
    %add3A_906 = arith.addi %add3A_893, %get3A_905 : vector<16xi32>
    %lt3A_907 = arith.constant 11 : i32
    %lt3A_908 = arith.cmpi slt, %lt3A_907, %add3A : i32
    %jit3A_909 = arith.constant 1 : i32
    %jit3A_910 = arith.constant 0 : i32
    %select_n3A_911 = arith.select %lt3A_908, %jit3A_909, %jit3A_910 : i32
    %mul3A_912 = vector.broadcast %select_n3A_911 : i32 to vector<16xi32>
    %mul3A_913 = arith.muli %get3A_905, %mul3A_912 : vector<16xi32>
    %add3A_914 = arith.addi %add3A_901, %mul3A_913 : vector<16xi32>
    %get3A_915 = arith.constant 12 : i32
    %get3A_916 = arith.index_cast %get3A_915 : i32 to index
    %get3A_917 = arith.constant 0 : index
    %get3A_918 = tpu.vector_load %arg17[%get3A_916, %get3A_917] {strides = array<i32>} : memref<32x16xi32, #tpu.memory_space<vmem>>, vector<16xi32>,
    %add3A_919 = arith.addi %add3A_906, %get3A_918 : vector<16xi32>
    %lt3A_920 = arith.constant 12 : i32
    %lt3A_921 = arith.cmpi slt, %lt3A_920, %add3A : i32
    %jit3A_922 = arith.constant 1 : i32
    %jit3A_923 = arith.constant 0 : i32
    %select_n3A_924 = arith.select %lt3A_921, %jit3A_922, %jit3A_923 : i32
    %mul3A_925 = vector.broadcast %select_n3A_924 : i32 to vector<16xi32>
    %mul3A_926 = arith.muli %get3A_918, %mul3A_925 : vector<16xi32>
    %add3A_927 = arith.addi %add3A_914, %mul3A_926 : vector<16xi32>
    %get3A_928 = arith.constant 13 : i32
    %get3A_929 = arith.index_cast %get3A_928 : i32 to index
    %get3A_930 = arith.constant 0 : index
    %get3A_931 = tpu.vector_load %arg17[%get3A_929, %get3A_930] {strides = array<i32>} : memref<32x16xi32, #tpu.memory_space<vmem>>, vector<16xi32>,
    %add3A_932 = arith.addi %add3A_919, %get3A_931 : vector<16xi32>
    %lt3A_933 = arith.constant 13 : i32
    %lt3A_934 = arith.cmpi slt, %lt3A_933, %add3A : i32
    %jit3A_935 = arith.constant 1 : i32
    %jit3A_936 = arith.constant 0 : i32
    %select_n3A_937 = arith.select %lt3A_934, %jit3A_935, %jit3A_936 : i32
    %mul3A_938 = vector.broadcast %select_n3A_937 : i32 to vector<16xi32>
    %mul3A_939 = arith.muli %get3A_931, %mul3A_938 : vector<16xi32>
    %add3A_940 = arith.addi %add3A_927, %mul3A_939 : vector<16xi32>
    %get3A_941 = arith.constant 14 : i32
    %get3A_942 = arith.index_cast %get3A_941 : i32 to index
    %get3A_943 = arith.constant 0 : index
    %get3A_944 = tpu.vector_load %arg17[%get3A_942, %get3A_943] {strides = array<i32>} : memref<32x16xi32, #tpu.memory_space<vmem>>, vector<16xi32>,
    %add3A_945 = arith.addi %add3A_932, %get3A_944 : vector<16xi32>
    %lt3A_946 = arith.constant 14 : i32
    %lt3A_947 = arith.cmpi slt, %lt3A_946, %add3A : i32
    %jit3A_948 = arith.constant 1 : i32
    %jit3A_949 = arith.constant 0 : i32
    %select_n3A_950 = arith.select %lt3A_947, %jit3A_948, %jit3A_949 : i32
    %mul3A_951 = vector.broadcast %select_n3A_950 : i32 to vector<16xi32>
    %mul3A_952 = arith.muli %get3A_944, %mul3A_951 : vector<16xi32>
    %add3A_953 = arith.addi %add3A_940, %mul3A_952 : vector<16xi32>
    %get3A_954 = arith.constant 15 : i32
    %get3A_955 = arith.index_cast %get3A_954 : i32 to index
    %get3A_956 = arith.constant 0 : index
    %get3A_957 = tpu.vector_load %arg17[%get3A_955, %get3A_956] {strides = array<i32>} : memref<32x16xi32, #tpu.memory_space<vmem>>, vector<16xi32>,
    %add3A_958 = arith.addi %add3A_945, %get3A_957 : vector<16xi32>
    %lt3A_959 = arith.constant 15 : i32
    %lt3A_960 = arith.cmpi slt, %lt3A_959, %add3A : i32
    %jit3A_961 = arith.constant 1 : i32
    %jit3A_962 = arith.constant 0 : i32
    %select_n3A_963 = arith.select %lt3A_960, %jit3A_961, %jit3A_962 : i32
    %mul3A_964 = vector.broadcast %select_n3A_963 : i32 to vector<16xi32>
    %mul3A_965 = arith.muli %get3A_957, %mul3A_964 : vector<16xi32>
    %add3A_966 = arith.addi %add3A_953, %mul3A_965 : vector<16xi32>
    %get3A_967 = arith.constant 16 : i32
    %get3A_968 = arith.index_cast %get3A_967 : i32 to index
    %get3A_969 = arith.constant 0 : index
    %get3A_970 = tpu.vector_load %arg17[%get3A_968, %get3A_969] {strides = array<i32>} : memref<32x16xi32, #tpu.memory_space<vmem>>, vector<16xi32>,
    %add3A_971 = arith.addi %add3A_958, %get3A_970 : vector<16xi32>
    %lt3A_972 = arith.constant 16 : i32
    %lt3A_973 = arith.cmpi slt, %lt3A_972, %add3A : i32
    %jit3A_974 = arith.constant 1 : i32
    %jit3A_975 = arith.constant 0 : i32
    %select_n3A_976 = arith.select %lt3A_973, %jit3A_974, %jit3A_975 : i32
    %mul3A_977 = vector.broadcast %select_n3A_976 : i32 to vector<16xi32>
    %mul3A_978 = arith.muli %get3A_970, %mul3A_977 : vector<16xi32>
    %add3A_979 = arith.addi %add3A_966, %mul3A_978 : vector<16xi32>
    %get3A_980 = arith.constant 17 : i32
    %get3A_981 = arith.index_cast %get3A_980 : i32 to index
    %get3A_982 = arith.constant 0 : index
    %get3A_983 = tpu.vector_load %arg17[%get3A_981, %get3A_982] {strides = array<i32>} : memref<32x16xi32, #tpu.memory_space<vmem>>, vector<16xi32>,
    %add3A_984 = arith.addi %add3A_971, %get3A_983 : vector<16xi32>
    %lt3A_985 = arith.constant 17 : i32
    %lt3A_986 = arith.cmpi slt, %lt3A_985, %add3A : i32
    %jit3A_987 = arith.constant 1 : i32
    %jit3A_988 = arith.constant 0 : i32
    %select_n3A_989 = arith.select %lt3A_986, %jit3A_987, %jit3A_988 : i32
    %mul3A_990 = vector.broadcast %select_n3A_989 : i32 to vector<16xi32>
    %mul3A_991 = arith.muli %get3A_983, %mul3A_990 : vector<16xi32>
    %add3A_992 = arith.addi %add3A_979, %mul3A_991 : vector<16xi32>
    %get3A_993 = arith.constant 18 : i32
    %get3A_994 = arith.index_cast %get3A_993 : i32 to index
    %get3A_995 = arith.constant 0 : index
    %get3A_996 = tpu.vector_load %arg17[%get3A_994, %get3A_995] {strides = array<i32>} : memref<32x16xi32, #tpu.memory_space<vmem>>, vector<16xi32>,
    %add3A_997 = arith.addi %add3A_984, %get3A_996 : vector<16xi32>
    %lt3A_998 = arith.constant 18 : i32
    %lt3A_999 = arith.cmpi slt, %lt3A_998, %add3A : i32
    %jit3A_1000 = arith.constant 1 : i32
    %jit3A_1001 = arith.constant 0 : i32
    %select_n3A_1002 = arith.select %lt3A_999, %jit3A_1000, %jit3A_1001 : i32
    %mul3A_1003 = vector.broadcast %select_n3A_1002 : i32 to vector<16xi32>
    %mul3A_1004 = arith.muli %get3A_996, %mul3A_1003 : vector<16xi32>
    %add3A_1005 = arith.addi %add3A_992, %mul3A_1004 : vector<16xi32>
    %get3A_1006 = arith.constant 19 : i32
    %get3A_1007 = arith.index_cast %get3A_1006 : i32 to index
    %get3A_1008 = arith.constant 0 : index
    %get3A_1009 = tpu.vector_load %arg17[%get3A_1007, %get3A_1008] {strides = array<i32>} : memref<32x16xi32, #tpu.memory_space<vmem>>, vector<16xi32>,
    %add3A_1010 = arith.addi %add3A_997, %get3A_1009 : vector<16xi32>
    %lt3A_1011 = arith.constant 19 : i32
    %lt3A_1012 = arith.cmpi slt, %lt3A_1011, %add3A : i32
    %jit3A_1013 = arith.constant 1 : i32
    %jit3A_1014 = arith.constant 0 : i32
    %select_n3A_1015 = arith.select %lt3A_1012, %jit3A_1013, %jit3A_1014 : i32
    %mul3A_1016 = vector.broadcast %select_n3A_1015 : i32 to vector<16xi32>
    %mul3A_1017 = arith.muli %get3A_1009, %mul3A_1016 : vector<16xi32>
    %add3A_1018 = arith.addi %add3A_1005, %mul3A_1017 : vector<16xi32>
    %get3A_1019 = arith.constant 20 : i32
    %get3A_1020 = arith.index_cast %get3A_1019 : i32 to index
    %get3A_1021 = arith.constant 0 : index
    %get3A_1022 = tpu.vector_load %arg17[%get3A_1020, %get3A_1021] {strides = array<i32>} : memref<32x16xi32, #tpu.memory_space<vmem>>, vector<16xi32>,
    %add3A_1023 = arith.addi %add3A_1010, %get3A_1022 : vector<16xi32>
    %lt3A_1024 = arith.constant 20 : i32
    %lt3A_1025 = arith.cmpi slt, %lt3A_1024, %add3A : i32
    %jit3A_1026 = arith.constant 1 : i32
    %jit3A_1027 = arith.constant 0 : i32
    %select_n3A_1028 = arith.select %lt3A_1025, %jit3A_1026, %jit3A_1027 : i32
    %mul3A_1029 = vector.broadcast %select_n3A_1028 : i32 to vector<16xi32>
    %mul3A_1030 = arith.muli %get3A_1022, %mul3A_1029 : vector<16xi32>
    %add3A_1031 = arith.addi %add3A_1018, %mul3A_1030 : vector<16xi32>
    %get3A_1032 = arith.constant 21 : i32
    %get3A_1033 = arith.index_cast %get3A_1032 : i32 to index
    %get3A_1034 = arith.constant 0 : index
    %get3A_1035 = tpu.vector_load %arg17[%get3A_1033, %get3A_1034] {strides = array<i32>} : memref<32x16xi32, #tpu.memory_space<vmem>>, vector<16xi32>,
    %add3A_1036 = arith.addi %add3A_1023, %get3A_1035 : vector<16xi32>
    %lt3A_1037 = arith.constant 21 : i32
    %lt3A_1038 = arith.cmpi slt, %lt3A_1037, %add3A : i32
    %jit3A_1039 = arith.constant 1 : i32
    %jit3A_1040 = arith.constant 0 : i32
    %select_n3A_1041 = arith.select %lt3A_1038, %jit3A_1039, %jit3A_1040 : i32
    %mul3A_1042 = vector.broadcast %select_n3A_1041 : i32 to vector<16xi32>
    %mul3A_1043 = arith.muli %get3A_1035, %mul3A_1042 : vector<16xi32>
    %add3A_1044 = arith.addi %add3A_1031, %mul3A_1043 : vector<16xi32>
    %get3A_1045 = arith.constant 22 : i32
    %get3A_1046 = arith.index_cast %get3A_1045 : i32 to index
    %get3A_1047 = arith.constant 0 : index
    %get3A_1048 = tpu.vector_load %arg17[%get3A_1046, %get3A_1047] {strides = array<i32>} : memref<32x16xi32, #tpu.memory_space<vmem>>, vector<16xi32>,
    %add3A_1049 = arith.addi %add3A_1036, %get3A_1048 : vector<16xi32>
    %lt3A_1050 = arith.constant 22 : i32
    %lt3A_1051 = arith.cmpi slt, %lt3A_1050, %add3A : i32
    %jit3A_1052 = arith.constant 1 : i32
    %jit3A_1053 = arith.constant 0 : i32
    %select_n3A_1054 = arith.select %lt3A_1051, %jit3A_1052, %jit3A_1053 : i32
    %mul3A_1055 = vector.broadcast %select_n3A_1054 : i32 to vector<16xi32>
    %mul3A_1056 = arith.muli %get3A_1048, %mul3A_1055 : vector<16xi32>
    %add3A_1057 = arith.addi %add3A_1044, %mul3A_1056 : vector<16xi32>
    %get3A_1058 = arith.constant 23 : i32
    %get3A_1059 = arith.index_cast %get3A_1058 : i32 to index
    %get3A_1060 = arith.constant 0 : index
    %get3A_1061 = tpu.vector_load %arg17[%get3A_1059, %get3A_1060] {strides = array<i32>} : memref<32x16xi32, #tpu.memory_space<vmem>>, vector<16xi32>,
    %add3A_1062 = arith.addi %add3A_1049, %get3A_1061 : vector<16xi32>
    %lt3A_1063 = arith.constant 23 : i32
    %lt3A_1064 = arith.cmpi slt, %lt3A_1063, %add3A : i32
    %jit3A_1065 = arith.constant 1 : i32
    %jit3A_1066 = arith.constant 0 : i32
    %select_n3A_1067 = arith.select %lt3A_1064, %jit3A_1065, %jit3A_1066 : i32
    %mul3A_1068 = vector.broadcast %select_n3A_1067 : i32 to vector<16xi32>
    %mul3A_1069 = arith.muli %get3A_1061, %mul3A_1068 : vector<16xi32>
    %add3A_1070 = arith.addi %add3A_1057, %mul3A_1069 : vector<16xi32>
    %get3A_1071 = arith.constant 24 : i32
    %get3A_1072 = arith.index_cast %get3A_1071 : i32 to index
    %get3A_1073 = arith.constant 0 : index
    %get3A_1074 = tpu.vector_load %arg17[%get3A_1072, %get3A_1073] {strides = array<i32>} : memref<32x16xi32, #tpu.memory_space<vmem>>, vector<16xi32>,
    %add3A_1075 = arith.addi %add3A_1062, %get3A_1074 : vector<16xi32>
    %lt3A_1076 = arith.constant 24 : i32
    %lt3A_1077 = arith.cmpi slt, %lt3A_1076, %add3A : i32
    %jit3A_1078 = arith.constant 1 : i32
    %jit3A_1079 = arith.constant 0 : i32
    %select_n3A_1080 = arith.select %lt3A_1077, %jit3A_1078, %jit3A_1079 : i32
    %mul3A_1081 = vector.broadcast %select_n3A_1080 : i32 to vector<16xi32>
    %mul3A_1082 = arith.muli %get3A_1074, %mul3A_1081 : vector<16xi32>
    %add3A_1083 = arith.addi %add3A_1070, %mul3A_1082 : vector<16xi32>
    %get3A_1084 = arith.constant 25 : i32
    %get3A_1085 = arith.index_cast %get3A_1084 : i32 to index
    %get3A_1086 = arith.constant 0 : index
    %get3A_1087 = tpu.vector_load %arg17[%get3A_1085, %get3A_1086] {strides = array<i32>} : memref<32x16xi32, #tpu.memory_space<vmem>>, vector<16xi32>,
    %add3A_1088 = arith.addi %add3A_1075, %get3A_1087 : vector<16xi32>
    %lt3A_1089 = arith.constant 25 : i32
    %lt3A_1090 = arith.cmpi slt, %lt3A_1089, %add3A : i32
    %jit3A_1091 = arith.constant 1 : i32
    %jit3A_1092 = arith.constant 0 : i32
    %select_n3A_1093 = arith.select %lt3A_1090, %jit3A_1091, %jit3A_1092 : i32
    %mul3A_1094 = vector.broadcast %select_n3A_1093 : i32 to vector<16xi32>
    %mul3A_1095 = arith.muli %get3A_1087, %mul3A_1094 : vector<16xi32>
    %add3A_1096 = arith.addi %add3A_1083, %mul3A_1095 : vector<16xi32>
    %get3A_1097 = arith.constant 26 : i32
    %get3A_1098 = arith.index_cast %get3A_1097 : i32 to index
    %get3A_1099 = arith.constant 0 : index
    %get3A_1100 = tpu.vector_load %arg17[%get3A_1098, %get3A_1099] {strides = array<i32>} : memref<32x16xi32, #tpu.memory_space<vmem>>, vector<16xi32>,
    %add3A_1101 = arith.addi %add3A_1088, %get3A_1100 : vector<16xi32>
    %lt3A_1102 = arith.constant 26 : i32
    %lt3A_1103 = arith.cmpi slt, %lt3A_1102, %add3A : i32
    %jit3A_1104 = arith.constant 1 : i32
    %jit3A_1105 = arith.constant 0 : i32
    %select_n3A_1106 = arith.select %lt3A_1103, %jit3A_1104, %jit3A_1105 : i32
    %mul3A_1107 = vector.broadcast %select_n3A_1106 : i32 to vector<16xi32>
    %mul3A_1108 = arith.muli %get3A_1100, %mul3A_1107 : vector<16xi32>
    %add3A_1109 = arith.addi %add3A_1096, %mul3A_1108 : vector<16xi32>
    %get3A_1110 = arith.constant 27 : i32
    %get3A_1111 = arith.index_cast %get3A_1110 : i32 to index
    %get3A_1112 = arith.constant 0 : index
    %get3A_1113 = tpu.vector_load %arg17[%get3A_1111, %get3A_1112] {strides = array<i32>} : memref<32x16xi32, #tpu.memory_space<vmem>>, vector<16xi32>,
    %add3A_1114 = arith.addi %add3A_1101, %get3A_1113 : vector<16xi32>
    %lt3A_1115 = arith.constant 27 : i32
    %lt3A_1116 = arith.cmpi slt, %lt3A_1115, %add3A : i32
    %jit3A_1117 = arith.constant 1 : i32
    %jit3A_1118 = arith.constant 0 : i32
    %select_n3A_1119 = arith.select %lt3A_1116, %jit3A_1117, %jit3A_1118 : i32
    %mul3A_1120 = vector.broadcast %select_n3A_1119 : i32 to vector<16xi32>
    %mul3A_1121 = arith.muli %get3A_1113, %mul3A_1120 : vector<16xi32>
    %add3A_1122 = arith.addi %add3A_1109, %mul3A_1121 : vector<16xi32>
    %get3A_1123 = arith.constant 28 : i32
    %get3A_1124 = arith.index_cast %get3A_1123 : i32 to index
    %get3A_1125 = arith.constant 0 : index
    %get3A_1126 = tpu.vector_load %arg17[%get3A_1124, %get3A_1125] {strides = array<i32>} : memref<32x16xi32, #tpu.memory_space<vmem>>, vector<16xi32>,
    %add3A_1127 = arith.addi %add3A_1114, %get3A_1126 : vector<16xi32>
    %lt3A_1128 = arith.constant 28 : i32
    %lt3A_1129 = arith.cmpi slt, %lt3A_1128, %add3A : i32
    %jit3A_1130 = arith.constant 1 : i32
    %jit3A_1131 = arith.constant 0 : i32
    %select_n3A_1132 = arith.select %lt3A_1129, %jit3A_1130, %jit3A_1131 : i32
    %mul3A_1133 = vector.broadcast %select_n3A_1132 : i32 to vector<16xi32>
    %mul3A_1134 = arith.muli %get3A_1126, %mul3A_1133 : vector<16xi32>
    %add3A_1135 = arith.addi %add3A_1122, %mul3A_1134 : vector<16xi32>
    %get3A_1136 = arith.constant 29 : i32
    %get3A_1137 = arith.index_cast %get3A_1136 : i32 to index
    %get3A_1138 = arith.constant 0 : index
    %get3A_1139 = tpu.vector_load %arg17[%get3A_1137, %get3A_1138] {strides = array<i32>} : memref<32x16xi32, #tpu.memory_space<vmem>>, vector<16xi32>,
    %add3A_1140 = arith.addi %add3A_1127, %get3A_1139 : vector<16xi32>
    %lt3A_1141 = arith.constant 29 : i32
    %lt3A_1142 = arith.cmpi slt, %lt3A_1141, %add3A : i32
    %jit3A_1143 = arith.constant 1 : i32
    %jit3A_1144 = arith.constant 0 : i32
    %select_n3A_1145 = arith.select %lt3A_1142, %jit3A_1143, %jit3A_1144 : i32
    %mul3A_1146 = vector.broadcast %select_n3A_1145 : i32 to vector<16xi32>
    %mul3A_1147 = arith.muli %get3A_1139, %mul3A_1146 : vector<16xi32>
    %add3A_1148 = arith.addi %add3A_1135, %mul3A_1147 : vector<16xi32>
    %get3A_1149 = arith.constant 30 : i32
    %get3A_1150 = arith.index_cast %get3A_1149 : i32 to index
    %get3A_1151 = arith.constant 0 : index
    %get3A_1152 = tpu.vector_load %arg17[%get3A_1150, %get3A_1151] {strides = array<i32>} : memref<32x16xi32, #tpu.memory_space<vmem>>, vector<16xi32>,
    %add3A_1153 = arith.addi %add3A_1140, %get3A_1152 : vector<16xi32>
    %lt3A_1154 = arith.constant 30 : i32
    %lt3A_1155 = arith.cmpi slt, %lt3A_1154, %add3A : i32
    %jit3A_1156 = arith.constant 1 : i32
    %jit3A_1157 = arith.constant 0 : i32
    %select_n3A_1158 = arith.select %lt3A_1155, %jit3A_1156, %jit3A_1157 : i32
    %mul3A_1159 = vector.broadcast %select_n3A_1158 : i32 to vector<16xi32>
    %mul3A_1160 = arith.muli %get3A_1152, %mul3A_1159 : vector<16xi32>
    %add3A_1161 = arith.addi %add3A_1148, %mul3A_1160 : vector<16xi32>
    %get3A_1162 = arith.constant 31 : i32
    %get3A_1163 = arith.index_cast %get3A_1162 : i32 to index
    %get3A_1164 = arith.constant 0 : index
    %get3A_1165 = tpu.vector_load %arg17[%get3A_1163, %get3A_1164] {strides = array<i32>} : memref<32x16xi32, #tpu.memory_space<vmem>>, vector<16xi32>,
    %add3A_1166 = arith.addi %add3A_1153, %get3A_1165 : vector<16xi32>
    %lt3A_1167 = arith.constant 31 : i32
    %lt3A_1168 = arith.cmpi slt, %lt3A_1167, %add3A : i32
    %jit3A_1169 = arith.constant 1 : i32
    %jit3A_1170 = arith.constant 0 : i32
    %select_n3A_1171 = arith.select %lt3A_1168, %jit3A_1169, %jit3A_1170 : i32
    %mul3A_1172 = vector.broadcast %select_n3A_1171 : i32 to vector<16xi32>
    %mul3A_1173 = arith.muli %get3A_1165, %mul3A_1172 : vector<16xi32>
    %add3A_1174 = arith.addi %add3A_1161, %mul3A_1173 : vector<16xi32>
    %cumsum3A = arith.constant true
    %cumsum3A_1175 = vector.broadcast %cumsum3A : i1 to vector<16xi1>
    %cumsum3A_1176 = tpu.scan <sum>, %add3A_1166 masked %cumsum3A_1175 : vector<16xi32>, vector<16xi1> -> vector<16xi32>
    %sub3A_1177 = arith.subi %cumsum3A_1176, %add3A_1166 : vector<16xi32>
    %add3A_1178 = arith.addi %sub3A_1177, %add3A_1174 : vector<16xi32>
    %eq3A_1179 = arith.constant 0 : i32
    %eq3A_1180 = arith.cmpi eq, %add3A, %eq3A_1179 : i32
    %convert_element_type3A_1181 = arith.extui %eq3A_1180 : i1 to i32
    %cond3A = arith.constant 0 : i32
    %cond3A_1182 = arith.cmpi ne, %convert_element_type3A_1181, %cond3A : i32
    scf.if %cond3A_1182 {
      %add3A_1896 = arith.addi %sub3A_1177, %add3A_1166 : vector<16xi32>
      %broadcast_in_dim3A_1897 = arith.constant 2048 : i32
      %broadcast_in_dim3A_1898 = vector.broadcast %broadcast_in_dim3A_1897 : i32 to vector<16xi32>
      %broadcast_in_dim3A_1899 = arith.constant 2048 : i32
      %broadcast_in_dim3A_1900 = vector.broadcast %broadcast_in_dim3A_1899 : i32 to vector<16xi32>
      %lt3A_1901 = arith.constant 0 : i32
      %lt3A_1902 = vector.broadcast %lt3A_1901 : i32 to vector<16xi32>
      %lt3A_1903 = arith.cmpi slt, %sub3A_1177, %lt3A_1902 : vector<16xi32>
      %ge3A = arith.constant 1 : i32
      %ge3A_1904 = vector.broadcast %ge3A : i32 to vector<16xi32>
      %ge3A_1905 = arith.cmpi sge, %iota3A, %ge3A_1904 : vector<16xi32>
      %and3A = arith.andi %lt3A_1903, %ge3A_1905 : vector<16xi1>
      %lt3A_1906 = arith.constant 8 : i32
      %lt3A_1907 = vector.broadcast %lt3A_1906 : i32 to vector<16xi32>
      %lt3A_1908 = arith.cmpi slt, %iota3A, %lt3A_1907 : vector<16xi32>
      %and3A_1909 = arith.andi %and3A, %lt3A_1908 : vector<16xi1>
      %all_reduce_population_count3A = tpu.all_reduce %and3A_1909 {dim = 0 : i64, kind = #tpu.reduction_kind<sum>} : vector<16xi1> -> vector<16xi32>
      %add3A_1910 = arith.constant 0 : i32
      %add3A_1911 = vector.broadcast %add3A_1910 : i32 to vector<16xi32>
      %add3A_1912 = arith.addi %all_reduce_population_count3A, %add3A_1911 : vector<16xi32>
      %eq3A_1913 = arith.cmpi eq, %iota3A, %add3A_1912 : vector<16xi32>
      %jit3A_1914 = arith.constant 0 : i32
      %broadcast_in_dim3A_1915 = vector.broadcast %jit3A_1914 : i32 to vector<16xi32>
      %select_n3A_1916 = arith.select %eq3A_1913, %broadcast_in_dim3A_1915, %broadcast_in_dim3A_1898 : vector<16xi1>, vector<16xi32>
      %sub3A_1917 = arith.constant 1 : i32
      %sub3A_1918 = vector.broadcast %sub3A_1917 : i32 to vector<16xi32>
      %sub3A_1919 = arith.subi %add3A_1912, %sub3A_1918 : vector<16xi32>
      %eq3A_1920 = arith.cmpi eq, %iota3A, %sub3A_1919 : vector<16xi32>
      %jit3A_1921 = arith.constant 0 : i32
      %broadcast_in_dim3A_1922 = vector.broadcast %jit3A_1921 : i32 to vector<16xi32>
      %select_n3A_1923 = arith.select %eq3A_1920, %broadcast_in_dim3A_1922, %broadcast_in_dim3A_1900 : vector<16xi1>, vector<16xi32>
      %lt3A_1924 = arith.constant 512 : i32
      %lt3A_1925 = vector.broadcast %lt3A_1924 : i32 to vector<16xi32>
      %lt3A_1926 = arith.cmpi slt, %sub3A_1177, %lt3A_1925 : vector<16xi32>
      %ge3A_1927 = arith.constant 1 : i32
      %ge3A_1928 = vector.broadcast %ge3A_1927 : i32 to vector<16xi32>
      %ge3A_1929 = arith.cmpi sge, %iota3A, %ge3A_1928 : vector<16xi32>
      %and3A_1930 = arith.andi %lt3A_1926, %ge3A_1929 : vector<16xi1>
      %lt3A_1931 = arith.constant 8 : i32
      %lt3A_1932 = vector.broadcast %lt3A_1931 : i32 to vector<16xi32>
      %lt3A_1933 = arith.cmpi slt, %iota3A, %lt3A_1932 : vector<16xi32>
      %and3A_1934 = arith.andi %and3A_1930, %lt3A_1933 : vector<16xi1>
      %all_reduce_population_count3A_1935 = tpu.all_reduce %and3A_1934 {dim = 0 : i64, kind = #tpu.reduction_kind<sum>} : vector<16xi1> -> vector<16xi32>
      %add3A_1936 = arith.constant 1 : i32
      %add3A_1937 = vector.broadcast %add3A_1936 : i32 to vector<16xi32>
      %add3A_1938 = arith.addi %all_reduce_population_count3A_1935, %add3A_1937 : vector<16xi32>
      %eq3A_1939 = arith.cmpi eq, %iota3A, %add3A_1938 : vector<16xi32>
      %jit3A_1940 = arith.constant 512 : i32
      %broadcast_in_dim3A_1941 = vector.broadcast %jit3A_1940 : i32 to vector<16xi32>
      %select_n3A_1942 = arith.select %eq3A_1939, %broadcast_in_dim3A_1941, %select_n3A_1916 : vector<16xi1>, vector<16xi32>
      %sub3A_1943 = arith.constant 1 : i32
      %sub3A_1944 = vector.broadcast %sub3A_1943 : i32 to vector<16xi32>
      %sub3A_1945 = arith.subi %add3A_1938, %sub3A_1944 : vector<16xi32>
      %eq3A_1946 = arith.cmpi eq, %iota3A, %sub3A_1945 : vector<16xi32>
      %jit3A_1947 = arith.constant 512 : i32
      %broadcast_in_dim3A_1948 = vector.broadcast %jit3A_1947 : i32 to vector<16xi32>
      %select_n3A_1949 = arith.select %eq3A_1946, %broadcast_in_dim3A_1948, %select_n3A_1923 : vector<16xi1>, vector<16xi32>
      %lt3A_1950 = arith.constant 1024 : i32
      %lt3A_1951 = vector.broadcast %lt3A_1950 : i32 to vector<16xi32>
      %lt3A_1952 = arith.cmpi slt, %sub3A_1177, %lt3A_1951 : vector<16xi32>
      %ge3A_1953 = arith.constant 1 : i32
      %ge3A_1954 = vector.broadcast %ge3A_1953 : i32 to vector<16xi32>
      %ge3A_1955 = arith.cmpi sge, %iota3A, %ge3A_1954 : vector<16xi32>
      %and3A_1956 = arith.andi %lt3A_1952, %ge3A_1955 : vector<16xi1>
      %lt3A_1957 = arith.constant 8 : i32
      %lt3A_1958 = vector.broadcast %lt3A_1957 : i32 to vector<16xi32>
      %lt3A_1959 = arith.cmpi slt, %iota3A, %lt3A_1958 : vector<16xi32>
      %and3A_1960 = arith.andi %and3A_1956, %lt3A_1959 : vector<16xi1>
      %all_reduce_population_count3A_1961 = tpu.all_reduce %and3A_1960 {dim = 0 : i64, kind = #tpu.reduction_kind<sum>} : vector<16xi1> -> vector<16xi32>
      %add3A_1962 = arith.constant 2 : i32
      %add3A_1963 = vector.broadcast %add3A_1962 : i32 to vector<16xi32>
      %add3A_1964 = arith.addi %all_reduce_population_count3A_1961, %add3A_1963 : vector<16xi32>
      %eq3A_1965 = arith.cmpi eq, %iota3A, %add3A_1964 : vector<16xi32>
      %jit3A_1966 = arith.constant 1024 : i32
      %broadcast_in_dim3A_1967 = vector.broadcast %jit3A_1966 : i32 to vector<16xi32>
      %select_n3A_1968 = arith.select %eq3A_1965, %broadcast_in_dim3A_1967, %select_n3A_1942 : vector<16xi1>, vector<16xi32>
      %sub3A_1969 = arith.constant 1 : i32
      %sub3A_1970 = vector.broadcast %sub3A_1969 : i32 to vector<16xi32>
      %sub3A_1971 = arith.subi %add3A_1964, %sub3A_1970 : vector<16xi32>
      %eq3A_1972 = arith.cmpi eq, %iota3A, %sub3A_1971 : vector<16xi32>
      %jit3A_1973 = arith.constant 1024 : i32
      %broadcast_in_dim3A_1974 = vector.broadcast %jit3A_1973 : i32 to vector<16xi32>
      %select_n3A_1975 = arith.select %eq3A_1972, %broadcast_in_dim3A_1974, %select_n3A_1949 : vector<16xi1>, vector<16xi32>
      %lt3A_1976 = arith.constant 1536 : i32
      %lt3A_1977 = vector.broadcast %lt3A_1976 : i32 to vector<16xi32>
      %lt3A_1978 = arith.cmpi slt, %sub3A_1177, %lt3A_1977 : vector<16xi32>
      %ge3A_1979 = arith.constant 1 : i32
      %ge3A_1980 = vector.broadcast %ge3A_1979 : i32 to vector<16xi32>
      %ge3A_1981 = arith.cmpi sge, %iota3A, %ge3A_1980 : vector<16xi32>
      %and3A_1982 = arith.andi %lt3A_1978, %ge3A_1981 : vector<16xi1>
      %lt3A_1983 = arith.constant 8 : i32
      %lt3A_1984 = vector.broadcast %lt3A_1983 : i32 to vector<16xi32>
      %lt3A_1985 = arith.cmpi slt, %iota3A, %lt3A_1984 : vector<16xi32>
      %and3A_1986 = arith.andi %and3A_1982, %lt3A_1985 : vector<16xi1>
      %all_reduce_population_count3A_1987 = tpu.all_reduce %and3A_1986 {dim = 0 : i64, kind = #tpu.reduction_kind<sum>} : vector<16xi1> -> vector<16xi32>
      %add3A_1988 = arith.constant 3 : i32
      %add3A_1989 = vector.broadcast %add3A_1988 : i32 to vector<16xi32>
      %add3A_1990 = arith.addi %all_reduce_population_count3A_1987, %add3A_1989 : vector<16xi32>
      %eq3A_1991 = arith.cmpi eq, %iota3A, %add3A_1990 : vector<16xi32>
      %jit3A_1992 = arith.constant 1536 : i32
      %broadcast_in_dim3A_1993 = vector.broadcast %jit3A_1992 : i32 to vector<16xi32>
      %select_n3A_1994 = arith.select %eq3A_1991, %broadcast_in_dim3A_1993, %select_n3A_1968 : vector<16xi1>, vector<16xi32>
      %sub3A_1995 = arith.constant 1 : i32
      %sub3A_1996 = vector.broadcast %sub3A_1995 : i32 to vector<16xi32>
      %sub3A_1997 = arith.subi %add3A_1990, %sub3A_1996 : vector<16xi32>
      %eq3A_1998 = arith.cmpi eq, %iota3A, %sub3A_1997 : vector<16xi32>
      %jit3A_1999 = arith.constant 1536 : i32
      %broadcast_in_dim3A_2000 = vector.broadcast %jit3A_1999 : i32 to vector<16xi32>
      %select_n3A_2001 = arith.select %eq3A_1998, %broadcast_in_dim3A_2000, %select_n3A_1975 : vector<16xi1>, vector<16xi32>
      %mul3A_2002 = arith.constant 512 : i32
      %mul3A_2003 = vector.broadcast %mul3A_2002 : i32 to vector<16xi32>
      %mul3A_2004 = arith.muli %iota3A, %mul3A_2003 : vector<16xi32>
      %slice3A = vector.extract_strided_slice %sub3A_1177 {offsets = [1], sizes = [1], strides = [1]} : vector<16xi32> to vector<1xi32>
      %squeeze3A = vector.extract %slice3A[0] : i32 from vector<1xi32>
      %lt3A_2005 = arith.constant 4 : i32
      %lt3A_2006 = vector.broadcast %lt3A_2005 : i32 to vector<16xi32>
      %lt3A_2007 = arith.cmpi slt, %iota3A, %lt3A_2006 : vector<16xi32>
      %le3A = vector.broadcast %squeeze3A : i32 to vector<16xi32>
      %le3A_2008 = arith.cmpi sle, %mul3A_2004, %le3A : vector<16xi32>
      %and3A_2009 = arith.andi %lt3A_2007, %le3A_2008 : vector<16xi1>
      %all_reduce_population_count3A_2010 = tpu.all_reduce %and3A_2009 {dim = 0 : i64, kind = #tpu.reduction_kind<sum>} : vector<16xi1> -> vector<16xi32>
      %add3A_2011 = arith.constant 0 : i32
      %add3A_2012 = vector.broadcast %add3A_2011 : i32 to vector<16xi32>
      %add3A_2013 = arith.addi %all_reduce_population_count3A_2010, %add3A_2012 : vector<16xi32>
      %eq3A_2014 = arith.cmpi eq, %iota3A, %add3A_2013 : vector<16xi32>
      %broadcast_in_dim3A_2015 = vector.broadcast %squeeze3A : i32 to vector<16xi32>
      %select_n3A_2016 = arith.select %eq3A_2014, %broadcast_in_dim3A_2015, %select_n3A_1994 : vector<16xi1>, vector<16xi32>
      %sub3A_2017 = arith.constant 1 : i32
      %sub3A_2018 = vector.broadcast %sub3A_2017 : i32 to vector<16xi32>
      %sub3A_2019 = arith.subi %add3A_2013, %sub3A_2018 : vector<16xi32>
      %eq3A_2020 = arith.cmpi eq, %iota3A, %sub3A_2019 : vector<16xi32>
      %broadcast_in_dim3A_2021 = vector.broadcast %squeeze3A : i32 to vector<16xi32>
      %select_n3A_2022 = arith.select %eq3A_2020, %broadcast_in_dim3A_2021, %select_n3A_2001 : vector<16xi1>, vector<16xi32>
      %slice3A_2023 = vector.extract_strided_slice %sub3A_1177 {offsets = [2], sizes = [1], strides = [1]} : vector<16xi32> to vector<1xi32>
      %squeeze3A_2024 = vector.extract %slice3A_2023[0] : i32 from vector<1xi32>
      %lt3A_2025 = arith.constant 4 : i32
      %lt3A_2026 = vector.broadcast %lt3A_2025 : i32 to vector<16xi32>
      %lt3A_2027 = arith.cmpi slt, %iota3A, %lt3A_2026 : vector<16xi32>
      %le3A_2028 = vector.broadcast %squeeze3A_2024 : i32 to vector<16xi32>
      %le3A_2029 = arith.cmpi sle, %mul3A_2004, %le3A_2028 : vector<16xi32>
      %and3A_2030 = arith.andi %lt3A_2027, %le3A_2029 : vector<16xi1>
      %all_reduce_population_count3A_2031 = tpu.all_reduce %and3A_2030 {dim = 0 : i64, kind = #tpu.reduction_kind<sum>} : vector<16xi1> -> vector<16xi32>
      %add3A_2032 = arith.constant 1 : i32
      %add3A_2033 = vector.broadcast %add3A_2032 : i32 to vector<16xi32>
      %add3A_2034 = arith.addi %all_reduce_population_count3A_2031, %add3A_2033 : vector<16xi32>
      %eq3A_2035 = arith.cmpi eq, %iota3A, %add3A_2034 : vector<16xi32>
      %broadcast_in_dim3A_2036 = vector.broadcast %squeeze3A_2024 : i32 to vector<16xi32>
      %select_n3A_2037 = arith.select %eq3A_2035, %broadcast_in_dim3A_2036, %select_n3A_2016 : vector<16xi1>, vector<16xi32>
      %sub3A_2038 = arith.constant 1 : i32
      %sub3A_2039 = vector.broadcast %sub3A_2038 : i32 to vector<16xi32>
      %sub3A_2040 = arith.subi %add3A_2034, %sub3A_2039 : vector<16xi32>
      %eq3A_2041 = arith.cmpi eq, %iota3A, %sub3A_2040 : vector<16xi32>
      %broadcast_in_dim3A_2042 = vector.broadcast %squeeze3A_2024 : i32 to vector<16xi32>
      %select_n3A_2043 = arith.select %eq3A_2041, %broadcast_in_dim3A_2042, %select_n3A_2022 : vector<16xi1>, vector<16xi32>
      %slice3A_2044 = vector.extract_strided_slice %sub3A_1177 {offsets = [3], sizes = [1], strides = [1]} : vector<16xi32> to vector<1xi32>
      %squeeze3A_2045 = vector.extract %slice3A_2044[0] : i32 from vector<1xi32>
      %lt3A_2046 = arith.constant 4 : i32
      %lt3A_2047 = vector.broadcast %lt3A_2046 : i32 to vector<16xi32>
      %lt3A_2048 = arith.cmpi slt, %iota3A, %lt3A_2047 : vector<16xi32>
      %le3A_2049 = vector.broadcast %squeeze3A_2045 : i32 to vector<16xi32>
      %le3A_2050 = arith.cmpi sle, %mul3A_2004, %le3A_2049 : vector<16xi32>
      %and3A_2051 = arith.andi %lt3A_2048, %le3A_2050 : vector<16xi1>
      %all_reduce_population_count3A_2052 = tpu.all_reduce %and3A_2051 {dim = 0 : i64, kind = #tpu.reduction_kind<sum>} : vector<16xi1> -> vector<16xi32>
      %add3A_2053 = arith.constant 2 : i32
      %add3A_2054 = vector.broadcast %add3A_2053 : i32 to vector<16xi32>
      %add3A_2055 = arith.addi %all_reduce_population_count3A_2052, %add3A_2054 : vector<16xi32>
      %eq3A_2056 = arith.cmpi eq, %iota3A, %add3A_2055 : vector<16xi32>
      %broadcast_in_dim3A_2057 = vector.broadcast %squeeze3A_2045 : i32 to vector<16xi32>
      %select_n3A_2058 = arith.select %eq3A_2056, %broadcast_in_dim3A_2057, %select_n3A_2037 : vector<16xi1>, vector<16xi32>
      %sub3A_2059 = arith.constant 1 : i32
      %sub3A_2060 = vector.broadcast %sub3A_2059 : i32 to vector<16xi32>
      %sub3A_2061 = arith.subi %add3A_2055, %sub3A_2060 : vector<16xi32>
      %eq3A_2062 = arith.cmpi eq, %iota3A, %sub3A_2061 : vector<16xi32>
      %broadcast_in_dim3A_2063 = vector.broadcast %squeeze3A_2045 : i32 to vector<16xi32>
      %select_n3A_2064 = arith.select %eq3A_2062, %broadcast_in_dim3A_2063, %select_n3A_2043 : vector<16xi1>, vector<16xi32>
      %slice3A_2065 = vector.extract_strided_slice %sub3A_1177 {offsets = [4], sizes = [1], strides = [1]} : vector<16xi32> to vector<1xi32>
      %squeeze3A_2066 = vector.extract %slice3A_2065[0] : i32 from vector<1xi32>
      %lt3A_2067 = arith.constant 4 : i32
      %lt3A_2068 = vector.broadcast %lt3A_2067 : i32 to vector<16xi32>
      %lt3A_2069 = arith.cmpi slt, %iota3A, %lt3A_2068 : vector<16xi32>
      %le3A_2070 = vector.broadcast %squeeze3A_2066 : i32 to vector<16xi32>
      %le3A_2071 = arith.cmpi sle, %mul3A_2004, %le3A_2070 : vector<16xi32>
      %and3A_2072 = arith.andi %lt3A_2069, %le3A_2071 : vector<16xi1>
      %all_reduce_population_count3A_2073 = tpu.all_reduce %and3A_2072 {dim = 0 : i64, kind = #tpu.reduction_kind<sum>} : vector<16xi1> -> vector<16xi32>
      %add3A_2074 = arith.constant 3 : i32
      %add3A_2075 = vector.broadcast %add3A_2074 : i32 to vector<16xi32>
      %add3A_2076 = arith.addi %all_reduce_population_count3A_2073, %add3A_2075 : vector<16xi32>
      %eq3A_2077 = arith.cmpi eq, %iota3A, %add3A_2076 : vector<16xi32>
      %broadcast_in_dim3A_2078 = vector.broadcast %squeeze3A_2066 : i32 to vector<16xi32>
      %select_n3A_2079 = arith.select %eq3A_2077, %broadcast_in_dim3A_2078, %select_n3A_2058 : vector<16xi1>, vector<16xi32>
      %sub3A_2080 = arith.constant 1 : i32
      %sub3A_2081 = vector.broadcast %sub3A_2080 : i32 to vector<16xi32>
      %sub3A_2082 = arith.subi %add3A_2076, %sub3A_2081 : vector<16xi32>
      %eq3A_2083 = arith.cmpi eq, %iota3A, %sub3A_2082 : vector<16xi32>
      %broadcast_in_dim3A_2084 = vector.broadcast %squeeze3A_2066 : i32 to vector<16xi32>
      %select_n3A_2085 = arith.select %eq3A_2083, %broadcast_in_dim3A_2084, %select_n3A_2064 : vector<16xi1>, vector<16xi32>
      %slice3A_2086 = vector.extract_strided_slice %sub3A_1177 {offsets = [5], sizes = [1], strides = [1]} : vector<16xi32> to vector<1xi32>
      %squeeze3A_2087 = vector.extract %slice3A_2086[0] : i32 from vector<1xi32>
      %lt3A_2088 = arith.constant 4 : i32
      %lt3A_2089 = vector.broadcast %lt3A_2088 : i32 to vector<16xi32>
      %lt3A_2090 = arith.cmpi slt, %iota3A, %lt3A_2089 : vector<16xi32>
      %le3A_2091 = vector.broadcast %squeeze3A_2087 : i32 to vector<16xi32>
      %le3A_2092 = arith.cmpi sle, %mul3A_2004, %le3A_2091 : vector<16xi32>
      %and3A_2093 = arith.andi %lt3A_2090, %le3A_2092 : vector<16xi1>
      %all_reduce_population_count3A_2094 = tpu.all_reduce %and3A_2093 {dim = 0 : i64, kind = #tpu.reduction_kind<sum>} : vector<16xi1> -> vector<16xi32>
      %add3A_2095 = arith.constant 4 : i32
      %add3A_2096 = vector.broadcast %add3A_2095 : i32 to vector<16xi32>
      %add3A_2097 = arith.addi %all_reduce_population_count3A_2094, %add3A_2096 : vector<16xi32>
      %eq3A_2098 = arith.cmpi eq, %iota3A, %add3A_2097 : vector<16xi32>
      %broadcast_in_dim3A_2099 = vector.broadcast %squeeze3A_2087 : i32 to vector<16xi32>
      %select_n3A_2100 = arith.select %eq3A_2098, %broadcast_in_dim3A_2099, %select_n3A_2079 : vector<16xi1>, vector<16xi32>
      %sub3A_2101 = arith.constant 1 : i32
      %sub3A_2102 = vector.broadcast %sub3A_2101 : i32 to vector<16xi32>
      %sub3A_2103 = arith.subi %add3A_2097, %sub3A_2102 : vector<16xi32>
      %eq3A_2104 = arith.cmpi eq, %iota3A, %sub3A_2103 : vector<16xi32>
      %broadcast_in_dim3A_2105 = vector.broadcast %squeeze3A_2087 : i32 to vector<16xi32>
      %select_n3A_2106 = arith.select %eq3A_2104, %broadcast_in_dim3A_2105, %select_n3A_2085 : vector<16xi1>, vector<16xi32>
      %slice3A_2107 = vector.extract_strided_slice %sub3A_1177 {offsets = [6], sizes = [1], strides = [1]} : vector<16xi32> to vector<1xi32>
      %squeeze3A_2108 = vector.extract %slice3A_2107[0] : i32 from vector<1xi32>
      %lt3A_2109 = arith.constant 4 : i32
      %lt3A_2110 = vector.broadcast %lt3A_2109 : i32 to vector<16xi32>
      %lt3A_2111 = arith.cmpi slt, %iota3A, %lt3A_2110 : vector<16xi32>
      %le3A_2112 = vector.broadcast %squeeze3A_2108 : i32 to vector<16xi32>
      %le3A_2113 = arith.cmpi sle, %mul3A_2004, %le3A_2112 : vector<16xi32>
      %and3A_2114 = arith.andi %lt3A_2111, %le3A_2113 : vector<16xi1>
      %all_reduce_population_count3A_2115 = tpu.all_reduce %and3A_2114 {dim = 0 : i64, kind = #tpu.reduction_kind<sum>} : vector<16xi1> -> vector<16xi32>
      %add3A_2116 = arith.constant 5 : i32
      %add3A_2117 = vector.broadcast %add3A_2116 : i32 to vector<16xi32>
      %add3A_2118 = arith.addi %all_reduce_population_count3A_2115, %add3A_2117 : vector<16xi32>
      %eq3A_2119 = arith.cmpi eq, %iota3A, %add3A_2118 : vector<16xi32>
      %broadcast_in_dim3A_2120 = vector.broadcast %squeeze3A_2108 : i32 to vector<16xi32>
      %select_n3A_2121 = arith.select %eq3A_2119, %broadcast_in_dim3A_2120, %select_n3A_2100 : vector<16xi1>, vector<16xi32>
      %sub3A_2122 = arith.constant 1 : i32
      %sub3A_2123 = vector.broadcast %sub3A_2122 : i32 to vector<16xi32>
      %sub3A_2124 = arith.subi %add3A_2118, %sub3A_2123 : vector<16xi32>
      %eq3A_2125 = arith.cmpi eq, %iota3A, %sub3A_2124 : vector<16xi32>
      %broadcast_in_dim3A_2126 = vector.broadcast %squeeze3A_2108 : i32 to vector<16xi32>
      %select_n3A_2127 = arith.select %eq3A_2125, %broadcast_in_dim3A_2126, %select_n3A_2106 : vector<16xi1>, vector<16xi32>
      %slice3A_2128 = vector.extract_strided_slice %sub3A_1177 {offsets = [7], sizes = [1], strides = [1]} : vector<16xi32> to vector<1xi32>
      %squeeze3A_2129 = vector.extract %slice3A_2128[0] : i32 from vector<1xi32>
      %lt3A_2130 = arith.constant 4 : i32
      %lt3A_2131 = vector.broadcast %lt3A_2130 : i32 to vector<16xi32>
      %lt3A_2132 = arith.cmpi slt, %iota3A, %lt3A_2131 : vector<16xi32>
      %le3A_2133 = vector.broadcast %squeeze3A_2129 : i32 to vector<16xi32>
      %le3A_2134 = arith.cmpi sle, %mul3A_2004, %le3A_2133 : vector<16xi32>
      %and3A_2135 = arith.andi %lt3A_2132, %le3A_2134 : vector<16xi1>
      %all_reduce_population_count3A_2136 = tpu.all_reduce %and3A_2135 {dim = 0 : i64, kind = #tpu.reduction_kind<sum>} : vector<16xi1> -> vector<16xi32>
      %add3A_2137 = arith.constant 6 : i32
      %add3A_2138 = vector.broadcast %add3A_2137 : i32 to vector<16xi32>
      %add3A_2139 = arith.addi %all_reduce_population_count3A_2136, %add3A_2138 : vector<16xi32>
      %eq3A_2140 = arith.cmpi eq, %iota3A, %add3A_2139 : vector<16xi32>
      %broadcast_in_dim3A_2141 = vector.broadcast %squeeze3A_2129 : i32 to vector<16xi32>
      %select_n3A_2142 = arith.select %eq3A_2140, %broadcast_in_dim3A_2141, %select_n3A_2121 : vector<16xi1>, vector<16xi32>
      %sub3A_2143 = arith.constant 1 : i32
      %sub3A_2144 = vector.broadcast %sub3A_2143 : i32 to vector<16xi32>
      %sub3A_2145 = arith.subi %add3A_2139, %sub3A_2144 : vector<16xi32>
      %eq3A_2146 = arith.cmpi eq, %iota3A, %sub3A_2145 : vector<16xi32>
      %broadcast_in_dim3A_2147 = vector.broadcast %squeeze3A_2129 : i32 to vector<16xi32>
      %select_n3A_2148 = arith.select %eq3A_2146, %broadcast_in_dim3A_2147, %select_n3A_2127 : vector<16xi1>, vector<16xi32>
      %jit3A_2149 = arith.constant 512 : i32
      %div3A = vector.broadcast %jit3A_2149 : i32 to vector<16xi32>
      %div3A_2150 = arith.divsi %select_n3A_2142, %div3A : vector<16xi32>
      %sign3A = arith.constant 0 : i32
      %sign3A_2151 = vector.broadcast %sign3A : i32 to vector<16xi32>
      %sign3A_2152 = arith.cmpi sgt, %select_n3A_2142, %sign3A_2151 : vector<16xi32>
      %sign3A_2153 = arith.extui %sign3A_2152 : vector<16xi1> to vector<16xi32>
      %sign3A_2154 = arith.constant 0 : i32
      %sign3A_2155 = vector.broadcast %sign3A_2154 : i32 to vector<16xi32>
      %sign3A_2156 = arith.cmpi slt, %select_n3A_2142, %sign3A_2155 : vector<16xi32>
      %sign3A_2157 = arith.extui %sign3A_2156 : vector<16xi1> to vector<16xi32>
      %sign3A_2158 = arith.subi %sign3A_2153, %sign3A_2157 : vector<16xi32>
      %sign3A_2159 = arith.constant 0 : i32
      %sign3A_2160 = arith.cmpi sgt, %jit3A_2149, %sign3A_2159 : i32
      %sign3A_2161 = arith.extui %sign3A_2160 : i1 to i32
      %sign3A_2162 = arith.constant 0 : i32
      %sign3A_2163 = arith.cmpi slt, %jit3A_2149, %sign3A_2162 : i32
      %sign3A_2164 = arith.extui %sign3A_2163 : i1 to i32
      %sign3A_2165 = arith.subi %sign3A_2161, %sign3A_2164 : i32
      %ne3A = vector.broadcast %sign3A_2165 : i32 to vector<16xi32>
      %ne3A_2166 = arith.cmpi ne, %sign3A_2158, %ne3A : vector<16xi32>
      %rem3A = vector.broadcast %jit3A_2149 : i32 to vector<16xi32>
      %rem3A_2167 = arith.remsi %select_n3A_2142, %rem3A : vector<16xi32>
      %ne3A_2168 = arith.constant 0 : i32
      %ne3A_2169 = vector.broadcast %ne3A_2168 : i32 to vector<16xi32>
      %ne3A_2170 = arith.cmpi ne, %rem3A_2167, %ne3A_2169 : vector<16xi32>
      %and3A_2171 = arith.andi %ne3A_2166, %ne3A_2170 : vector<16xi1>
      %sub3A_2172 = arith.constant 1 : i32
      %sub3A_2173 = vector.broadcast %sub3A_2172 : i32 to vector<16xi32>
      %sub3A_2174 = arith.subi %div3A_2150, %sub3A_2173 : vector<16xi32>
      %select_n3A_2175 = arith.select %and3A_2171, %sub3A_2174, %div3A_2150 : vector<16xi1>, vector<16xi32>
      %jit3A_2176 = arith.constant 0 : i32
      %jit3A_2177 = arith.constant 3 : i32
      %max3A = vector.broadcast %jit3A_2176 : i32 to vector<16xi32>
      %max3A_2178 = arith.maxsi %max3A, %select_n3A_2175 : vector<16xi32>
      %min3A = vector.broadcast %jit3A_2177 : i32 to vector<16xi32>
      %min3A_2179 = arith.minsi %min3A, %max3A_2178 : vector<16xi32>
      %broadcast_in_dim3A_2180 = arith.constant 0 : i32
      %broadcast_in_dim3A_2181 = vector.broadcast %broadcast_in_dim3A_2180 : i32 to vector<16xi32>
      %slice3A_2182 = vector.extract_strided_slice %add3A_1896 {offsets = [0], sizes = [1], strides = [1]} : vector<16xi32> to vector<1xi32>
      %squeeze3A_2183 = vector.extract %slice3A_2182[0] : i32 from vector<1xi32>
      %le3A_2184 = vector.broadcast %squeeze3A_2183 : i32 to vector<16xi32>
      %le3A_2185 = arith.cmpi sle, %le3A_2184, %select_n3A_2142 : vector<16xi32>
      %jit3A_2186 = arith.constant 1 : i32
      %jit3A_2187 = arith.constant 0 : i32
      %broadcast_in_dim3A_2188 = vector.broadcast %jit3A_2186 : i32 to vector<16xi32>
      %broadcast_in_dim3A_2189 = vector.broadcast %jit3A_2187 : i32 to vector<16xi32>
      %select_n3A_2190 = arith.select %le3A_2185, %broadcast_in_dim3A_2188, %broadcast_in_dim3A_2189 : vector<16xi1>, vector<16xi32>
      %add3A_2191 = arith.addi %broadcast_in_dim3A_2181, %select_n3A_2190 : vector<16xi32>
      %slice3A_2192 = vector.extract_strided_slice %add3A_1896 {offsets = [1], sizes = [1], strides = [1]} : vector<16xi32> to vector<1xi32>
      %squeeze3A_2193 = vector.extract %slice3A_2192[0] : i32 from vector<1xi32>
      %le3A_2194 = vector.broadcast %squeeze3A_2193 : i32 to vector<16xi32>
      %le3A_2195 = arith.cmpi sle, %le3A_2194, %select_n3A_2142 : vector<16xi32>
      %jit3A_2196 = arith.constant 1 : i32
      %jit3A_2197 = arith.constant 0 : i32
      %broadcast_in_dim3A_2198 = vector.broadcast %jit3A_2196 : i32 to vector<16xi32>
      %broadcast_in_dim3A_2199 = vector.broadcast %jit3A_2197 : i32 to vector<16xi32>
      %select_n3A_2200 = arith.select %le3A_2195, %broadcast_in_dim3A_2198, %broadcast_in_dim3A_2199 : vector<16xi1>, vector<16xi32>
      %add3A_2201 = arith.addi %add3A_2191, %select_n3A_2200 : vector<16xi32>
      %slice3A_2202 = vector.extract_strided_slice %add3A_1896 {offsets = [2], sizes = [1], strides = [1]} : vector<16xi32> to vector<1xi32>
      %squeeze3A_2203 = vector.extract %slice3A_2202[0] : i32 from vector<1xi32>
      %le3A_2204 = vector.broadcast %squeeze3A_2203 : i32 to vector<16xi32>
      %le3A_2205 = arith.cmpi sle, %le3A_2204, %select_n3A_2142 : vector<16xi32>
      %jit3A_2206 = arith.constant 1 : i32
      %jit3A_2207 = arith.constant 0 : i32
      %broadcast_in_dim3A_2208 = vector.broadcast %jit3A_2206 : i32 to vector<16xi32>
      %broadcast_in_dim3A_2209 = vector.broadcast %jit3A_2207 : i32 to vector<16xi32>
      %select_n3A_2210 = arith.select %le3A_2205, %broadcast_in_dim3A_2208, %broadcast_in_dim3A_2209 : vector<16xi1>, vector<16xi32>
      %add3A_2211 = arith.addi %add3A_2201, %select_n3A_2210 : vector<16xi32>
      %slice3A_2212 = vector.extract_strided_slice %add3A_1896 {offsets = [3], sizes = [1], strides = [1]} : vector<16xi32> to vector<1xi32>
      %squeeze3A_2213 = vector.extract %slice3A_2212[0] : i32 from vector<1xi32>
      %le3A_2214 = vector.broadcast %squeeze3A_2213 : i32 to vector<16xi32>
      %le3A_2215 = arith.cmpi sle, %le3A_2214, %select_n3A_2142 : vector<16xi32>
      %jit3A_2216 = arith.constant 1 : i32
      %jit3A_2217 = arith.constant 0 : i32
      %broadcast_in_dim3A_2218 = vector.broadcast %jit3A_2216 : i32 to vector<16xi32>
      %broadcast_in_dim3A_2219 = vector.broadcast %jit3A_2217 : i32 to vector<16xi32>
      %select_n3A_2220 = arith.select %le3A_2215, %broadcast_in_dim3A_2218, %broadcast_in_dim3A_2219 : vector<16xi1>, vector<16xi32>
      %add3A_2221 = arith.addi %add3A_2211, %select_n3A_2220 : vector<16xi32>
      %slice3A_2222 = vector.extract_strided_slice %add3A_1896 {offsets = [4], sizes = [1], strides = [1]} : vector<16xi32> to vector<1xi32>
      %squeeze3A_2223 = vector.extract %slice3A_2222[0] : i32 from vector<1xi32>
      %le3A_2224 = vector.broadcast %squeeze3A_2223 : i32 to vector<16xi32>
      %le3A_2225 = arith.cmpi sle, %le3A_2224, %select_n3A_2142 : vector<16xi32>
      %jit3A_2226 = arith.constant 1 : i32
      %jit3A_2227 = arith.constant 0 : i32
      %broadcast_in_dim3A_2228 = vector.broadcast %jit3A_2226 : i32 to vector<16xi32>
      %broadcast_in_dim3A_2229 = vector.broadcast %jit3A_2227 : i32 to vector<16xi32>
      %select_n3A_2230 = arith.select %le3A_2225, %broadcast_in_dim3A_2228, %broadcast_in_dim3A_2229 : vector<16xi1>, vector<16xi32>
      %add3A_2231 = arith.addi %add3A_2221, %select_n3A_2230 : vector<16xi32>
      %slice3A_2232 = vector.extract_strided_slice %add3A_1896 {offsets = [5], sizes = [1], strides = [1]} : vector<16xi32> to vector<1xi32>
      %squeeze3A_2233 = vector.extract %slice3A_2232[0] : i32 from vector<1xi32>
      %le3A_2234 = vector.broadcast %squeeze3A_2233 : i32 to vector<16xi32>
      %le3A_2235 = arith.cmpi sle, %le3A_2234, %select_n3A_2142 : vector<16xi32>
      %jit3A_2236 = arith.constant 1 : i32
      %jit3A_2237 = arith.constant 0 : i32
      %broadcast_in_dim3A_2238 = vector.broadcast %jit3A_2236 : i32 to vector<16xi32>
      %broadcast_in_dim3A_2239 = vector.broadcast %jit3A_2237 : i32 to vector<16xi32>
      %select_n3A_2240 = arith.select %le3A_2235, %broadcast_in_dim3A_2238, %broadcast_in_dim3A_2239 : vector<16xi1>, vector<16xi32>
      %add3A_2241 = arith.addi %add3A_2231, %select_n3A_2240 : vector<16xi32>
      %slice3A_2242 = vector.extract_strided_slice %add3A_1896 {offsets = [6], sizes = [1], strides = [1]} : vector<16xi32> to vector<1xi32>
      %squeeze3A_2243 = vector.extract %slice3A_2242[0] : i32 from vector<1xi32>
      %le3A_2244 = vector.broadcast %squeeze3A_2243 : i32 to vector<16xi32>
      %le3A_2245 = arith.cmpi sle, %le3A_2244, %select_n3A_2142 : vector<16xi32>
      %jit3A_2246 = arith.constant 1 : i32
      %jit3A_2247 = arith.constant 0 : i32
      %broadcast_in_dim3A_2248 = vector.broadcast %jit3A_2246 : i32 to vector<16xi32>
      %broadcast_in_dim3A_2249 = vector.broadcast %jit3A_2247 : i32 to vector<16xi32>
      %select_n3A_2250 = arith.select %le3A_2245, %broadcast_in_dim3A_2248, %broadcast_in_dim3A_2249 : vector<16xi1>, vector<16xi32>
      %add3A_2251 = arith.addi %add3A_2241, %select_n3A_2250 : vector<16xi32>
      %slice3A_2252 = vector.extract_strided_slice %add3A_1896 {offsets = [7], sizes = [1], strides = [1]} : vector<16xi32> to vector<1xi32>
      %squeeze3A_2253 = vector.extract %slice3A_2252[0] : i32 from vector<1xi32>
      %le3A_2254 = vector.broadcast %squeeze3A_2253 : i32 to vector<16xi32>
      %le3A_2255 = arith.cmpi sle, %le3A_2254, %select_n3A_2142 : vector<16xi32>
      %jit3A_2256 = arith.constant 1 : i32
      %jit3A_2257 = arith.constant 0 : i32
      %broadcast_in_dim3A_2258 = vector.broadcast %jit3A_2256 : i32 to vector<16xi32>
      %broadcast_in_dim3A_2259 = vector.broadcast %jit3A_2257 : i32 to vector<16xi32>
      %select_n3A_2260 = arith.select %le3A_2255, %broadcast_in_dim3A_2258, %broadcast_in_dim3A_2259 : vector<16xi1>, vector<16xi32>
      %add3A_2261 = arith.addi %add3A_2251, %select_n3A_2260 : vector<16xi32>
      %jit3A_2262 = arith.constant 0 : i32
      %jit3A_2263 = arith.constant 7 : i32
      %max3A_2264 = vector.broadcast %jit3A_2262 : i32 to vector<16xi32>
      %max3A_2265 = arith.maxsi %max3A_2264, %add3A_2261 : vector<16xi32>
      %min3A_2266 = vector.broadcast %jit3A_2263 : i32 to vector<16xi32>
      %min3A_2267 = arith.minsi %min3A_2266, %max3A_2265 : vector<16xi32>
      %swap3A_2268 = arith.constant 0 : index
      %swap3A_2269 = tpu.vector_load %arg15[%swap3A_2268] {strides = array<i32>} : memref<16xi32, #tpu.memory_space<vmem>>, vector<16xi32>,
      tpu.vector_store %arg15[%swap3A_2268], %min3A_2179 {strides = array<i32>} : memref<16xi32, #tpu.memory_space<vmem>>, vector<16xi32>,
      "tpu.region"() ({
        %run_scoped3A = tpu.sem_alloc : memref<!tpu.dma_semaphore, #tpu.memory_space<semaphore_mem>>
        tpu.enqueue_dma source(%arg15 : memref<16xi32, #tpu.memory_space<vmem>>) target(%arg6 : memref<16xi32, #tpu.memory_space<hbm>>) target_semaphore(%run_scoped3A : memref<!tpu.dma_semaphore, #tpu.memory_space<semaphore_mem>>)
        tpu.wait_dma2 semaphore(%run_scoped3A : memref<!tpu.dma_semaphore, #tpu.memory_space<semaphore_mem>>) src(%arg15 : memref<16xi32, #tpu.memory_space<vmem>>) dst(%arg6 : memref<16xi32, #tpu.memory_space<hbm>>)
        tpu.yield
      }) : () -> ()
      %swap3A_2270 = arith.constant 0 : index
      %swap3A_2271 = tpu.vector_load %arg15[%swap3A_2270] {strides = array<i32>} : memref<16xi32, #tpu.memory_space<vmem>>, vector<16xi32>,
      tpu.vector_store %arg15[%swap3A_2270], %min3A_2267 {strides = array<i32>} : memref<16xi32, #tpu.memory_space<vmem>>, vector<16xi32>,
      "tpu.region"() ({
        %run_scoped3A = tpu.sem_alloc : memref<!tpu.dma_semaphore, #tpu.memory_space<semaphore_mem>>
        tpu.enqueue_dma source(%arg15 : memref<16xi32, #tpu.memory_space<vmem>>) target(%arg7 : memref<16xi32, #tpu.memory_space<hbm>>) target_semaphore(%run_scoped3A : memref<!tpu.dma_semaphore, #tpu.memory_space<semaphore_mem>>)
        tpu.wait_dma2 semaphore(%run_scoped3A : memref<!tpu.dma_semaphore, #tpu.memory_space<semaphore_mem>>) src(%arg15 : memref<16xi32, #tpu.memory_space<vmem>>) dst(%arg7 : memref<16xi32, #tpu.memory_space<hbm>>)
        tpu.yield
      }) : () -> ()
      %mul3A_2272 = arith.constant 512 : i32
      %mul3A_2273 = vector.broadcast %mul3A_2272 : i32 to vector<16xi32>
      %mul3A_2274 = arith.muli %min3A_2179, %mul3A_2273 : vector<16xi32>
      %sub3A_2275 = arith.subi %select_n3A_2142, %mul3A_2274 : vector<16xi32>
      %swap3A_2276 = arith.constant 0 : index
      %swap3A_2277 = tpu.vector_load %arg15[%swap3A_2276] {strides = array<i32>} : memref<16xi32, #tpu.memory_space<vmem>>, vector<16xi32>,
      tpu.vector_store %arg15[%swap3A_2276], %sub3A_2275 {strides = array<i32>} : memref<16xi32, #tpu.memory_space<vmem>>, vector<16xi32>,
      "tpu.region"() ({
        %run_scoped3A = tpu.sem_alloc : memref<!tpu.dma_semaphore, #tpu.memory_space<semaphore_mem>>
        tpu.enqueue_dma source(%arg15 : memref<16xi32, #tpu.memory_space<vmem>>) target(%arg8 : memref<16xi32, #tpu.memory_space<hbm>>) target_semaphore(%run_scoped3A : memref<!tpu.dma_semaphore, #tpu.memory_space<semaphore_mem>>)
        tpu.wait_dma2 semaphore(%run_scoped3A : memref<!tpu.dma_semaphore, #tpu.memory_space<semaphore_mem>>) src(%arg15 : memref<16xi32, #tpu.memory_space<vmem>>) dst(%arg8 : memref<16xi32, #tpu.memory_space<hbm>>)
        tpu.yield
      }) : () -> ()
      %mul3A_2278 = arith.constant 512 : i32
      %mul3A_2279 = vector.broadcast %mul3A_2278 : i32 to vector<16xi32>
      %mul3A_2280 = arith.muli %min3A_2179, %mul3A_2279 : vector<16xi32>
      %sub3A_2281 = arith.subi %select_n3A_2148, %mul3A_2280 : vector<16xi32>
      %swap3A_2282 = arith.constant 0 : index
      %swap3A_2283 = tpu.vector_load %arg15[%swap3A_2282] {strides = array<i32>} : memref<16xi32, #tpu.memory_space<vmem>>, vector<16xi32>,
      tpu.vector_store %arg15[%swap3A_2282], %sub3A_2281 {strides = array<i32>} : memref<16xi32, #tpu.memory_space<vmem>>, vector<16xi32>,
      "tpu.region"() ({
        %run_scoped3A = tpu.sem_alloc : memref<!tpu.dma_semaphore, #tpu.memory_space<semaphore_mem>>
        tpu.enqueue_dma source(%arg15 : memref<16xi32, #tpu.memory_space<vmem>>) target(%arg9 : memref<16xi32, #tpu.memory_space<hbm>>) target_semaphore(%run_scoped3A : memref<!tpu.dma_semaphore, #tpu.memory_space<semaphore_mem>>)
        tpu.wait_dma2 semaphore(%run_scoped3A : memref<!tpu.dma_semaphore, #tpu.memory_space<semaphore_mem>>) src(%arg15 : memref<16xi32, #tpu.memory_space<vmem>>) dst(%arg9 : memref<16xi32, #tpu.memory_space<hbm>>)
        tpu.yield
      }) : () -> ()
    } else {
    }
    %eq3A_1183 = arith.constant 0 : i32
    %eq3A_1184 = vector.broadcast %eq3A_1183 : i32 to vector<16xi32>
    %eq3A_1185 = arith.cmpi eq, %iota3A, %eq3A_1184 : vector<16xi32>
    %jit3A_1186 = arith.constant 0 : i32
    %broadcast_in_dim3A_1187 = vector.broadcast %jit3A_1186 : i32 to vector<16xi32>
    %select_n3A_1188 = arith.select %eq3A_1185, %add3A_1178, %broadcast_in_dim3A_1187 : vector<16xi1>, vector<16xi32>
    %reduce_sum3A_1189 = arith.constant true
    %reduce_sum3A_1190 = vector.broadcast %reduce_sum3A_1189 : i1 to vector<16xi1>
    %reduce_sum3A_1191 = tpu.scan <sum>, %select_n3A_1188 masked %reduce_sum3A_1190 : vector<16xi32>, vector<16xi1> -> vector<16xi32>
    %reduce_sum3A_1192 = vector.extract %reduce_sum3A_1191[15] : i32 from vector<16xi32>
    %eq3A_1193 = arith.constant 1 : i32
    %eq3A_1194 = vector.broadcast %eq3A_1193 : i32 to vector<16xi32>
    %eq3A_1195 = arith.cmpi eq, %iota3A, %eq3A_1194 : vector<16xi32>
    %jit3A_1196 = arith.constant 0 : i32
    %broadcast_in_dim3A_1197 = vector.broadcast %jit3A_1196 : i32 to vector<16xi32>
    %select_n3A_1198 = arith.select %eq3A_1195, %add3A_1178, %broadcast_in_dim3A_1197 : vector<16xi1>, vector<16xi32>
    %reduce_sum3A_1199 = arith.constant true
    %reduce_sum3A_1200 = vector.broadcast %reduce_sum3A_1199 : i1 to vector<16xi1>
    %reduce_sum3A_1201 = tpu.scan <sum>, %select_n3A_1198 masked %reduce_sum3A_1200 : vector<16xi32>, vector<16xi1> -> vector<16xi32>
    %reduce_sum3A_1202 = vector.extract %reduce_sum3A_1201[15] : i32 from vector<16xi32>
    %eq3A_1203 = arith.constant 2 : i32
    %eq3A_1204 = vector.broadcast %eq3A_1203 : i32 to vector<16xi32>
    %eq3A_1205 = arith.cmpi eq, %iota3A, %eq3A_1204 : vector<16xi32>
    %jit3A_1206 = arith.constant 0 : i32
    %broadcast_in_dim3A_1207 = vector.broadcast %jit3A_1206 : i32 to vector<16xi32>
    %select_n3A_1208 = arith.select %eq3A_1205, %add3A_1178, %broadcast_in_dim3A_1207 : vector<16xi1>, vector<16xi32>
    %reduce_sum3A_1209 = arith.constant true
    %reduce_sum3A_1210 = vector.broadcast %reduce_sum3A_1209 : i1 to vector<16xi1>
    %reduce_sum3A_1211 = tpu.scan <sum>, %select_n3A_1208 masked %reduce_sum3A_1210 : vector<16xi32>, vector<16xi1> -> vector<16xi32>
    %reduce_sum3A_1212 = vector.extract %reduce_sum3A_1211[15] : i32 from vector<16xi32>
    %eq3A_1213 = arith.constant 3 : i32
    %eq3A_1214 = vector.broadcast %eq3A_1213 : i32 to vector<16xi32>
    %eq3A_1215 = arith.cmpi eq, %iota3A, %eq3A_1214 : vector<16xi32>
    %jit3A_1216 = arith.constant 0 : i32
    %broadcast_in_dim3A_1217 = vector.broadcast %jit3A_1216 : i32 to vector<16xi32>
    %select_n3A_1218 = arith.select %eq3A_1215, %add3A_1178, %broadcast_in_dim3A_1217 : vector<16xi1>, vector<16xi32>
    %reduce_sum3A_1219 = arith.constant true
    %reduce_sum3A_1220 = vector.broadcast %reduce_sum3A_1219 : i1 to vector<16xi1>
    %reduce_sum3A_1221 = tpu.scan <sum>, %select_n3A_1218 masked %reduce_sum3A_1220 : vector<16xi32>, vector<16xi1> -> vector<16xi32>
    %reduce_sum3A_1222 = vector.extract %reduce_sum3A_1221[15] : i32 from vector<16xi32>
    %eq3A_1223 = arith.constant 4 : i32
    %eq3A_1224 = vector.broadcast %eq3A_1223 : i32 to vector<16xi32>
    %eq3A_1225 = arith.cmpi eq, %iota3A, %eq3A_1224 : vector<16xi32>
    %jit3A_1226 = arith.constant 0 : i32
    %broadcast_in_dim3A_1227 = vector.broadcast %jit3A_1226 : i32 to vector<16xi32>
    %select_n3A_1228 = arith.select %eq3A_1225, %add3A_1178, %broadcast_in_dim3A_1227 : vector<16xi1>, vector<16xi32>
    %reduce_sum3A_1229 = arith.constant true
    %reduce_sum3A_1230 = vector.broadcast %reduce_sum3A_1229 : i1 to vector<16xi1>
    %reduce_sum3A_1231 = tpu.scan <sum>, %select_n3A_1228 masked %reduce_sum3A_1230 : vector<16xi32>, vector<16xi1> -> vector<16xi32>
    %reduce_sum3A_1232 = vector.extract %reduce_sum3A_1231[15] : i32 from vector<16xi32>
    %eq3A_1233 = arith.constant 5 : i32
    %eq3A_1234 = vector.broadcast %eq3A_1233 : i32 to vector<16xi32>
    %eq3A_1235 = arith.cmpi eq, %iota3A, %eq3A_1234 : vector<16xi32>
    %jit3A_1236 = arith.constant 0 : i32
    %broadcast_in_dim3A_1237 = vector.broadcast %jit3A_1236 : i32 to vector<16xi32>
    %select_n3A_1238 = arith.select %eq3A_1235, %add3A_1178, %broadcast_in_dim3A_1237 : vector<16xi1>, vector<16xi32>
    %reduce_sum3A_1239 = arith.constant true
    %reduce_sum3A_1240 = vector.broadcast %reduce_sum3A_1239 : i1 to vector<16xi1>
    %reduce_sum3A_1241 = tpu.scan <sum>, %select_n3A_1238 masked %reduce_sum3A_1240 : vector<16xi32>, vector<16xi1> -> vector<16xi32>
    %reduce_sum3A_1242 = vector.extract %reduce_sum3A_1241[15] : i32 from vector<16xi32>
    %eq3A_1243 = arith.constant 6 : i32
    %eq3A_1244 = vector.broadcast %eq3A_1243 : i32 to vector<16xi32>
    %eq3A_1245 = arith.cmpi eq, %iota3A, %eq3A_1244 : vector<16xi32>
    %jit3A_1246 = arith.constant 0 : i32
    %broadcast_in_dim3A_1247 = vector.broadcast %jit3A_1246 : i32 to vector<16xi32>
    %select_n3A_1248 = arith.select %eq3A_1245, %add3A_1178, %broadcast_in_dim3A_1247 : vector<16xi1>, vector<16xi32>
    %reduce_sum3A_1249 = arith.constant true
    %reduce_sum3A_1250 = vector.broadcast %reduce_sum3A_1249 : i1 to vector<16xi1>
    %reduce_sum3A_1251 = tpu.scan <sum>, %select_n3A_1248 masked %reduce_sum3A_1250 : vector<16xi32>, vector<16xi1> -> vector<16xi32>
    %reduce_sum3A_1252 = vector.extract %reduce_sum3A_1251[15] : i32 from vector<16xi32>
    %eq3A_1253 = arith.constant 7 : i32
    %eq3A_1254 = vector.broadcast %eq3A_1253 : i32 to vector<16xi32>
    %eq3A_1255 = arith.cmpi eq, %iota3A, %eq3A_1254 : vector<16xi32>
    %jit3A_1256 = arith.constant 0 : i32
    %broadcast_in_dim3A_1257 = vector.broadcast %jit3A_1256 : i32 to vector<16xi32>
    %select_n3A_1258 = arith.select %eq3A_1255, %add3A_1178, %broadcast_in_dim3A_1257 : vector<16xi1>, vector<16xi32>
    %reduce_sum3A_1259 = arith.constant true
    %reduce_sum3A_1260 = vector.broadcast %reduce_sum3A_1259 : i1 to vector<16xi1>
    %reduce_sum3A_1261 = tpu.scan <sum>, %select_n3A_1258 masked %reduce_sum3A_1260 : vector<16xi32>, vector<16xi1> -> vector<16xi32>
    %reduce_sum3A_1262 = vector.extract %reduce_sum3A_1261[15] : i32 from vector<16xi32>
    %broadcast_in_dim3A_1263 = arith.constant 0 : i32
    %broadcast_in_dim3A_1264 = vector.broadcast %broadcast_in_dim3A_1263 : i32 to vector<16xi32>
    %eq3A_1265 = arith.constant 0 : i32
    %eq3A_1266 = vector.broadcast %eq3A_1265 : i32 to vector<16xi32>
    %eq3A_1267 = arith.cmpi eq, %get3A_749, %eq3A_1266 : vector<16xi32>
    %convert_element_type3A_1268 = arith.extui %eq3A_1267 : vector<16xi1> to vector<16xi32>
    %cumsum3A_1269 = arith.constant true
    %cumsum3A_1270 = vector.broadcast %cumsum3A_1269 : i1 to vector<16xi1>
    %cumsum3A_1271 = tpu.scan <sum>, %convert_element_type3A_1268 masked %cumsum3A_1270 : vector<16xi32>, vector<16xi1> -> vector<16xi32>
    %add3A_1272 = vector.broadcast %reduce_sum3A_1192 : i32 to vector<16xi32>
    %add3A_1273 = arith.addi %add3A_1272, %cumsum3A_1271 : vector<16xi32>
    %sub3A_1274 = arith.constant 1 : i32
    %sub3A_1275 = vector.broadcast %sub3A_1274 : i32 to vector<16xi32>
    %sub3A_1276 = arith.subi %add3A_1273, %sub3A_1275 : vector<16xi32>
    %mul3A_1277 = arith.muli %convert_element_type3A_1268, %sub3A_1276 : vector<16xi32>
    %add3A_1278 = arith.addi %broadcast_in_dim3A_1264, %mul3A_1277 : vector<16xi32>
    %reduce_sum3A_1279 = arith.constant true
    %reduce_sum3A_1280 = vector.broadcast %reduce_sum3A_1279 : i1 to vector<16xi1>
    %reduce_sum3A_1281 = tpu.scan <sum>, %convert_element_type3A_1268 masked %reduce_sum3A_1280 : vector<16xi32>, vector<16xi1> -> vector<16xi32>
    %reduce_sum3A_1282 = vector.extract %reduce_sum3A_1281[15] : i32 from vector<16xi32>
    %add3A_1283 = arith.addi %reduce_sum3A_1192, %reduce_sum3A_1282 : i32
    %eq3A_1284 = arith.constant 1 : i32
    %eq3A_1285 = vector.broadcast %eq3A_1284 : i32 to vector<16xi32>
    %eq3A_1286 = arith.cmpi eq, %get3A_749, %eq3A_1285 : vector<16xi32>
    %convert_element_type3A_1287 = arith.extui %eq3A_1286 : vector<16xi1> to vector<16xi32>
    %cumsum3A_1288 = arith.constant true
    %cumsum3A_1289 = vector.broadcast %cumsum3A_1288 : i1 to vector<16xi1>
    %cumsum3A_1290 = tpu.scan <sum>, %convert_element_type3A_1287 masked %cumsum3A_1289 : vector<16xi32>, vector<16xi1> -> vector<16xi32>
    %add3A_1291 = vector.broadcast %reduce_sum3A_1202 : i32 to vector<16xi32>
    %add3A_1292 = arith.addi %add3A_1291, %cumsum3A_1290 : vector<16xi32>
    %sub3A_1293 = arith.constant 1 : i32
    %sub3A_1294 = vector.broadcast %sub3A_1293 : i32 to vector<16xi32>
    %sub3A_1295 = arith.subi %add3A_1292, %sub3A_1294 : vector<16xi32>
    %mul3A_1296 = arith.muli %convert_element_type3A_1287, %sub3A_1295 : vector<16xi32>
    %add3A_1297 = arith.addi %add3A_1278, %mul3A_1296 : vector<16xi32>
    %reduce_sum3A_1298 = arith.constant true
    %reduce_sum3A_1299 = vector.broadcast %reduce_sum3A_1298 : i1 to vector<16xi1>
    %reduce_sum3A_1300 = tpu.scan <sum>, %convert_element_type3A_1287 masked %reduce_sum3A_1299 : vector<16xi32>, vector<16xi1> -> vector<16xi32>
    %reduce_sum3A_1301 = vector.extract %reduce_sum3A_1300[15] : i32 from vector<16xi32>
    %add3A_1302 = arith.addi %reduce_sum3A_1202, %reduce_sum3A_1301 : i32
    %eq3A_1303 = arith.constant 2 : i32
    %eq3A_1304 = vector.broadcast %eq3A_1303 : i32 to vector<16xi32>
    %eq3A_1305 = arith.cmpi eq, %get3A_749, %eq3A_1304 : vector<16xi32>
    %convert_element_type3A_1306 = arith.extui %eq3A_1305 : vector<16xi1> to vector<16xi32>
    %cumsum3A_1307 = arith.constant true
    %cumsum3A_1308 = vector.broadcast %cumsum3A_1307 : i1 to vector<16xi1>
    %cumsum3A_1309 = tpu.scan <sum>, %convert_element_type3A_1306 masked %cumsum3A_1308 : vector<16xi32>, vector<16xi1> -> vector<16xi32>
    %add3A_1310 = vector.broadcast %reduce_sum3A_1212 : i32 to vector<16xi32>
    %add3A_1311 = arith.addi %add3A_1310, %cumsum3A_1309 : vector<16xi32>
    %sub3A_1312 = arith.constant 1 : i32
    %sub3A_1313 = vector.broadcast %sub3A_1312 : i32 to vector<16xi32>
    %sub3A_1314 = arith.subi %add3A_1311, %sub3A_1313 : vector<16xi32>
    %mul3A_1315 = arith.muli %convert_element_type3A_1306, %sub3A_1314 : vector<16xi32>
    %add3A_1316 = arith.addi %add3A_1297, %mul3A_1315 : vector<16xi32>
    %reduce_sum3A_1317 = arith.constant true
    %reduce_sum3A_1318 = vector.broadcast %reduce_sum3A_1317 : i1 to vector<16xi1>
    %reduce_sum3A_1319 = tpu.scan <sum>, %convert_element_type3A_1306 masked %reduce_sum3A_1318 : vector<16xi32>, vector<16xi1> -> vector<16xi32>
    %reduce_sum3A_1320 = vector.extract %reduce_sum3A_1319[15] : i32 from vector<16xi32>
    %add3A_1321 = arith.addi %reduce_sum3A_1212, %reduce_sum3A_1320 : i32
    %eq3A_1322 = arith.constant 3 : i32
    %eq3A_1323 = vector.broadcast %eq3A_1322 : i32 to vector<16xi32>
    %eq3A_1324 = arith.cmpi eq, %get3A_749, %eq3A_1323 : vector<16xi32>
    %convert_element_type3A_1325 = arith.extui %eq3A_1324 : vector<16xi1> to vector<16xi32>
    %cumsum3A_1326 = arith.constant true
    %cumsum3A_1327 = vector.broadcast %cumsum3A_1326 : i1 to vector<16xi1>
    %cumsum3A_1328 = tpu.scan <sum>, %convert_element_type3A_1325 masked %cumsum3A_1327 : vector<16xi32>, vector<16xi1> -> vector<16xi32>
    %add3A_1329 = vector.broadcast %reduce_sum3A_1222 : i32 to vector<16xi32>
    %add3A_1330 = arith.addi %add3A_1329, %cumsum3A_1328 : vector<16xi32>
    %sub3A_1331 = arith.constant 1 : i32
    %sub3A_1332 = vector.broadcast %sub3A_1331 : i32 to vector<16xi32>
    %sub3A_1333 = arith.subi %add3A_1330, %sub3A_1332 : vector<16xi32>
    %mul3A_1334 = arith.muli %convert_element_type3A_1325, %sub3A_1333 : vector<16xi32>
    %add3A_1335 = arith.addi %add3A_1316, %mul3A_1334 : vector<16xi32>
    %reduce_sum3A_1336 = arith.constant true
    %reduce_sum3A_1337 = vector.broadcast %reduce_sum3A_1336 : i1 to vector<16xi1>
    %reduce_sum3A_1338 = tpu.scan <sum>, %convert_element_type3A_1325 masked %reduce_sum3A_1337 : vector<16xi32>, vector<16xi1> -> vector<16xi32>
    %reduce_sum3A_1339 = vector.extract %reduce_sum3A_1338[15] : i32 from vector<16xi32>
    %add3A_1340 = arith.addi %reduce_sum3A_1222, %reduce_sum3A_1339 : i32
    %eq3A_1341 = arith.constant 4 : i32
    %eq3A_1342 = vector.broadcast %eq3A_1341 : i32 to vector<16xi32>
    %eq3A_1343 = arith.cmpi eq, %get3A_749, %eq3A_1342 : vector<16xi32>
    %convert_element_type3A_1344 = arith.extui %eq3A_1343 : vector<16xi1> to vector<16xi32>
    %cumsum3A_1345 = arith.constant true
    %cumsum3A_1346 = vector.broadcast %cumsum3A_1345 : i1 to vector<16xi1>
    %cumsum3A_1347 = tpu.scan <sum>, %convert_element_type3A_1344 masked %cumsum3A_1346 : vector<16xi32>, vector<16xi1> -> vector<16xi32>
    %add3A_1348 = vector.broadcast %reduce_sum3A_1232 : i32 to vector<16xi32>
    %add3A_1349 = arith.addi %add3A_1348, %cumsum3A_1347 : vector<16xi32>
    %sub3A_1350 = arith.constant 1 : i32
    %sub3A_1351 = vector.broadcast %sub3A_1350 : i32 to vector<16xi32>
    %sub3A_1352 = arith.subi %add3A_1349, %sub3A_1351 : vector<16xi32>
    %mul3A_1353 = arith.muli %convert_element_type3A_1344, %sub3A_1352 : vector<16xi32>
    %add3A_1354 = arith.addi %add3A_1335, %mul3A_1353 : vector<16xi32>
    %reduce_sum3A_1355 = arith.constant true
    %reduce_sum3A_1356 = vector.broadcast %reduce_sum3A_1355 : i1 to vector<16xi1>
    %reduce_sum3A_1357 = tpu.scan <sum>, %convert_element_type3A_1344 masked %reduce_sum3A_1356 : vector<16xi32>, vector<16xi1> -> vector<16xi32>
    %reduce_sum3A_1358 = vector.extract %reduce_sum3A_1357[15] : i32 from vector<16xi32>
    %add3A_1359 = arith.addi %reduce_sum3A_1232, %reduce_sum3A_1358 : i32
    %eq3A_1360 = arith.constant 5 : i32
    %eq3A_1361 = vector.broadcast %eq3A_1360 : i32 to vector<16xi32>
    %eq3A_1362 = arith.cmpi eq, %get3A_749, %eq3A_1361 : vector<16xi32>
    %convert_element_type3A_1363 = arith.extui %eq3A_1362 : vector<16xi1> to vector<16xi32>
    %cumsum3A_1364 = arith.constant true
    %cumsum3A_1365 = vector.broadcast %cumsum3A_1364 : i1 to vector<16xi1>
    %cumsum3A_1366 = tpu.scan <sum>, %convert_element_type3A_1363 masked %cumsum3A_1365 : vector<16xi32>, vector<16xi1> -> vector<16xi32>
    %add3A_1367 = vector.broadcast %reduce_sum3A_1242 : i32 to vector<16xi32>
    %add3A_1368 = arith.addi %add3A_1367, %cumsum3A_1366 : vector<16xi32>
    %sub3A_1369 = arith.constant 1 : i32
    %sub3A_1370 = vector.broadcast %sub3A_1369 : i32 to vector<16xi32>
    %sub3A_1371 = arith.subi %add3A_1368, %sub3A_1370 : vector<16xi32>
    %mul3A_1372 = arith.muli %convert_element_type3A_1363, %sub3A_1371 : vector<16xi32>
    %add3A_1373 = arith.addi %add3A_1354, %mul3A_1372 : vector<16xi32>
    %reduce_sum3A_1374 = arith.constant true
    %reduce_sum3A_1375 = vector.broadcast %reduce_sum3A_1374 : i1 to vector<16xi1>
    %reduce_sum3A_1376 = tpu.scan <sum>, %convert_element_type3A_1363 masked %reduce_sum3A_1375 : vector<16xi32>, vector<16xi1> -> vector<16xi32>
    %reduce_sum3A_1377 = vector.extract %reduce_sum3A_1376[15] : i32 from vector<16xi32>
    %add3A_1378 = arith.addi %reduce_sum3A_1242, %reduce_sum3A_1377 : i32
    %eq3A_1379 = arith.constant 6 : i32
    %eq3A_1380 = vector.broadcast %eq3A_1379 : i32 to vector<16xi32>
    %eq3A_1381 = arith.cmpi eq, %get3A_749, %eq3A_1380 : vector<16xi32>
    %convert_element_type3A_1382 = arith.extui %eq3A_1381 : vector<16xi1> to vector<16xi32>
    %cumsum3A_1383 = arith.constant true
    %cumsum3A_1384 = vector.broadcast %cumsum3A_1383 : i1 to vector<16xi1>
    %cumsum3A_1385 = tpu.scan <sum>, %convert_element_type3A_1382 masked %cumsum3A_1384 : vector<16xi32>, vector<16xi1> -> vector<16xi32>
    %add3A_1386 = vector.broadcast %reduce_sum3A_1252 : i32 to vector<16xi32>
    %add3A_1387 = arith.addi %add3A_1386, %cumsum3A_1385 : vector<16xi32>
    %sub3A_1388 = arith.constant 1 : i32
    %sub3A_1389 = vector.broadcast %sub3A_1388 : i32 to vector<16xi32>
    %sub3A_1390 = arith.subi %add3A_1387, %sub3A_1389 : vector<16xi32>
    %mul3A_1391 = arith.muli %convert_element_type3A_1382, %sub3A_1390 : vector<16xi32>
    %add3A_1392 = arith.addi %add3A_1373, %mul3A_1391 : vector<16xi32>
    %reduce_sum3A_1393 = arith.constant true
    %reduce_sum3A_1394 = vector.broadcast %reduce_sum3A_1393 : i1 to vector<16xi1>
    %reduce_sum3A_1395 = tpu.scan <sum>, %convert_element_type3A_1382 masked %reduce_sum3A_1394 : vector<16xi32>, vector<16xi1> -> vector<16xi32>
    %reduce_sum3A_1396 = vector.extract %reduce_sum3A_1395[15] : i32 from vector<16xi32>
    %add3A_1397 = arith.addi %reduce_sum3A_1252, %reduce_sum3A_1396 : i32
    %eq3A_1398 = arith.constant 7 : i32
    %eq3A_1399 = vector.broadcast %eq3A_1398 : i32 to vector<16xi32>
    %eq3A_1400 = arith.cmpi eq, %get3A_749, %eq3A_1399 : vector<16xi32>
    %convert_element_type3A_1401 = arith.extui %eq3A_1400 : vector<16xi1> to vector<16xi32>
    %cumsum3A_1402 = arith.constant true
    %cumsum3A_1403 = vector.broadcast %cumsum3A_1402 : i1 to vector<16xi1>
    %cumsum3A_1404 = tpu.scan <sum>, %convert_element_type3A_1401 masked %cumsum3A_1403 : vector<16xi32>, vector<16xi1> -> vector<16xi32>
    %add3A_1405 = vector.broadcast %reduce_sum3A_1262 : i32 to vector<16xi32>
    %add3A_1406 = arith.addi %add3A_1405, %cumsum3A_1404 : vector<16xi32>
    %sub3A_1407 = arith.constant 1 : i32
    %sub3A_1408 = vector.broadcast %sub3A_1407 : i32 to vector<16xi32>
    %sub3A_1409 = arith.subi %add3A_1406, %sub3A_1408 : vector<16xi32>
    %mul3A_1410 = arith.muli %convert_element_type3A_1401, %sub3A_1409 : vector<16xi32>
    %add3A_1411 = arith.addi %add3A_1392, %mul3A_1410 : vector<16xi32>
    %reduce_sum3A_1412 = arith.constant true
    %reduce_sum3A_1413 = vector.broadcast %reduce_sum3A_1412 : i1 to vector<16xi1>
    %reduce_sum3A_1414 = tpu.scan <sum>, %convert_element_type3A_1401 masked %reduce_sum3A_1413 : vector<16xi32>, vector<16xi1> -> vector<16xi32>
    %reduce_sum3A_1415 = vector.extract %reduce_sum3A_1414[15] : i32 from vector<16xi32>
    %add3A_1416 = arith.addi %reduce_sum3A_1262, %reduce_sum3A_1415 : i32
    %swap3A_1417 = arith.constant 0 : index
    %swap3A_1418 = tpu.vector_load %arg13[%swap3A_1417] {strides = array<i32>} : memref<64xi32, #tpu.memory_space<vmem>>, vector<16xi32>,
    tpu.vector_store %arg13[%swap3A_1417], %add3A_1411 {strides = array<i32>} : memref<64xi32, #tpu.memory_space<vmem>>, vector<16xi32>,
    %broadcast_in_dim3A_1419 = arith.constant 0 : i32
    %broadcast_in_dim3A_1420 = vector.broadcast %broadcast_in_dim3A_1419 : i32 to vector<16xi32>
    %eq3A_1421 = arith.constant 0 : i32
    %eq3A_1422 = vector.broadcast %eq3A_1421 : i32 to vector<16xi32>
    %eq3A_1423 = arith.cmpi eq, %get3A_751, %eq3A_1422 : vector<16xi32>
    %convert_element_type3A_1424 = arith.extui %eq3A_1423 : vector<16xi1> to vector<16xi32>
    %cumsum3A_1425 = arith.constant true
    %cumsum3A_1426 = vector.broadcast %cumsum3A_1425 : i1 to vector<16xi1>
    %cumsum3A_1427 = tpu.scan <sum>, %convert_element_type3A_1424 masked %cumsum3A_1426 : vector<16xi32>, vector<16xi1> -> vector<16xi32>
    %add3A_1428 = vector.broadcast %add3A_1283 : i32 to vector<16xi32>
    %add3A_1429 = arith.addi %add3A_1428, %cumsum3A_1427 : vector<16xi32>
    %sub3A_1430 = arith.constant 1 : i32
    %sub3A_1431 = vector.broadcast %sub3A_1430 : i32 to vector<16xi32>
    %sub3A_1432 = arith.subi %add3A_1429, %sub3A_1431 : vector<16xi32>
    %mul3A_1433 = arith.muli %convert_element_type3A_1424, %sub3A_1432 : vector<16xi32>
    %add3A_1434 = arith.addi %broadcast_in_dim3A_1420, %mul3A_1433 : vector<16xi32>
    %reduce_sum3A_1435 = arith.constant true
    %reduce_sum3A_1436 = vector.broadcast %reduce_sum3A_1435 : i1 to vector<16xi1>
    %reduce_sum3A_1437 = tpu.scan <sum>, %convert_element_type3A_1424 masked %reduce_sum3A_1436 : vector<16xi32>, vector<16xi1> -> vector<16xi32>
    %reduce_sum3A_1438 = vector.extract %reduce_sum3A_1437[15] : i32 from vector<16xi32>
    %add3A_1439 = arith.addi %add3A_1283, %reduce_sum3A_1438 : i32
    %eq3A_1440 = arith.constant 1 : i32
    %eq3A_1441 = vector.broadcast %eq3A_1440 : i32 to vector<16xi32>
    %eq3A_1442 = arith.cmpi eq, %get3A_751, %eq3A_1441 : vector<16xi32>
    %convert_element_type3A_1443 = arith.extui %eq3A_1442 : vector<16xi1> to vector<16xi32>
    %cumsum3A_1444 = arith.constant true
    %cumsum3A_1445 = vector.broadcast %cumsum3A_1444 : i1 to vector<16xi1>
    %cumsum3A_1446 = tpu.scan <sum>, %convert_element_type3A_1443 masked %cumsum3A_1445 : vector<16xi32>, vector<16xi1> -> vector<16xi32>
    %add3A_1447 = vector.broadcast %add3A_1302 : i32 to vector<16xi32>
    %add3A_1448 = arith.addi %add3A_1447, %cumsum3A_1446 : vector<16xi32>
    %sub3A_1449 = arith.constant 1 : i32
    %sub3A_1450 = vector.broadcast %sub3A_1449 : i32 to vector<16xi32>
    %sub3A_1451 = arith.subi %add3A_1448, %sub3A_1450 : vector<16xi32>
    %mul3A_1452 = arith.muli %convert_element_type3A_1443, %sub3A_1451 : vector<16xi32>
    %add3A_1453 = arith.addi %add3A_1434, %mul3A_1452 : vector<16xi32>
    %reduce_sum3A_1454 = arith.constant true
    %reduce_sum3A_1455 = vector.broadcast %reduce_sum3A_1454 : i1 to vector<16xi1>
    %reduce_sum3A_1456 = tpu.scan <sum>, %convert_element_type3A_1443 masked %reduce_sum3A_1455 : vector<16xi32>, vector<16xi1> -> vector<16xi32>
    %reduce_sum3A_1457 = vector.extract %reduce_sum3A_1456[15] : i32 from vector<16xi32>
    %add3A_1458 = arith.addi %add3A_1302, %reduce_sum3A_1457 : i32
    %eq3A_1459 = arith.constant 2 : i32
    %eq3A_1460 = vector.broadcast %eq3A_1459 : i32 to vector<16xi32>
    %eq3A_1461 = arith.cmpi eq, %get3A_751, %eq3A_1460 : vector<16xi32>
    %convert_element_type3A_1462 = arith.extui %eq3A_1461 : vector<16xi1> to vector<16xi32>
    %cumsum3A_1463 = arith.constant true
    %cumsum3A_1464 = vector.broadcast %cumsum3A_1463 : i1 to vector<16xi1>
    %cumsum3A_1465 = tpu.scan <sum>, %convert_element_type3A_1462 masked %cumsum3A_1464 : vector<16xi32>, vector<16xi1> -> vector<16xi32>
    %add3A_1466 = vector.broadcast %add3A_1321 : i32 to vector<16xi32>
    %add3A_1467 = arith.addi %add3A_1466, %cumsum3A_1465 : vector<16xi32>
    %sub3A_1468 = arith.constant 1 : i32
    %sub3A_1469 = vector.broadcast %sub3A_1468 : i32 to vector<16xi32>
    %sub3A_1470 = arith.subi %add3A_1467, %sub3A_1469 : vector<16xi32>
    %mul3A_1471 = arith.muli %convert_element_type3A_1462, %sub3A_1470 : vector<16xi32>
    %add3A_1472 = arith.addi %add3A_1453, %mul3A_1471 : vector<16xi32>
    %reduce_sum3A_1473 = arith.constant true
    %reduce_sum3A_1474 = vector.broadcast %reduce_sum3A_1473 : i1 to vector<16xi1>
    %reduce_sum3A_1475 = tpu.scan <sum>, %convert_element_type3A_1462 masked %reduce_sum3A_1474 : vector<16xi32>, vector<16xi1> -> vector<16xi32>
    %reduce_sum3A_1476 = vector.extract %reduce_sum3A_1475[15] : i32 from vector<16xi32>
    %add3A_1477 = arith.addi %add3A_1321, %reduce_sum3A_1476 : i32
    %eq3A_1478 = arith.constant 3 : i32
    %eq3A_1479 = vector.broadcast %eq3A_1478 : i32 to vector<16xi32>
    %eq3A_1480 = arith.cmpi eq, %get3A_751, %eq3A_1479 : vector<16xi32>
    %convert_element_type3A_1481 = arith.extui %eq3A_1480 : vector<16xi1> to vector<16xi32>
    %cumsum3A_1482 = arith.constant true
    %cumsum3A_1483 = vector.broadcast %cumsum3A_1482 : i1 to vector<16xi1>
    %cumsum3A_1484 = tpu.scan <sum>, %convert_element_type3A_1481 masked %cumsum3A_1483 : vector<16xi32>, vector<16xi1> -> vector<16xi32>
    %add3A_1485 = vector.broadcast %add3A_1340 : i32 to vector<16xi32>
    %add3A_1486 = arith.addi %add3A_1485, %cumsum3A_1484 : vector<16xi32>
    %sub3A_1487 = arith.constant 1 : i32
    %sub3A_1488 = vector.broadcast %sub3A_1487 : i32 to vector<16xi32>
    %sub3A_1489 = arith.subi %add3A_1486, %sub3A_1488 : vector<16xi32>
    %mul3A_1490 = arith.muli %convert_element_type3A_1481, %sub3A_1489 : vector<16xi32>
    %add3A_1491 = arith.addi %add3A_1472, %mul3A_1490 : vector<16xi32>
    %reduce_sum3A_1492 = arith.constant true
    %reduce_sum3A_1493 = vector.broadcast %reduce_sum3A_1492 : i1 to vector<16xi1>
    %reduce_sum3A_1494 = tpu.scan <sum>, %convert_element_type3A_1481 masked %reduce_sum3A_1493 : vector<16xi32>, vector<16xi1> -> vector<16xi32>
    %reduce_sum3A_1495 = vector.extract %reduce_sum3A_1494[15] : i32 from vector<16xi32>
    %add3A_1496 = arith.addi %add3A_1340, %reduce_sum3A_1495 : i32
    %eq3A_1497 = arith.constant 4 : i32
    %eq3A_1498 = vector.broadcast %eq3A_1497 : i32 to vector<16xi32>
    %eq3A_1499 = arith.cmpi eq, %get3A_751, %eq3A_1498 : vector<16xi32>
    %convert_element_type3A_1500 = arith.extui %eq3A_1499 : vector<16xi1> to vector<16xi32>
    %cumsum3A_1501 = arith.constant true
    %cumsum3A_1502 = vector.broadcast %cumsum3A_1501 : i1 to vector<16xi1>
    %cumsum3A_1503 = tpu.scan <sum>, %convert_element_type3A_1500 masked %cumsum3A_1502 : vector<16xi32>, vector<16xi1> -> vector<16xi32>
    %add3A_1504 = vector.broadcast %add3A_1359 : i32 to vector<16xi32>
    %add3A_1505 = arith.addi %add3A_1504, %cumsum3A_1503 : vector<16xi32>
    %sub3A_1506 = arith.constant 1 : i32
    %sub3A_1507 = vector.broadcast %sub3A_1506 : i32 to vector<16xi32>
    %sub3A_1508 = arith.subi %add3A_1505, %sub3A_1507 : vector<16xi32>
    %mul3A_1509 = arith.muli %convert_element_type3A_1500, %sub3A_1508 : vector<16xi32>
    %add3A_1510 = arith.addi %add3A_1491, %mul3A_1509 : vector<16xi32>
    %reduce_sum3A_1511 = arith.constant true
    %reduce_sum3A_1512 = vector.broadcast %reduce_sum3A_1511 : i1 to vector<16xi1>
    %reduce_sum3A_1513 = tpu.scan <sum>, %convert_element_type3A_1500 masked %reduce_sum3A_1512 : vector<16xi32>, vector<16xi1> -> vector<16xi32>
    %reduce_sum3A_1514 = vector.extract %reduce_sum3A_1513[15] : i32 from vector<16xi32>
    %add3A_1515 = arith.addi %add3A_1359, %reduce_sum3A_1514 : i32
    %eq3A_1516 = arith.constant 5 : i32
    %eq3A_1517 = vector.broadcast %eq3A_1516 : i32 to vector<16xi32>
    %eq3A_1518 = arith.cmpi eq, %get3A_751, %eq3A_1517 : vector<16xi32>
    %convert_element_type3A_1519 = arith.extui %eq3A_1518 : vector<16xi1> to vector<16xi32>
    %cumsum3A_1520 = arith.constant true
    %cumsum3A_1521 = vector.broadcast %cumsum3A_1520 : i1 to vector<16xi1>
    %cumsum3A_1522 = tpu.scan <sum>, %convert_element_type3A_1519 masked %cumsum3A_1521 : vector<16xi32>, vector<16xi1> -> vector<16xi32>
    %add3A_1523 = vector.broadcast %add3A_1378 : i32 to vector<16xi32>
    %add3A_1524 = arith.addi %add3A_1523, %cumsum3A_1522 : vector<16xi32>
    %sub3A_1525 = arith.constant 1 : i32
    %sub3A_1526 = vector.broadcast %sub3A_1525 : i32 to vector<16xi32>
    %sub3A_1527 = arith.subi %add3A_1524, %sub3A_1526 : vector<16xi32>
    %mul3A_1528 = arith.muli %convert_element_type3A_1519, %sub3A_1527 : vector<16xi32>
    %add3A_1529 = arith.addi %add3A_1510, %mul3A_1528 : vector<16xi32>
    %reduce_sum3A_1530 = arith.constant true
    %reduce_sum3A_1531 = vector.broadcast %reduce_sum3A_1530 : i1 to vector<16xi1>
    %reduce_sum3A_1532 = tpu.scan <sum>, %convert_element_type3A_1519 masked %reduce_sum3A_1531 : vector<16xi32>, vector<16xi1> -> vector<16xi32>
    %reduce_sum3A_1533 = vector.extract %reduce_sum3A_1532[15] : i32 from vector<16xi32>
    %add3A_1534 = arith.addi %add3A_1378, %reduce_sum3A_1533 : i32
    %eq3A_1535 = arith.constant 6 : i32
    %eq3A_1536 = vector.broadcast %eq3A_1535 : i32 to vector<16xi32>
    %eq3A_1537 = arith.cmpi eq, %get3A_751, %eq3A_1536 : vector<16xi32>
    %convert_element_type3A_1538 = arith.extui %eq3A_1537 : vector<16xi1> to vector<16xi32>
    %cumsum3A_1539 = arith.constant true
    %cumsum3A_1540 = vector.broadcast %cumsum3A_1539 : i1 to vector<16xi1>
    %cumsum3A_1541 = tpu.scan <sum>, %convert_element_type3A_1538 masked %cumsum3A_1540 : vector<16xi32>, vector<16xi1> -> vector<16xi32>
    %add3A_1542 = vector.broadcast %add3A_1397 : i32 to vector<16xi32>
    %add3A_1543 = arith.addi %add3A_1542, %cumsum3A_1541 : vector<16xi32>
    %sub3A_1544 = arith.constant 1 : i32
    %sub3A_1545 = vector.broadcast %sub3A_1544 : i32 to vector<16xi32>
    %sub3A_1546 = arith.subi %add3A_1543, %sub3A_1545 : vector<16xi32>
    %mul3A_1547 = arith.muli %convert_element_type3A_1538, %sub3A_1546 : vector<16xi32>
    %add3A_1548 = arith.addi %add3A_1529, %mul3A_1547 : vector<16xi32>
    %reduce_sum3A_1549 = arith.constant true
    %reduce_sum3A_1550 = vector.broadcast %reduce_sum3A_1549 : i1 to vector<16xi1>
    %reduce_sum3A_1551 = tpu.scan <sum>, %convert_element_type3A_1538 masked %reduce_sum3A_1550 : vector<16xi32>, vector<16xi1> -> vector<16xi32>
    %reduce_sum3A_1552 = vector.extract %reduce_sum3A_1551[15] : i32 from vector<16xi32>
    %add3A_1553 = arith.addi %add3A_1397, %reduce_sum3A_1552 : i32
    %eq3A_1554 = arith.constant 7 : i32
    %eq3A_1555 = vector.broadcast %eq3A_1554 : i32 to vector<16xi32>
    %eq3A_1556 = arith.cmpi eq, %get3A_751, %eq3A_1555 : vector<16xi32>
    %convert_element_type3A_1557 = arith.extui %eq3A_1556 : vector<16xi1> to vector<16xi32>
    %cumsum3A_1558 = arith.constant true
    %cumsum3A_1559 = vector.broadcast %cumsum3A_1558 : i1 to vector<16xi1>
    %cumsum3A_1560 = tpu.scan <sum>, %convert_element_type3A_1557 masked %cumsum3A_1559 : vector<16xi32>, vector<16xi1> -> vector<16xi32>
    %add3A_1561 = vector.broadcast %add3A_1416 : i32 to vector<16xi32>
    %add3A_1562 = arith.addi %add3A_1561, %cumsum3A_1560 : vector<16xi32>
    %sub3A_1563 = arith.constant 1 : i32
    %sub3A_1564 = vector.broadcast %sub3A_1563 : i32 to vector<16xi32>
    %sub3A_1565 = arith.subi %add3A_1562, %sub3A_1564 : vector<16xi32>
    %mul3A_1566 = arith.muli %convert_element_type3A_1557, %sub3A_1565 : vector<16xi32>
    %add3A_1567 = arith.addi %add3A_1548, %mul3A_1566 : vector<16xi32>
    %reduce_sum3A_1568 = arith.constant true
    %reduce_sum3A_1569 = vector.broadcast %reduce_sum3A_1568 : i1 to vector<16xi1>
    %reduce_sum3A_1570 = tpu.scan <sum>, %convert_element_type3A_1557 masked %reduce_sum3A_1569 : vector<16xi32>, vector<16xi1> -> vector<16xi32>
    %reduce_sum3A_1571 = vector.extract %reduce_sum3A_1570[15] : i32 from vector<16xi32>
    %add3A_1572 = arith.addi %add3A_1416, %reduce_sum3A_1571 : i32
    %swap3A_1573 = arith.constant 16 : index
    %swap3A_1574 = tpu.vector_load %arg13[%swap3A_1573] {strides = array<i32>} : memref<64xi32, #tpu.memory_space<vmem>>, vector<16xi32>,
    tpu.vector_store %arg13[%swap3A_1573], %add3A_1567 {strides = array<i32>} : memref<64xi32, #tpu.memory_space<vmem>>, vector<16xi32>,
    %broadcast_in_dim3A_1575 = arith.constant 0 : i32
    %broadcast_in_dim3A_1576 = vector.broadcast %broadcast_in_dim3A_1575 : i32 to vector<16xi32>
    %eq3A_1577 = arith.constant 0 : i32
    %eq3A_1578 = vector.broadcast %eq3A_1577 : i32 to vector<16xi32>
    %eq3A_1579 = arith.cmpi eq, %get3A_753, %eq3A_1578 : vector<16xi32>
    %convert_element_type3A_1580 = arith.extui %eq3A_1579 : vector<16xi1> to vector<16xi32>
    %cumsum3A_1581 = arith.constant true
    %cumsum3A_1582 = vector.broadcast %cumsum3A_1581 : i1 to vector<16xi1>
    %cumsum3A_1583 = tpu.scan <sum>, %convert_element_type3A_1580 masked %cumsum3A_1582 : vector<16xi32>, vector<16xi1> -> vector<16xi32>
    %add3A_1584 = vector.broadcast %add3A_1439 : i32 to vector<16xi32>
    %add3A_1585 = arith.addi %add3A_1584, %cumsum3A_1583 : vector<16xi32>
    %sub3A_1586 = arith.constant 1 : i32
    %sub3A_1587 = vector.broadcast %sub3A_1586 : i32 to vector<16xi32>
    %sub3A_1588 = arith.subi %add3A_1585, %sub3A_1587 : vector<16xi32>
    %mul3A_1589 = arith.muli %convert_element_type3A_1580, %sub3A_1588 : vector<16xi32>
    %add3A_1590 = arith.addi %broadcast_in_dim3A_1576, %mul3A_1589 : vector<16xi32>
    %reduce_sum3A_1591 = arith.constant true
    %reduce_sum3A_1592 = vector.broadcast %reduce_sum3A_1591 : i1 to vector<16xi1>
    %reduce_sum3A_1593 = tpu.scan <sum>, %convert_element_type3A_1580 masked %reduce_sum3A_1592 : vector<16xi32>, vector<16xi1> -> vector<16xi32>
    %reduce_sum3A_1594 = vector.extract %reduce_sum3A_1593[15] : i32 from vector<16xi32>
    %add3A_1595 = arith.addi %add3A_1439, %reduce_sum3A_1594 : i32
    %eq3A_1596 = arith.constant 1 : i32
    %eq3A_1597 = vector.broadcast %eq3A_1596 : i32 to vector<16xi32>
    %eq3A_1598 = arith.cmpi eq, %get3A_753, %eq3A_1597 : vector<16xi32>
    %convert_element_type3A_1599 = arith.extui %eq3A_1598 : vector<16xi1> to vector<16xi32>
    %cumsum3A_1600 = arith.constant true
    %cumsum3A_1601 = vector.broadcast %cumsum3A_1600 : i1 to vector<16xi1>
    %cumsum3A_1602 = tpu.scan <sum>, %convert_element_type3A_1599 masked %cumsum3A_1601 : vector<16xi32>, vector<16xi1> -> vector<16xi32>
    %add3A_1603 = vector.broadcast %add3A_1458 : i32 to vector<16xi32>
    %add3A_1604 = arith.addi %add3A_1603, %cumsum3A_1602 : vector<16xi32>
    %sub3A_1605 = arith.constant 1 : i32
    %sub3A_1606 = vector.broadcast %sub3A_1605 : i32 to vector<16xi32>
    %sub3A_1607 = arith.subi %add3A_1604, %sub3A_1606 : vector<16xi32>
    %mul3A_1608 = arith.muli %convert_element_type3A_1599, %sub3A_1607 : vector<16xi32>
    %add3A_1609 = arith.addi %add3A_1590, %mul3A_1608 : vector<16xi32>
    %reduce_sum3A_1610 = arith.constant true
    %reduce_sum3A_1611 = vector.broadcast %reduce_sum3A_1610 : i1 to vector<16xi1>
    %reduce_sum3A_1612 = tpu.scan <sum>, %convert_element_type3A_1599 masked %reduce_sum3A_1611 : vector<16xi32>, vector<16xi1> -> vector<16xi32>
    %reduce_sum3A_1613 = vector.extract %reduce_sum3A_1612[15] : i32 from vector<16xi32>
    %add3A_1614 = arith.addi %add3A_1458, %reduce_sum3A_1613 : i32
    %eq3A_1615 = arith.constant 2 : i32
    %eq3A_1616 = vector.broadcast %eq3A_1615 : i32 to vector<16xi32>
    %eq3A_1617 = arith.cmpi eq, %get3A_753, %eq3A_1616 : vector<16xi32>
    %convert_element_type3A_1618 = arith.extui %eq3A_1617 : vector<16xi1> to vector<16xi32>
    %cumsum3A_1619 = arith.constant true
    %cumsum3A_1620 = vector.broadcast %cumsum3A_1619 : i1 to vector<16xi1>
    %cumsum3A_1621 = tpu.scan <sum>, %convert_element_type3A_1618 masked %cumsum3A_1620 : vector<16xi32>, vector<16xi1> -> vector<16xi32>
    %add3A_1622 = vector.broadcast %add3A_1477 : i32 to vector<16xi32>
    %add3A_1623 = arith.addi %add3A_1622, %cumsum3A_1621 : vector<16xi32>
    %sub3A_1624 = arith.constant 1 : i32
    %sub3A_1625 = vector.broadcast %sub3A_1624 : i32 to vector<16xi32>
    %sub3A_1626 = arith.subi %add3A_1623, %sub3A_1625 : vector<16xi32>
    %mul3A_1627 = arith.muli %convert_element_type3A_1618, %sub3A_1626 : vector<16xi32>
    %add3A_1628 = arith.addi %add3A_1609, %mul3A_1627 : vector<16xi32>
    %reduce_sum3A_1629 = arith.constant true
    %reduce_sum3A_1630 = vector.broadcast %reduce_sum3A_1629 : i1 to vector<16xi1>
    %reduce_sum3A_1631 = tpu.scan <sum>, %convert_element_type3A_1618 masked %reduce_sum3A_1630 : vector<16xi32>, vector<16xi1> -> vector<16xi32>
    %reduce_sum3A_1632 = vector.extract %reduce_sum3A_1631[15] : i32 from vector<16xi32>
    %add3A_1633 = arith.addi %add3A_1477, %reduce_sum3A_1632 : i32
    %eq3A_1634 = arith.constant 3 : i32
    %eq3A_1635 = vector.broadcast %eq3A_1634 : i32 to vector<16xi32>
    %eq3A_1636 = arith.cmpi eq, %get3A_753, %eq3A_1635 : vector<16xi32>
    %convert_element_type3A_1637 = arith.extui %eq3A_1636 : vector<16xi1> to vector<16xi32>
    %cumsum3A_1638 = arith.constant true
    %cumsum3A_1639 = vector.broadcast %cumsum3A_1638 : i1 to vector<16xi1>
    %cumsum3A_1640 = tpu.scan <sum>, %convert_element_type3A_1637 masked %cumsum3A_1639 : vector<16xi32>, vector<16xi1> -> vector<16xi32>
    %add3A_1641 = vector.broadcast %add3A_1496 : i32 to vector<16xi32>
    %add3A_1642 = arith.addi %add3A_1641, %cumsum3A_1640 : vector<16xi32>
    %sub3A_1643 = arith.constant 1 : i32
    %sub3A_1644 = vector.broadcast %sub3A_1643 : i32 to vector<16xi32>
    %sub3A_1645 = arith.subi %add3A_1642, %sub3A_1644 : vector<16xi32>
    %mul3A_1646 = arith.muli %convert_element_type3A_1637, %sub3A_1645 : vector<16xi32>
    %add3A_1647 = arith.addi %add3A_1628, %mul3A_1646 : vector<16xi32>
    %reduce_sum3A_1648 = arith.constant true
    %reduce_sum3A_1649 = vector.broadcast %reduce_sum3A_1648 : i1 to vector<16xi1>
    %reduce_sum3A_1650 = tpu.scan <sum>, %convert_element_type3A_1637 masked %reduce_sum3A_1649 : vector<16xi32>, vector<16xi1> -> vector<16xi32>
    %reduce_sum3A_1651 = vector.extract %reduce_sum3A_1650[15] : i32 from vector<16xi32>
    %add3A_1652 = arith.addi %add3A_1496, %reduce_sum3A_1651 : i32
    %eq3A_1653 = arith.constant 4 : i32
    %eq3A_1654 = vector.broadcast %eq3A_1653 : i32 to vector<16xi32>
    %eq3A_1655 = arith.cmpi eq, %get3A_753, %eq3A_1654 : vector<16xi32>
    %convert_element_type3A_1656 = arith.extui %eq3A_1655 : vector<16xi1> to vector<16xi32>
    %cumsum3A_1657 = arith.constant true
    %cumsum3A_1658 = vector.broadcast %cumsum3A_1657 : i1 to vector<16xi1>
    %cumsum3A_1659 = tpu.scan <sum>, %convert_element_type3A_1656 masked %cumsum3A_1658 : vector<16xi32>, vector<16xi1> -> vector<16xi32>
    %add3A_1660 = vector.broadcast %add3A_1515 : i32 to vector<16xi32>
    %add3A_1661 = arith.addi %add3A_1660, %cumsum3A_1659 : vector<16xi32>
    %sub3A_1662 = arith.constant 1 : i32
    %sub3A_1663 = vector.broadcast %sub3A_1662 : i32 to vector<16xi32>
    %sub3A_1664 = arith.subi %add3A_1661, %sub3A_1663 : vector<16xi32>
    %mul3A_1665 = arith.muli %convert_element_type3A_1656, %sub3A_1664 : vector<16xi32>
    %add3A_1666 = arith.addi %add3A_1647, %mul3A_1665 : vector<16xi32>
    %reduce_sum3A_1667 = arith.constant true
    %reduce_sum3A_1668 = vector.broadcast %reduce_sum3A_1667 : i1 to vector<16xi1>
    %reduce_sum3A_1669 = tpu.scan <sum>, %convert_element_type3A_1656 masked %reduce_sum3A_1668 : vector<16xi32>, vector<16xi1> -> vector<16xi32>
    %reduce_sum3A_1670 = vector.extract %reduce_sum3A_1669[15] : i32 from vector<16xi32>
    %add3A_1671 = arith.addi %add3A_1515, %reduce_sum3A_1670 : i32
    %eq3A_1672 = arith.constant 5 : i32
    %eq3A_1673 = vector.broadcast %eq3A_1672 : i32 to vector<16xi32>
    %eq3A_1674 = arith.cmpi eq, %get3A_753, %eq3A_1673 : vector<16xi32>
    %convert_element_type3A_1675 = arith.extui %eq3A_1674 : vector<16xi1> to vector<16xi32>
    %cumsum3A_1676 = arith.constant true
    %cumsum3A_1677 = vector.broadcast %cumsum3A_1676 : i1 to vector<16xi1>
    %cumsum3A_1678 = tpu.scan <sum>, %convert_element_type3A_1675 masked %cumsum3A_1677 : vector<16xi32>, vector<16xi1> -> vector<16xi32>
    %add3A_1679 = vector.broadcast %add3A_1534 : i32 to vector<16xi32>
    %add3A_1680 = arith.addi %add3A_1679, %cumsum3A_1678 : vector<16xi32>
    %sub3A_1681 = arith.constant 1 : i32
    %sub3A_1682 = vector.broadcast %sub3A_1681 : i32 to vector<16xi32>
    %sub3A_1683 = arith.subi %add3A_1680, %sub3A_1682 : vector<16xi32>
    %mul3A_1684 = arith.muli %convert_element_type3A_1675, %sub3A_1683 : vector<16xi32>
    %add3A_1685 = arith.addi %add3A_1666, %mul3A_1684 : vector<16xi32>
    %reduce_sum3A_1686 = arith.constant true
    %reduce_sum3A_1687 = vector.broadcast %reduce_sum3A_1686 : i1 to vector<16xi1>
    %reduce_sum3A_1688 = tpu.scan <sum>, %convert_element_type3A_1675 masked %reduce_sum3A_1687 : vector<16xi32>, vector<16xi1> -> vector<16xi32>
    %reduce_sum3A_1689 = vector.extract %reduce_sum3A_1688[15] : i32 from vector<16xi32>
    %add3A_1690 = arith.addi %add3A_1534, %reduce_sum3A_1689 : i32
    %eq3A_1691 = arith.constant 6 : i32
    %eq3A_1692 = vector.broadcast %eq3A_1691 : i32 to vector<16xi32>
    %eq3A_1693 = arith.cmpi eq, %get3A_753, %eq3A_1692 : vector<16xi32>
    %convert_element_type3A_1694 = arith.extui %eq3A_1693 : vector<16xi1> to vector<16xi32>
    %cumsum3A_1695 = arith.constant true
    %cumsum3A_1696 = vector.broadcast %cumsum3A_1695 : i1 to vector<16xi1>
    %cumsum3A_1697 = tpu.scan <sum>, %convert_element_type3A_1694 masked %cumsum3A_1696 : vector<16xi32>, vector<16xi1> -> vector<16xi32>
    %add3A_1698 = vector.broadcast %add3A_1553 : i32 to vector<16xi32>
    %add3A_1699 = arith.addi %add3A_1698, %cumsum3A_1697 : vector<16xi32>
    %sub3A_1700 = arith.constant 1 : i32
    %sub3A_1701 = vector.broadcast %sub3A_1700 : i32 to vector<16xi32>
    %sub3A_1702 = arith.subi %add3A_1699, %sub3A_1701 : vector<16xi32>
    %mul3A_1703 = arith.muli %convert_element_type3A_1694, %sub3A_1702 : vector<16xi32>
    %add3A_1704 = arith.addi %add3A_1685, %mul3A_1703 : vector<16xi32>
    %reduce_sum3A_1705 = arith.constant true
    %reduce_sum3A_1706 = vector.broadcast %reduce_sum3A_1705 : i1 to vector<16xi1>
    %reduce_sum3A_1707 = tpu.scan <sum>, %convert_element_type3A_1694 masked %reduce_sum3A_1706 : vector<16xi32>, vector<16xi1> -> vector<16xi32>
    %reduce_sum3A_1708 = vector.extract %reduce_sum3A_1707[15] : i32 from vector<16xi32>
    %add3A_1709 = arith.addi %add3A_1553, %reduce_sum3A_1708 : i32
    %eq3A_1710 = arith.constant 7 : i32
    %eq3A_1711 = vector.broadcast %eq3A_1710 : i32 to vector<16xi32>
    %eq3A_1712 = arith.cmpi eq, %get3A_753, %eq3A_1711 : vector<16xi32>
    %convert_element_type3A_1713 = arith.extui %eq3A_1712 : vector<16xi1> to vector<16xi32>
    %cumsum3A_1714 = arith.constant true
    %cumsum3A_1715 = vector.broadcast %cumsum3A_1714 : i1 to vector<16xi1>
    %cumsum3A_1716 = tpu.scan <sum>, %convert_element_type3A_1713 masked %cumsum3A_1715 : vector<16xi32>, vector<16xi1> -> vector<16xi32>
    %add3A_1717 = vector.broadcast %add3A_1572 : i32 to vector<16xi32>
    %add3A_1718 = arith.addi %add3A_1717, %cumsum3A_1716 : vector<16xi32>
    %sub3A_1719 = arith.constant 1 : i32
    %sub3A_1720 = vector.broadcast %sub3A_1719 : i32 to vector<16xi32>
    %sub3A_1721 = arith.subi %add3A_1718, %sub3A_1720 : vector<16xi32>
    %mul3A_1722 = arith.muli %convert_element_type3A_1713, %sub3A_1721 : vector<16xi32>
    %add3A_1723 = arith.addi %add3A_1704, %mul3A_1722 : vector<16xi32>
    %reduce_sum3A_1724 = arith.constant true
    %reduce_sum3A_1725 = vector.broadcast %reduce_sum3A_1724 : i1 to vector<16xi1>
    %reduce_sum3A_1726 = tpu.scan <sum>, %convert_element_type3A_1713 masked %reduce_sum3A_1725 : vector<16xi32>, vector<16xi1> -> vector<16xi32>
    %reduce_sum3A_1727 = vector.extract %reduce_sum3A_1726[15] : i32 from vector<16xi32>
    %add3A_1728 = arith.addi %add3A_1572, %reduce_sum3A_1727 : i32
    %swap3A_1729 = arith.constant 32 : index
    %swap3A_1730 = tpu.vector_load %arg13[%swap3A_1729] {strides = array<i32>} : memref<64xi32, #tpu.memory_space<vmem>>, vector<16xi32>,
    tpu.vector_store %arg13[%swap3A_1729], %add3A_1723 {strides = array<i32>} : memref<64xi32, #tpu.memory_space<vmem>>, vector<16xi32>,
    %broadcast_in_dim3A_1731 = arith.constant 0 : i32
    %broadcast_in_dim3A_1732 = vector.broadcast %broadcast_in_dim3A_1731 : i32 to vector<16xi32>
    %eq3A_1733 = arith.constant 0 : i32
    %eq3A_1734 = vector.broadcast %eq3A_1733 : i32 to vector<16xi32>
    %eq3A_1735 = arith.cmpi eq, %get3A_755, %eq3A_1734 : vector<16xi32>
    %convert_element_type3A_1736 = arith.extui %eq3A_1735 : vector<16xi1> to vector<16xi32>
    %cumsum3A_1737 = arith.constant true
    %cumsum3A_1738 = vector.broadcast %cumsum3A_1737 : i1 to vector<16xi1>
    %cumsum3A_1739 = tpu.scan <sum>, %convert_element_type3A_1736 masked %cumsum3A_1738 : vector<16xi32>, vector<16xi1> -> vector<16xi32>
    %add3A_1740 = vector.broadcast %add3A_1595 : i32 to vector<16xi32>
    %add3A_1741 = arith.addi %add3A_1740, %cumsum3A_1739 : vector<16xi32>
    %sub3A_1742 = arith.constant 1 : i32
    %sub3A_1743 = vector.broadcast %sub3A_1742 : i32 to vector<16xi32>
    %sub3A_1744 = arith.subi %add3A_1741, %sub3A_1743 : vector<16xi32>
    %mul3A_1745 = arith.muli %convert_element_type3A_1736, %sub3A_1744 : vector<16xi32>
    %add3A_1746 = arith.addi %broadcast_in_dim3A_1732, %mul3A_1745 : vector<16xi32>
    %reduce_sum3A_1747 = arith.constant true
    %reduce_sum3A_1748 = vector.broadcast %reduce_sum3A_1747 : i1 to vector<16xi1>
    %reduce_sum3A_1749 = tpu.scan <sum>, %convert_element_type3A_1736 masked %reduce_sum3A_1748 : vector<16xi32>, vector<16xi1> -> vector<16xi32>
    %reduce_sum3A_1750 = vector.extract %reduce_sum3A_1749[15] : i32 from vector<16xi32>
    %add3A_1751 = arith.addi %add3A_1595, %reduce_sum3A_1750 : i32
    %eq3A_1752 = arith.constant 1 : i32
    %eq3A_1753 = vector.broadcast %eq3A_1752 : i32 to vector<16xi32>
    %eq3A_1754 = arith.cmpi eq, %get3A_755, %eq3A_1753 : vector<16xi32>
    %convert_element_type3A_1755 = arith.extui %eq3A_1754 : vector<16xi1> to vector<16xi32>
    %cumsum3A_1756 = arith.constant true
    %cumsum3A_1757 = vector.broadcast %cumsum3A_1756 : i1 to vector<16xi1>
    %cumsum3A_1758 = tpu.scan <sum>, %convert_element_type3A_1755 masked %cumsum3A_1757 : vector<16xi32>, vector<16xi1> -> vector<16xi32>
    %add3A_1759 = vector.broadcast %add3A_1614 : i32 to vector<16xi32>
    %add3A_1760 = arith.addi %add3A_1759, %cumsum3A_1758 : vector<16xi32>
    %sub3A_1761 = arith.constant 1 : i32
    %sub3A_1762 = vector.broadcast %sub3A_1761 : i32 to vector<16xi32>
    %sub3A_1763 = arith.subi %add3A_1760, %sub3A_1762 : vector<16xi32>
    %mul3A_1764 = arith.muli %convert_element_type3A_1755, %sub3A_1763 : vector<16xi32>
    %add3A_1765 = arith.addi %add3A_1746, %mul3A_1764 : vector<16xi32>
    %reduce_sum3A_1766 = arith.constant true
    %reduce_sum3A_1767 = vector.broadcast %reduce_sum3A_1766 : i1 to vector<16xi1>
    %reduce_sum3A_1768 = tpu.scan <sum>, %convert_element_type3A_1755 masked %reduce_sum3A_1767 : vector<16xi32>, vector<16xi1> -> vector<16xi32>
    %reduce_sum3A_1769 = vector.extract %reduce_sum3A_1768[15] : i32 from vector<16xi32>
    %add3A_1770 = arith.addi %add3A_1614, %reduce_sum3A_1769 : i32
    %eq3A_1771 = arith.constant 2 : i32
    %eq3A_1772 = vector.broadcast %eq3A_1771 : i32 to vector<16xi32>
    %eq3A_1773 = arith.cmpi eq, %get3A_755, %eq3A_1772 : vector<16xi32>
    %convert_element_type3A_1774 = arith.extui %eq3A_1773 : vector<16xi1> to vector<16xi32>
    %cumsum3A_1775 = arith.constant true
    %cumsum3A_1776 = vector.broadcast %cumsum3A_1775 : i1 to vector<16xi1>
    %cumsum3A_1777 = tpu.scan <sum>, %convert_element_type3A_1774 masked %cumsum3A_1776 : vector<16xi32>, vector<16xi1> -> vector<16xi32>
    %add3A_1778 = vector.broadcast %add3A_1633 : i32 to vector<16xi32>
    %add3A_1779 = arith.addi %add3A_1778, %cumsum3A_1777 : vector<16xi32>
    %sub3A_1780 = arith.constant 1 : i32
    %sub3A_1781 = vector.broadcast %sub3A_1780 : i32 to vector<16xi32>
    %sub3A_1782 = arith.subi %add3A_1779, %sub3A_1781 : vector<16xi32>
    %mul3A_1783 = arith.muli %convert_element_type3A_1774, %sub3A_1782 : vector<16xi32>
    %add3A_1784 = arith.addi %add3A_1765, %mul3A_1783 : vector<16xi32>
    %reduce_sum3A_1785 = arith.constant true
    %reduce_sum3A_1786 = vector.broadcast %reduce_sum3A_1785 : i1 to vector<16xi1>
    %reduce_sum3A_1787 = tpu.scan <sum>, %convert_element_type3A_1774 masked %reduce_sum3A_1786 : vector<16xi32>, vector<16xi1> -> vector<16xi32>
    %reduce_sum3A_1788 = vector.extract %reduce_sum3A_1787[15] : i32 from vector<16xi32>
    %add3A_1789 = arith.addi %add3A_1633, %reduce_sum3A_1788 : i32
    %eq3A_1790 = arith.constant 3 : i32
    %eq3A_1791 = vector.broadcast %eq3A_1790 : i32 to vector<16xi32>
    %eq3A_1792 = arith.cmpi eq, %get3A_755, %eq3A_1791 : vector<16xi32>
    %convert_element_type3A_1793 = arith.extui %eq3A_1792 : vector<16xi1> to vector<16xi32>
    %cumsum3A_1794 = arith.constant true
    %cumsum3A_1795 = vector.broadcast %cumsum3A_1794 : i1 to vector<16xi1>
    %cumsum3A_1796 = tpu.scan <sum>, %convert_element_type3A_1793 masked %cumsum3A_1795 : vector<16xi32>, vector<16xi1> -> vector<16xi32>
    %add3A_1797 = vector.broadcast %add3A_1652 : i32 to vector<16xi32>
    %add3A_1798 = arith.addi %add3A_1797, %cumsum3A_1796 : vector<16xi32>
    %sub3A_1799 = arith.constant 1 : i32
    %sub3A_1800 = vector.broadcast %sub3A_1799 : i32 to vector<16xi32>
    %sub3A_1801 = arith.subi %add3A_1798, %sub3A_1800 : vector<16xi32>
    %mul3A_1802 = arith.muli %convert_element_type3A_1793, %sub3A_1801 : vector<16xi32>
    %add3A_1803 = arith.addi %add3A_1784, %mul3A_1802 : vector<16xi32>
    %reduce_sum3A_1804 = arith.constant true
    %reduce_sum3A_1805 = vector.broadcast %reduce_sum3A_1804 : i1 to vector<16xi1>
    %reduce_sum3A_1806 = tpu.scan <sum>, %convert_element_type3A_1793 masked %reduce_sum3A_1805 : vector<16xi32>, vector<16xi1> -> vector<16xi32>
    %reduce_sum3A_1807 = vector.extract %reduce_sum3A_1806[15] : i32 from vector<16xi32>
    %add3A_1808 = arith.addi %add3A_1652, %reduce_sum3A_1807 : i32
    %eq3A_1809 = arith.constant 4 : i32
    %eq3A_1810 = vector.broadcast %eq3A_1809 : i32 to vector<16xi32>
    %eq3A_1811 = arith.cmpi eq, %get3A_755, %eq3A_1810 : vector<16xi32>
    %convert_element_type3A_1812 = arith.extui %eq3A_1811 : vector<16xi1> to vector<16xi32>
    %cumsum3A_1813 = arith.constant true
    %cumsum3A_1814 = vector.broadcast %cumsum3A_1813 : i1 to vector<16xi1>
    %cumsum3A_1815 = tpu.scan <sum>, %convert_element_type3A_1812 masked %cumsum3A_1814 : vector<16xi32>, vector<16xi1> -> vector<16xi32>
    %add3A_1816 = vector.broadcast %add3A_1671 : i32 to vector<16xi32>
    %add3A_1817 = arith.addi %add3A_1816, %cumsum3A_1815 : vector<16xi32>
    %sub3A_1818 = arith.constant 1 : i32
    %sub3A_1819 = vector.broadcast %sub3A_1818 : i32 to vector<16xi32>
    %sub3A_1820 = arith.subi %add3A_1817, %sub3A_1819 : vector<16xi32>
    %mul3A_1821 = arith.muli %convert_element_type3A_1812, %sub3A_1820 : vector<16xi32>
    %add3A_1822 = arith.addi %add3A_1803, %mul3A_1821 : vector<16xi32>
    %reduce_sum3A_1823 = arith.constant true
    %reduce_sum3A_1824 = vector.broadcast %reduce_sum3A_1823 : i1 to vector<16xi1>
    %reduce_sum3A_1825 = tpu.scan <sum>, %convert_element_type3A_1812 masked %reduce_sum3A_1824 : vector<16xi32>, vector<16xi1> -> vector<16xi32>
    %reduce_sum3A_1826 = vector.extract %reduce_sum3A_1825[15] : i32 from vector<16xi32>
    %add3A_1827 = arith.addi %add3A_1671, %reduce_sum3A_1826 : i32
    %eq3A_1828 = arith.constant 5 : i32
    %eq3A_1829 = vector.broadcast %eq3A_1828 : i32 to vector<16xi32>
    %eq3A_1830 = arith.cmpi eq, %get3A_755, %eq3A_1829 : vector<16xi32>
    %convert_element_type3A_1831 = arith.extui %eq3A_1830 : vector<16xi1> to vector<16xi32>
    %cumsum3A_1832 = arith.constant true
    %cumsum3A_1833 = vector.broadcast %cumsum3A_1832 : i1 to vector<16xi1>
    %cumsum3A_1834 = tpu.scan <sum>, %convert_element_type3A_1831 masked %cumsum3A_1833 : vector<16xi32>, vector<16xi1> -> vector<16xi32>
    %add3A_1835 = vector.broadcast %add3A_1690 : i32 to vector<16xi32>
    %add3A_1836 = arith.addi %add3A_1835, %cumsum3A_1834 : vector<16xi32>
    %sub3A_1837 = arith.constant 1 : i32
    %sub3A_1838 = vector.broadcast %sub3A_1837 : i32 to vector<16xi32>
    %sub3A_1839 = arith.subi %add3A_1836, %sub3A_1838 : vector<16xi32>
    %mul3A_1840 = arith.muli %convert_element_type3A_1831, %sub3A_1839 : vector<16xi32>
    %add3A_1841 = arith.addi %add3A_1822, %mul3A_1840 : vector<16xi32>
    %reduce_sum3A_1842 = arith.constant true
    %reduce_sum3A_1843 = vector.broadcast %reduce_sum3A_1842 : i1 to vector<16xi1>
    %reduce_sum3A_1844 = tpu.scan <sum>, %convert_element_type3A_1831 masked %reduce_sum3A_1843 : vector<16xi32>, vector<16xi1> -> vector<16xi32>
    %reduce_sum3A_1845 = vector.extract %reduce_sum3A_1844[15] : i32 from vector<16xi32>
    %add3A_1846 = arith.addi %add3A_1690, %reduce_sum3A_1845 : i32
    %eq3A_1847 = arith.constant 6 : i32
    %eq3A_1848 = vector.broadcast %eq3A_1847 : i32 to vector<16xi32>
    %eq3A_1849 = arith.cmpi eq, %get3A_755, %eq3A_1848 : vector<16xi32>
    %convert_element_type3A_1850 = arith.extui %eq3A_1849 : vector<16xi1> to vector<16xi32>
    %cumsum3A_1851 = arith.constant true
    %cumsum3A_1852 = vector.broadcast %cumsum3A_1851 : i1 to vector<16xi1>
    %cumsum3A_1853 = tpu.scan <sum>, %convert_element_type3A_1850 masked %cumsum3A_1852 : vector<16xi32>, vector<16xi1> -> vector<16xi32>
    %add3A_1854 = vector.broadcast %add3A_1709 : i32 to vector<16xi32>
    %add3A_1855 = arith.addi %add3A_1854, %cumsum3A_1853 : vector<16xi32>
    %sub3A_1856 = arith.constant 1 : i32
    %sub3A_1857 = vector.broadcast %sub3A_1856 : i32 to vector<16xi32>
    %sub3A_1858 = arith.subi %add3A_1855, %sub3A_1857 : vector<16xi32>
    %mul3A_1859 = arith.muli %convert_element_type3A_1850, %sub3A_1858 : vector<16xi32>
    %add3A_1860 = arith.addi %add3A_1841, %mul3A_1859 : vector<16xi32>
    %reduce_sum3A_1861 = arith.constant true
    %reduce_sum3A_1862 = vector.broadcast %reduce_sum3A_1861 : i1 to vector<16xi1>
    %reduce_sum3A_1863 = tpu.scan <sum>, %convert_element_type3A_1850 masked %reduce_sum3A_1862 : vector<16xi32>, vector<16xi1> -> vector<16xi32>
    %reduce_sum3A_1864 = vector.extract %reduce_sum3A_1863[15] : i32 from vector<16xi32>
    %add3A_1865 = arith.addi %add3A_1709, %reduce_sum3A_1864 : i32
    %eq3A_1866 = arith.constant 7 : i32
    %eq3A_1867 = vector.broadcast %eq3A_1866 : i32 to vector<16xi32>
    %eq3A_1868 = arith.cmpi eq, %get3A_755, %eq3A_1867 : vector<16xi32>
    %convert_element_type3A_1869 = arith.extui %eq3A_1868 : vector<16xi1> to vector<16xi32>
    %cumsum3A_1870 = arith.constant true
    %cumsum3A_1871 = vector.broadcast %cumsum3A_1870 : i1 to vector<16xi1>
    %cumsum3A_1872 = tpu.scan <sum>, %convert_element_type3A_1869 masked %cumsum3A_1871 : vector<16xi32>, vector<16xi1> -> vector<16xi32>
    %add3A_1873 = vector.broadcast %add3A_1728 : i32 to vector<16xi32>
    %add3A_1874 = arith.addi %add3A_1873, %cumsum3A_1872 : vector<16xi32>
    %sub3A_1875 = arith.constant 1 : i32
    %sub3A_1876 = vector.broadcast %sub3A_1875 : i32 to vector<16xi32>
    %sub3A_1877 = arith.subi %add3A_1874, %sub3A_1876 : vector<16xi32>
    %mul3A_1878 = arith.muli %convert_element_type3A_1869, %sub3A_1877 : vector<16xi32>
    %add3A_1879 = arith.addi %add3A_1860, %mul3A_1878 : vector<16xi32>
    %reduce_sum3A_1880 = arith.constant true
    %reduce_sum3A_1881 = vector.broadcast %reduce_sum3A_1880 : i1 to vector<16xi1>
    %reduce_sum3A_1882 = tpu.scan <sum>, %convert_element_type3A_1869 masked %reduce_sum3A_1881 : vector<16xi32>, vector<16xi1> -> vector<16xi32>
    %reduce_sum3A_1883 = vector.extract %reduce_sum3A_1882[15] : i32 from vector<16xi32>
    %add3A_1884 = arith.addi %add3A_1728, %reduce_sum3A_1883 : i32
    %swap3A_1885 = arith.constant 48 : index
    %swap3A_1886 = tpu.vector_load %arg13[%swap3A_1885] {strides = array<i32>} : memref<64xi32, #tpu.memory_space<vmem>>, vector<16xi32>,
    tpu.vector_store %arg13[%swap3A_1885], %add3A_1879 {strides = array<i32>} : memref<64xi32, #tpu.memory_space<vmem>>, vector<16xi32>,
    %dma_wait3A = arith.constant 0 : i32
    %dma_wait3A_1887 = tpu.memref_slice %arg2[%mul3A_2, %dma_wait3A] : memref<2048x768xf32, #tpu.memory_space<hbm>> -> memref<64x768xf32, #tpu.memory_space<hbm>>
    %dma_wait3A_1888 = arith.constant 0 : i32
    %dma_wait3A_1889 = tpu.memref_slice %arg2[%mul3A_2, %dma_wait3A_1888] : memref<2048x768xf32, #tpu.memory_space<hbm>> -> memref<64x768xf32, #tpu.memory_space<hbm>>
    tpu.wait_dma2 semaphore(%arg18 : memref<!tpu.dma_semaphore, #tpu.memory_space<semaphore_mem>>) src(%dma_wait3A_1889 : memref<64x768xf32, #tpu.memory_space<hbm>>) dst(%arg14 : memref<64x768xf32, #tpu.memory_space<vmem>>)
    %dma_start3A_1890 = arith.constant 0 : i32
    %dma_start3A_1891 = arith.constant 0 : i32
    %dma_start3A_1892 = tpu.memref_slice %arg4[%dma_start3A_1890, %dma_start3A_1891] : memref<2048x768xf32, #tpu.memory_space<hbm>> -> memref<2048x768xf32, #tpu.memory_space<hbm>>
    tpu.enqueue_indirect_dma source(%arg14 : memref<64x768xf32, #tpu.memory_space<vmem>>) target(%dma_start3A_1892 : memref<2048x768xf32, #tpu.memory_space<hbm>>) offsets(%arg13 : memref<64xi32, #tpu.memory_space<vmem>>) semaphore(%arg19 : memref<!tpu.dma_semaphore, #tpu.memory_space<semaphore_mem>>)
    %dma_wait3A_1893 = arith.constant 0 : i32
    %dma_wait3A_1894 = arith.constant 0 : i32
    %dma_wait3A_1895 = tpu.memref_slice %arg4[%dma_wait3A_1893, %dma_wait3A_1894] : memref<2048x768xf32, #tpu.memory_space<hbm>> -> memref<2048x768xf32, #tpu.memory_space<hbm>>
    tpu.wait_indirect_dma semaphore(%arg19 : memref<!tpu.dma_semaphore, #tpu.memory_space<semaphore_mem>>) src(%arg14 : memref<64x768xf32, #tpu.memory_space<vmem>>) dst(%dma_wait3A_1895 : memref<2048x768xf32, #tpu.memory_space<hbm>>)
    "tpu.region"() ({
      %run_scoped3A = tpu.sem_alloc : memref<!tpu.dma_semaphore, #tpu.memory_space<semaphore_mem>>
      %dma_start3A_1896 = tpu.memref_slice %arg5[%mul3A_2] : memref<2048xi32, #tpu.memory_space<hbm>> -> memref<64xi32, #tpu.memory_space<hbm>>
      %dma_start3A_1897 = tpu.memref_slice %arg5[%mul3A_2] : memref<2048xi32, #tpu.memory_space<hbm>> -> memref<64xi32, #tpu.memory_space<hbm>>
      tpu.enqueue_dma source(%arg13 : memref<64xi32, #tpu.memory_space<vmem>>) target(%dma_start3A_1897 : memref<64xi32, #tpu.memory_space<hbm>>) target_semaphore(%run_scoped3A : memref<!tpu.dma_semaphore, #tpu.memory_space<semaphore_mem>>)
      %dma_wait3A_1898 = tpu.memref_slice %arg5[%mul3A_2] : memref<2048xi32, #tpu.memory_space<hbm>> -> memref<64xi32, #tpu.memory_space<hbm>>
      %dma_wait3A_1899 = tpu.memref_slice %arg5[%mul3A_2] : memref<2048xi32, #tpu.memory_space<hbm>> -> memref<64xi32, #tpu.memory_space<hbm>>
      tpu.wait_dma2 semaphore(%run_scoped3A : memref<!tpu.dma_semaphore, #tpu.memory_space<semaphore_mem>>) src(%arg13 : memref<64xi32, #tpu.memory_space<vmem>>) dst(%dma_wait3A_1899 : memref<64xi32, #tpu.memory_space<hbm>>)
      tpu.yield
    }) : () -> ()
    return
  }
}

module attributes {stable_mosaic.version = 14 : i64} {
  func.func @_mm_body(%arg0: i32, %arg1: memref<16xi32, #tpu.memory_space<smem>>, %arg2: memref<16xi32, #tpu.memory_space<smem>>, %arg3: memref<16xi32, #tpu.memory_space<smem>>, %arg4: memref<16xi32, #tpu.memory_space<smem>>, %arg5: memref<512x768xf32, #tpu.memory_space<vmem>>, %arg6: memref<1x768x768xf32, #tpu.memory_space<vmem>>, %arg7: memref<1x1x768xf32, #tpu.memory_space<vmem>>, %arg8: memref<512x768xf32, #tpu.memory_space<vmem>>) attributes {dimension_semantics = [#tpu.dimension_semantics<arbitrary>], iteration_bounds = array<i64: 16>, scalar_prefetch = 4 : i64, scratch_operands = 0 : i64, tpu.core_type = #tpu.core_type<tc>, window_params = [{transform_indices = @transform_0, window_bounds = array<i64: 512, 768>}, {transform_indices = @transform_1, window_bounds = array<i64: 1, 768, 768>}, {transform_indices = @transform_2, window_bounds = array<i64: 1, 1, 768>}, {transform_indices = @transform_3, window_bounds = array<i64: 512, 768>}]} {
    %get3A = arith.index_cast %arg0 : i32 to index
    %get3A_0 = memref.load %arg1[%get3A] : memref<16xi32, #tpu.memory_space<smem>>
    %sub3A = arith.constant 1 : i32
    %sub3A_1 = arith.subi %arg0, %sub3A : i32
    %max3A = arith.constant 0 : i32
    %max3A_2 = arith.maxsi %sub3A_1, %max3A : i32
    %get3A_3 = arith.index_cast %max3A_2 : i32 to index
    %get3A_4 = memref.load %arg1[%get3A_3] : memref<16xi32, #tpu.memory_space<smem>>
    %eq3A = arith.constant 0 : i32
    %eq3A_5 = arith.cmpi eq, %arg0, %eq3A : i32
    %ne3A = arith.cmpi ne, %get3A_0, %get3A_4 : i32
    %or3A = arith.ori %eq3A_5, %ne3A : i1
    %get3A_6 = arith.index_cast %arg0 : i32 to index
    %get3A_7 = memref.load %arg3[%get3A_6] : memref<16xi32, #tpu.memory_space<smem>>
    %get3A_8 = arith.index_cast %arg0 : i32 to index
    %get3A_9 = memref.load %arg4[%get3A_8] : memref<16xi32, #tpu.memory_space<smem>>
    %convert_element_type3A = arith.extui %or3A : i1 to i32
    %cond3A = arith.constant 0 : i32
    %cond3A_10 = arith.cmpi ne, %convert_element_type3A, %cond3A : i32
    scf.if %cond3A_10 {
      %broadcast_in_dim3A = arith.constant 0.000000e+00 : f32
      %broadcast_in_dim3A_14 = vector.broadcast %broadcast_in_dim3A : f32 to vector<512x768xf32>
      %swap3A = arith.constant 0 : index
      %swap3A_15 = arith.constant 0 : index
      %swap3A_16 = vector.load %arg8[%swap3A, %swap3A_15] : memref<512x768xf32, #tpu.memory_space<vmem>>, vector<512x768xf32>
      tpu.vector_store %arg8[%swap3A, %swap3A_15], %broadcast_in_dim3A_14 {strides = array<i32>} : memref<512x768xf32, #tpu.memory_space<vmem>>, vector<512x768xf32>,
    } else {
    }
    %gt3A = arith.cmpi sgt, %get3A_9, %get3A_7 : i32
    %convert_element_type3A_11 = arith.extui %gt3A : i1 to i32
    %cond3A_12 = arith.constant 0 : i32
    %cond3A_13 = arith.cmpi ne, %convert_element_type3A_11, %cond3A_12 : i32
    scf.if %cond3A_13 {
      %iota3A = tpu.iota {dimensions = array<i32: 0>} : vector<512x1xi32>
      %ge3A = vector.broadcast %get3A_7 : i32 to vector<512x1xi32>
      %ge3A_14 = arith.cmpi sge, %iota3A, %ge3A : vector<512x1xi32>
      %lt3A = vector.broadcast %get3A_9 : i32 to vector<512x1xi32>
      %lt3A_15 = arith.cmpi slt, %iota3A, %lt3A : vector<512x1xi32>
      %and3A = arith.andi %ge3A_14, %lt3A_15 : vector<512x1xi1>
      %get3A_16 = arith.constant 0 : index
      %get3A_17 = arith.constant 0 : index
      %get3A_18 = vector.load %arg5[%get3A_16, %get3A_17] : memref<512x768xf32, #tpu.memory_space<vmem>>, vector<512x768xf32>
      %convert_element_type3A_19 = arith.truncf %get3A_18 : vector<512x768xf32> to vector<512x768xbf16>
      %get3A_20 = arith.constant 0 : index
      %get3A_21 = arith.constant 0 : index
      %get3A_22 = arith.constant 0 : index
      %get3A_23 = vector.load %arg6[%get3A_20, %get3A_21, %get3A_22] : memref<1x768x768xf32, #tpu.memory_space<vmem>>, vector<1x768x768xf32>
      %get3A_24 = vector.shape_cast %get3A_23 : vector<1x768x768xf32> to vector<768x768xf32>
      %convert_element_type3A_25 = arith.truncf %get3A_24 : vector<768x768xf32> to vector<768x768xbf16>
      %dot_general3A = arith.constant dense<0.000000e+00> : vector<512x768xf32>
      %dot_general3A_26 = tpu.matmul %convert_element_type3A_19, %convert_element_type3A_25, %dot_general3A {dimension_numbers = #tpu.dot_dimension_numbers<[1], [0], [0], [1], [0, 0, 1, 1], [], []>, transpose_lhs_hint = false} : vector<512x768xbf16>, vector<768x768xbf16>, vector<512x768xf32> -> vector<512x768xf32>
      %get3A_27 = arith.constant 0 : index
      %get3A_28 = arith.constant 0 : index
      %get3A_29 = vector.load %arg8[%get3A_27, %get3A_28] : memref<512x768xf32, #tpu.memory_space<vmem>>, vector<512x768xf32>
      %get3A_30 = arith.constant 0 : index
      %get3A_31 = arith.constant 0 : index
      %get3A_32 = arith.constant 0 : index
      %get3A_33 = vector.load %arg7[%get3A_30, %get3A_31, %get3A_32] : memref<1x1x768xf32, #tpu.memory_space<vmem>>, vector<1x1x768xf32>
      %get3A_34 = vector.shape_cast %get3A_33 : vector<1x1x768xf32> to vector<1x768xf32>
      %add3A = vector.broadcast %get3A_34 : vector<1x768xf32> to vector<512x768xf32>
      %add3A_35 = arith.addf %dot_general3A_26, %add3A : vector<512x768xf32>
      %jit3A = arith.constant 0.000000e+00 : f32
      %broadcast_in_dim3A = vector.shape_cast %and3A : vector<512x1xi1> to vector<512x1xi1>
      %broadcast_in_dim3A_36 = vector.broadcast %broadcast_in_dim3A : vector<512x1xi1> to vector<512x768xi1>
      %broadcast_in_dim3A_37 = vector.broadcast %jit3A : f32 to vector<512x768xf32>
      %select_n3A = arith.select %broadcast_in_dim3A_36, %add3A_35, %broadcast_in_dim3A_37 : vector<512x768xi1>, vector<512x768xf32>
      %add3A_38 = arith.addf %get3A_29, %select_n3A : vector<512x768xf32>
      %swap3A = arith.constant 0 : index
      %swap3A_39 = arith.constant 0 : index
      %swap3A_40 = vector.load %arg8[%swap3A, %swap3A_39] : memref<512x768xf32, #tpu.memory_space<vmem>>, vector<512x768xf32>
      tpu.vector_store %arg8[%swap3A, %swap3A_39], %add3A_38 {strides = array<i32>} : memref<512x768xf32, #tpu.memory_space<vmem>>, vector<512x768xf32>,
    } else {
    }
    return
  }
  func.func @transform_0(%arg0: i32, %arg1: memref<16xi32, #tpu.memory_space<smem>>, %arg2: memref<16xi32, #tpu.memory_space<smem>>, %arg3: memref<16xi32, #tpu.memory_space<smem>>, %arg4: memref<16xi32, #tpu.memory_space<smem>>) -> (i32, i32) {
    %get3A = arith.index_cast %arg0 : i32 to index
    %get3A_0 = memref.load %arg1[%get3A] : memref<16xi32, #tpu.memory_space<smem>>
    %c0_i32 = arith.constant 0 : i32
    %c0_i32_1 = arith.constant 0 : i32
    return %get3A_0, %c0_i32 : i32, i32
  }
  func.func @transform_1(%arg0: i32, %arg1: memref<16xi32, #tpu.memory_space<smem>>, %arg2: memref<16xi32, #tpu.memory_space<smem>>, %arg3: memref<16xi32, #tpu.memory_space<smem>>, %arg4: memref<16xi32, #tpu.memory_space<smem>>) -> (i32, i32, i32) {
    %get3A = arith.index_cast %arg0 : i32 to index
    %get3A_0 = memref.load %arg2[%get3A] : memref<16xi32, #tpu.memory_space<smem>>
    %c0_i32 = arith.constant 0 : i32
    %c0_i32_1 = arith.constant 0 : i32
    %c0_i32_2 = arith.constant 0 : i32
    return %get3A_0, %c0_i32, %c0_i32_1 : i32, i32, i32
  }
  func.func @transform_2(%arg0: i32, %arg1: memref<16xi32, #tpu.memory_space<smem>>, %arg2: memref<16xi32, #tpu.memory_space<smem>>, %arg3: memref<16xi32, #tpu.memory_space<smem>>, %arg4: memref<16xi32, #tpu.memory_space<smem>>) -> (i32, i32, i32) {
    %get3A = arith.index_cast %arg0 : i32 to index
    %get3A_0 = memref.load %arg2[%get3A] : memref<16xi32, #tpu.memory_space<smem>>
    %c0_i32 = arith.constant 0 : i32
    %c0_i32_1 = arith.constant 0 : i32
    %c0_i32_2 = arith.constant 0 : i32
    return %get3A_0, %c0_i32, %c0_i32_1 : i32, i32, i32
  }
  func.func @transform_3(%arg0: i32, %arg1: memref<16xi32, #tpu.memory_space<smem>>, %arg2: memref<16xi32, #tpu.memory_space<smem>>, %arg3: memref<16xi32, #tpu.memory_space<smem>>, %arg4: memref<16xi32, #tpu.memory_space<smem>>) -> (i32, i32) {
    %get3A = arith.index_cast %arg0 : i32 to index
    %get3A_0 = memref.load %arg1[%get3A] : memref<16xi32, #tpu.memory_space<smem>>
    %c0_i32 = arith.constant 0 : i32
    %c0_i32_1 = arith.constant 0 : i32
    return %get3A_0, %c0_i32 : i32, i32
  }
}

</mosaic_0001>

<sc_bundles>
// kernel: kernel.5.cloned.1.call-start
scs
__scs_entry_jumppad:
0x0: {  	(pc) =	sbr.rel $0x88, $3  }
0x1: {  	(tag) =	ssettag $0x0;
	lr =	simm.s32 $0x1  }
0x2: {  	[smem:$0x3F9D] =	sst lr;
	_ =	strace $0xD0000000  }
0x3: {  	_ = 	snop  }
0x4: {  	_ = 	snop  }
0x5: {  	_ = 	snop  }
0x6: {  	_ = 	snop  }
0x7: {  	_ = 	snop  }
__scs_overlays_trampoline_lowered:
0x8: {  	[smem:$0x3FAC] =	sst s0  }
0x9: {  	[smem:$0x3FAD] =	sst s1  }
0xa: {  	[smem:$0x3FAE] =	sst s2  }
0xb: {  	[smem:$0x3FAF] =	sst s3  }
0xc: {  	[smem:$0x3FB0] =	sst s4  }
0xd: {  	[smem:$0x3FB1] =	sst s5  }
0xe: {  	[smem:$0x3FB2] =	sst s6  }
0xf: {  	[smem:$0x3FB3] =	sst s7  }
0x10: {  	[smem:$0x3FB4] =	sst s8  }
0x11: {  	[smem:$0x3FB5] =	sst s9;
	s0 =	simm.s32 @!p0 $0x0  }
0x12: {  	s1 =	sld [smem:$0x3F9B];
	s0 =	simm.s32 @p0 $0x1  }
0x13: {  	[smem:$0x3FB6] =	sst s0;
	s0 =	simm.s32 @!p1 $0x0  }
0x14: {  	s2 =	sld [smem:$0x3F9A];
	s0 =	simm.s32 @p1 $0x1  }
0x15: {  	[smem:$0x3FB7] =	sst s0;
	s0 =	simm.s32 @!p2 $0x0  }
0x16: {  	s3 =	sld [smem:$0x3FDB];
	s0 =	simm.s32 @p2 $0x1  }
0x17: {  	s4 =	simm.s32 $0x1BF5;
	[smem:$0x3FB9] =	sst s0  }
0x18: {  	s0 =	sld [smem:$0x3F9C];
	_ =	swait.ge [sflag:s4], $0x0  }
0x19: {  	s7 =	sld [smem:$0x3F9D]  }
0x1a: {  	s8 =	sadd.s32 $0xFFFFE003, lr  }
0x1b: {  	s9 =	sadd.s32 $0xFFFFFEF7, lr;
	s5 =	simm.s32 $0xFFFFFFFF;
	p2 =	slt.u32 s8, $0xFFFFF086  }
0x1c: {  	p1 =	slt.u32 s9, $0xF7A;
	s5 =	simm.s32 @!p2 $0x0  }
0x1d: {  	s5 =	simm.s32 @p1 $0x1;
	p0 =	seq.s32 s7, s2  }
0x1e: {  	s7 =	smul.u32 @!p0 $0xF7A, s2;
	p2 =	seq.s32 @!p0 s5, $0x0  }
0x1f: {  	s9 =	smul.u32 $0xF7A, s1;
	s8 =	simm.s32 @!p0 $0x1BF5;
	p2 =	por !p2, p0  }
0x20: {  	[sflag:s8] =	ssyncset.s32 @!p0 $0xFFFFF086;
	s6 =	sadd.s32 @!p0 s3, s7;
	s7 =	simm.s32 @!p0 $0x108  }
0x21: {  	s3 =	sadd.s32 s3, s9;
	s6 =	sadd.s32 @!p0 $0x88, s6;
	s7 =	simm.s32 @p2 $0x1082  }
0x22: {  	[simem:s7], [sflag:s8] =	dma.local @!p0 [hbm:s6], $0xF7A  }
0x23: {  	s9 =	sor.u32 $0xD0000000, s2;
	s6 =	simm.s32 $0x108;
	_ =	swait.ge @!p0 [sflag:s8], $0x0  }
0x24: {  	s3 =	sadd.s32 $0x88, s3;
	s6 =	simm.s32 @!p1 $0x1082;
	[sflag:s4] =	ssyncset.s32 $0xFFFFF086  }
0x25: {  	[simem:s6], [sflag:s4] =	dma.local [hbm:s3], $0xF7A  }
0x26: {  	[smem:$0x3F9D] =	sst s1;
	(tag) =	ssettag s2;
	_ =	strace s9  }
0x27: {  	s1 =	sld [smem:$0x3FAD]  }
0x28: {  	s2 =	sld [smem:$0x3FAE]  }
0x29: {  	s4 =	sld [smem:$0x3FB0]  }
0x2a: {  	p0 =	seq.s32 s5, $0x0;
	s5 =	sld [smem:$0x3FB1]  }
0x2b: {  	s6 =	sld [smem:$0x3FB2]  }
0x2c: {  	s7 =	sld [smem:$0x3FB3]  }
0x2d: {  	s3 =	simm.s32 $0x108;
	s8 =	sld [smem:$0x3FB4]  }
0x2e: {  	s3 =	simm.s32 @!p0 $0x1082;
	s9 =	sld [smem:$0x3FB5]  }
0x2f: {  	lr =	sadd.s32 s0, s3;
	s0 =	sld [smem:$0x3FAC]  }
0x30: {  	s3 =	sld [smem:$0x3FAF]  }
0x31: {  	[smem:$0x3FB8] =	sst s10  }
0x32: {  	s10 =	sld [smem:$0x3FB6];
	_ =	sdelay $0x3  }
0x33: {  	p0 =	seq.s32 s10, $0x1;
	s10 =	sld [smem:$0x3FB8];
	_ =	sdelay $0x3  }
0x34: {  	[smem:$0x3FB8] =	sst s10  }
0x35: {  	s10 =	sld [smem:$0x3FB7];
	_ =	sdelay $0x3  }
0x36: {  	p1 =	seq.s32 s10, $0x1;
	s10 =	sld [smem:$0x3FB8];
	_ =	sdelay $0x3  }
0x37: {  	[smem:$0x3FB8] =	sst s10  }
0x38: {  	s10 =	sld [smem:$0x3FB9]  }
0x39: {  	_ = 	snop;
	(pc) =	sbr.ind lr, $3  }
0x3a: {  	_ = 	snop  }
0x3b: {  	_ = 	snop  }
0x3c: {  	p2 =	seq.s32 s10, $0x1;
	s10 =	sld [smem:$0x3FB8]  }
0x3d: {  	_ =	shalt  }
0x3e: {  	_ =	shalt  }
0x3f: {  	_ =	shalt  }
0x40: {  	_ =	shalt  }
0x41: {  	_ =	shalt  }
0x42: {  	_ =	shalt  }
0x43: {  	_ =	shalt  }
0x44: {  	_ =	shalt  }
0x45: {  	_ =	shalt  }
0x46: {  	_ =	shalt  }
0x47: {  	_ =	shalt  }
0x48: {  	_ =	shalt  }
0x49: {  	_ =	shalt  }
0x4a: {  	_ =	shalt  }
0x4b: {  	_ =	shalt  }
0x4c: {  	_ =	shalt  }
0x4d: {  	_ =	shalt  }
0x4e: {  	_ =	shalt  }
0x4f: {  	_ =	shalt  }
0x50: {  	_ =	shalt  }
0x51: {  	_ =	shalt  }
0x52: {  	_ =	shalt  }
0x53: {  	_ =	shalt  }
0x54: {  	_ =	shalt  }
0x55: {  	_ =	shalt  }
0x56: {  	_ =	shalt  }
0x57: {  	_ =	shalt  }
0x58: {  	_ =	shalt  }
0x59: {  	_ =	shalt  }
0x5a: {  	_ =	shalt  }
0x5b: {  	_ =	shalt  }
0x5c: {  	_ =	shalt  }
0x5d: {  	_ =	shalt  }
0x5e: {  	_ =	shalt  }
0x5f: {  	_ =	shalt  }
0x60: {  	_ =	shalt  }
0x61: {  	_ =	shalt  }
0x62: {  	_ =	shalt  }
0x63: {  	_ =	shalt  }
0x64: {  	_ =	shalt  }
0x65: {  	_ =	shalt  }
0x66: {  	_ =	shalt  }
0x67: {  	_ =	shalt  }
0x68: {  	_ =	shalt  }
0x69: {  	_ =	shalt  }
0x6a: {  	_ =	shalt  }
0x6b: {  	_ =	shalt  }
0x6c: {  	_ =	shalt  }
0x6d: {  	_ =	shalt  }
0x6e: {  	_ =	shalt  }
0x6f: {  	_ =	shalt  }
0x70: {  	_ =	shalt  }
0x71: {  	_ =	shalt  }
0x72: {  	_ =	shalt  }
0x73: {  	_ =	shalt  }
0x74: {  	_ =	shalt  }
0x75: {  	_ =	shalt  }
0x76: {  	_ =	shalt  }
0x77: {  	_ =	shalt  }
0x78: {  	_ =	shalt  }
0x79: {  	_ =	shalt  }
0x7a: {  	_ =	shalt  }
0x7b: {  	_ =	shalt  }
0x7c: {  	_ =	shalt  }
0x7d: {  	_ =	shalt  }
0x7e: {  	_ =	shalt  }
0x7f: {  	_ =	shalt  }
0x80: {  	_ =	shalt  }
0x81: {  	_ =	shalt  }
0x82: {  	_ =	shalt  }
0x83: {  	_ =	shalt  }
0x84: {  	_ =	shalt  }
0x85: {  	_ =	shalt  }
0x86: {  	_ =	shalt  }
0x87: {  	_ =	shalt  }
.Lfunc_end0:
.L_simem_size_0:
called_computation_lowered:
.L_overlay_start_0:
0x88: {  	s2 =	sld [smem:$0x3FD9]  }
0x89: {  	s3 =	sld [smem:$0x3FFE];
	_ =	sdelay $0x1  }
0x8a: {  	s1 =	srdreg.scid  }
0x8b: {  	s0 =	sand.u32 $0x1, s1  }
0x8c: {  	s17 =	sshll.u32 s0, $0xA;
	s2 =	sadd.s32 s3, s2  }
0x8d: {  	s2 =	sadd.s32 s2, s17  }
0x8e: {  	[smem:$0x3FC4] =	sst s2  }
0x8f: {  	_ = 	snop  }
0x90: {  	s2 =	sld [smem:$0x3FC9]  }
0x91: {  	s18 =	sld [smem:$0x3FC8]  }
0x92: {  	s4 =	sld [smem:$0x3FD0];
	(tm) =	ssettm $0x1  }
0x93: {  	s5 =	sld [smem:$0x3FFB];
	_ =	sdelay $0x3  }
0x94: {  	_ =	strace s5  }
0x95: {  	s5 =	sld [smem:$0x3FFC];
	_ =	sdelay $0x3  }
0x96: {  	_ =	strace s5  }
0x97: {  	s5 =	sld [smem:$0x3FFD];
	_ =	sdelay $0x3  }
0x98: {  	_ =	strace s5  }
0x99: {  	_ =	strace $0x8FFFFFFF  }
0x9a: {  	s19 =	sld [smem:$0x3FDB];
	_ =	sdelay $0x1  }
0x9b: {  	s6 =	simm.s32 $_scs_section_size  }
0x9c: {  	s7 =	simm.s32 $_size__tile_overlayer_lowered;
	s8 =	simm.s32 $_tile_overlayer_lowered  }
0x9d: {  	s22 =	simm.s32 $0x1BFF;
	s21 =	sshll.u32 s8, $0x1;
	s5 =	sadd.s32 s6, s19  }
0x9e: {  	s9 =	simm.s32 $0x0;
	s20 =	sshll.u32 s7, $0x1;
	s7 =	sadd.s32 s21, s5  }
0x9f: {  	[timem:s9], [sflag:s22] =	dma.local [hbm:s7], s20  }
0xa0: {  	_ =	swait.ge [sflag:s22], s20  }
0xa1: {  	s6 =	ssub.s32 $0x0, s20;
	[sflag:s22] =	ssyncset.done $0x0  }
0xa2: {  	[sflag:s22] =	ssyncadd.s32 s6;
	_ =	sdelay $0x1  }
0xa3: {  	s23 =	simm.s32 $0x1B8B  }
0xa4: {  	_ =	swait.ge [sflag:s23], $0x1  }
0xa5: {  	[sflag:s23] =	ssyncset.done $0x0  }
0xa6: {  	s25 =	simm.s32 $0x1B8E;
	s24 =	sld [smem:$0x3FFE];
	[sflag:s23] =	ssyncadd.s32 $0xFFFFFFFF  }
0xa7: {  	s26 =	simm.s32 $execute0_lowered;
	[smem:$0x3FD2] =	sst s25  }
0xa8: {  	s7 =	sshll.u32 s26, $0x1;
	_ =	strace $0x80000046;
	[dreg:$0x1] =	wrdreg $0xFFFFFFFF  }
0xa9: {  	s28 =	simm.s32 $_size_execute0_lowered;
	s5 =	sadd.s32 s5, s7;
	[dreg:$0x0] =	wrdreg $0x0  }
0xaa: {  	s7 =	sshll.u32 s28, $0x1;
	[dreg:$0x2] =	wrdreg s5  }
0xab: {  	[dreg:$0x3] =	wrdreg s7  }
0xac: {  	[dreg:$0x4] =	wrdreg $0xC0  }
0xad: {  	_ =	task [dreg:s9], $0x5FFFF  }
0xae: {  	[dreg:$0x1] =	wrdreg $0xFFFFFFFF  }
0xaf: {  	[dreg:$0x0] =	wrdreg $0x60  }
0xb0: {  	[dreg:$0x2] =	wrdreg s2  }
0xb1: {  	[dreg:$0x3] =	wrdreg s18  }
0xb2: {  	[dreg:$0x4] =	wrdreg s4  }
0xb3: {  	[dreg:$0x5] =	wrdreg s24  }
0xb4: {  	[dreg:$0x6] =	wrdreg $0x9  }
0xb5: {  	_ =	task.clear_ibuf [dreg:s9], $0x7FFFF;
	_ =	strace $0x90000046  }
0xb6: {  	s29 =	simm.s32 $0x9;
	_ =	strace $0x80000048  }
0xb7: {  	_ =	swait.ge [sflag:s29], $0x1  }
0xb8: {  	[sflag:s29] =	ssyncadd.s32 $0xFFFFFFFF  }
0xb9: {  	_ =	strace $0x90000048  }
0xba: {  	_ =	sfence  }
0xbb: {  	s30 =	sld [smem:$0x0];
	_ =	sdelay $0x2  }
0xbc: {  	s31 =	sshll.u32 s1, $0xD;
	s1 =	sshrl.u32 s1, $0x2  }
0xbd: {  	s3 =	sand.u32 $0x4000, s31;
	s1 =	sadd.s32 s1, s30  }
0xbe: {  	s0 =	sor.u32 s3, s0;
	s1 =	sshll.u32 s1, $0x11  }
0xbf: {  	s0 =	sor.u32 s1, s0  }
0xc0: {  	s0 =	sadd.s32 $0x8F2B, s0  }
0xc1: {  	[sflag:s0] =	ssyncadd.remote.s32 $0x1  }
0xc2: {  	_ =	sfence.sel $0xFFFF  }
0xc3: {  	[dreg:$0x0] =	wrdreg $0xFFFFFFFF;
	(pc) =	sbr.abs _section_cstart, $3  }
0xc4: {  	[dreg:$0x1] =	wrdreg $0xFFFFFFFF  }
0xc5: {  	_ =	task.clear_ibuf [dreg:s9], $0x2FFFF;
	_ =	strace $0x9FFFFFFF  }
0xc6: {  	(tm) =	ssettm $0x7FFFFFFF  }
0xc7: {  	_ =	shalt  }
tec
execute0_lowered:
.L_overlay_start_1:
0x0: {  	(tag) =	ssettag $0x1  }
0x1: {  	s0 =	srdreg.scid  }
0x2: {  	s3 =	stileid.u32;
	s1 =	rddreg [dreg:$0x0];
	s11 =	simm.s32 $0x1  }
0x3: {  	s13 =	simm.s32 $0x1;
	s12 =	simm.s32 $0x1;
	s14 =	simm.s32 $0x1  }
0x4: {  	s15 =	simm.s32 $0x1;
	s16 =	simm.s32 $0x1;
	s17 =	simm.s32 $0x1  }
0x5: {  	s19 =	simm.s32 $0x1;
	s18 =	simm.s32 $0x1;
	s20 =	simm.s32 $0x1  }
0x6: {  	s21 =	simm.s32 $0x1;
	s22 =	simm.s32 $0x1;
	s23 =	simm.s32 $0x1  }
0x7: {  	s25 =	simm.s32 $0x1;
	s24 =	simm.s32 $0x1;
	s26 =	simm.s32 $0x1  }
0x8: {  	s28 =	simm.s32 $0x1;
	s29 =	simm.s32 $0x1;
	s30 =	simm.s32 $0x1  }
0x9: {  	s9 =	simm.s32 $0x1;
	s8 =	simm.s32 $0x1;
	s10 =	rddreg [dreg:$0x2]  }
0xa: {  	s2 =	sand.u32 $0x1, s0;
	s4 =	sshll.u32 s3, $0x1;
	s0 =	simm.s32 $0x0  }
0xb: {  	s6 =	sor.u32 s2, s4;
	s2 =	ssub.s32 $0x2, s2;
	[smem:$0x7FF] =	sst s0  }
0xc: {  	s7 =	simm.s32 $0x1;
	s4 =	rddreg [dreg:$0x3];
	s31 =	sshrl.u32 s2, $0x1  }
0xd: {  	s5 =	smul.u32 $0x1800, s6;
	p0 =	sgt.u32 s6, $0x2;
	p1 =	sgt.u32 s6, $0x4  }
0xe: {  	p2 =	sgt.u32 s6, $0x1A;
	s2 =	ssub.s32 s2, s31;
	s31 =	simm.s32 $0x1  }
0xf: {  	[dreg:$0x10] =	wrdreg s2;
	s2 =	simm.s32 $0x1;
	s1 =	sadd.s32 s1, s5  }
0x10: {  	s31 =	simm.s32 @!p2 $0x0;
	p2 =	seq.s32 s3, $0xF;
	[dreg:$0x5] =	wrdreg s1  }
0x11: {  	s2 =	simm.s32 @!p0 $0x0;
	p0 =	sgt.u32 s3, $0x1;
	s1 =	simm.s32 $0x1  }
0x12: {  	s5 =	sxor.u32 $0x1, s6;
	[dreg:$0x11] =	wrdreg s2;
	s1 =	simm.s32 @!p0 $0x0  }
0x13: {  	s2 =	simm.s32 $0x1;
	p0 =	sgt.u32 s3, $0x2;
	[dreg:$0x12] =	wrdreg s1  }
0x14: {  	s2 =	simm.s32 @!p1 $0x0;
	s1 =	simm.s32 $0x1;
	p1 =	sgt.u32 s6, $0x6  }
0x15: {  	[dreg:$0x13] =	wrdreg s2;
	s1 =	simm.s32 @!p0 $0x0;
	s11 =	simm.s32 @!p1 $0x0  }
0x16: {  	p0 =	sgt.u32 s3, $0x3;
	p1 =	sgt.u32 s6, $0x8;
	s2 =	simm.s32 $0x1  }
0x17: {  	[dreg:$0x14] =	wrdreg s1;
	s13 =	simm.s32 @!p0 $0x0;
	s12 =	simm.s32 @!p1 $0x0  }
0x18: {  	p0 =	sgt.u32 s3, $0x4;
	p1 =	sgt.u32 s6, $0xA;
	s1 =	rddreg [dreg:$0x1];
	v0 =	vmov s11  }
0x19: {  	v59 =	vmov s31;
	s11 =	sadd.s32 $0x2200, s4;
	s14 =	simm.s32 @!p0 $0x0;
	_ =	strace $0x80000047;
	[tilespmem:$0x1FE20] =	vst v0  }
0x1a: {  	s15 =	simm.s32 @!p1 $0x0;
	p0 =	sgt.u32 s3, $0x5;
	p1 =	sgt.u32 s6, $0xC;
	v40 =	vmov s13;
	[tilespmem:$0x1FF60] =	vst v59  }
0x1b: {  	[dreg:$0xb] =	wrdreg s11;
	s13 =	sadd.s32 $0x1A00, s4;
	v41 =	vmov s12;
	s16 =	simm.s32 @!p0 $0x0;
	[tilespmem:$0x1FE30] =	vst v40  }
0x1c: {  	s17 =	simm.s32 @!p1 $0x0;
	p0 =	sgt.u32 s3, $0x6;
	p1 =	sgt.u32 s6, $0xE;
	[tilespmem:$0x1FE40] =	vst v41;
	v42 =	vmov s14  }
0x1d: {  	v43 =	vmov s15;
	s19 =	simm.s32 @!p0 $0x0;
	s18 =	simm.s32 @!p1 $0x0;
	p0 =	sgt.u32 s3, $0x7;
	[tilespmem:$0x1FE50] =	vst v42  }
0x1e: {  	p1 =	sgt.u32 s6, $0x10;
	[tilespmem:$0x1FE60] =	vst v43;
	v44 =	vmov s16;
	s20 =	simm.s32 @!p0 $0x0;
	p0 =	sgt.u32 s3, $0x8  }
0x1f: {  	v45 =	vmov s17;
	s21 =	simm.s32 @!p1 $0x0;
	p1 =	sgt.u32 s6, $0x12;
	[tilespmem:$0x1FE70] =	vst v44;
	s22 =	simm.s32 @!p0 $0x0  }
0x20: {  	[tilespmem:$0x1FE80] =	vst v45;
	v46 =	vmov s19;
	s23 =	simm.s32 @!p1 $0x0;
	p0 =	sgt.u32 s3, $0x9;
	p1 =	sgt.u32 s6, $0x14  }
0x21: {  	v47 =	vmov s18;
	[tilespmem:$0x1FE90] =	vst v46;
	s25 =	simm.s32 @!p0 $0x0;
	s24 =	simm.s32 @!p1 $0x0;
	p0 =	sgt.u32 s3, $0xA  }
0x22: {  	[tilespmem:$0x1FEA0] =	vst v47;
	v48 =	vmov s20;
	p1 =	sgt.u32 s6, $0x16;
	s26 =	simm.s32 @!p0 $0x0;
	p0 =	sgt.u32 s3, $0xB  }
0x23: {  	v49 =	vmov s21;
	[tilespmem:$0x1FEB0] =	vst v48;
	s28 =	simm.s32 @!p1 $0x0;
	p1 =	sgt.u32 s6, $0x18;
	s29 =	simm.s32 @!p0 $0x0  }
0x24: {  	[tilespmem:$0x1FEC0] =	vst v49;
	v50 =	vmov s22;
	s30 =	simm.s32 @!p1 $0x0;
	p1 =	sgt.u32 s3, $0xC;
	p0 =	sne.s32 s3, $0x0  }
0x25: {  	v51 =	vmov s23;
	[tilespmem:$0x1FED0] =	vst v50;
	s9 =	simm.s32 @!p1 $0x0;
	p1 =	sgt.u32 s3, $0xD;
	s3 =	sshll.u32 s5, $0x3  }
0x26: {  	[dreg:$0xc] =	wrdreg s13;
	[tilespmem:$0x1FEE0] =	vst v51;
	v52 =	vmov s25;
	s2 =	simm.s32 @!p0 $0x0;
	s1 =	sadd.s32 s1, s3  }
0x27: {  	v53 =	vmov s24;
	[tilespmem:$0x1FEF0] =	vst v52;
	s8 =	simm.s32 @!p1 $0x0;
	p1 =	sgt.u32 s6, $0x1C;
	[dreg:$0x6] =	wrdreg s1  }
0x28: {  	[tilespmem:$0x1FF00] =	vst v53;
	v54 =	vmov s26;
	s7 =	simm.s32 @!p1 $0x0;
	p1 =	sne.s32 s6, $0x0;
	s1 =	simm.s32 $0x1  }
0x29: {  	v55 =	vmov s28;
	[tilespmem:$0x1FF10] =	vst v54;
	s3 =	sshll.u32 s6, $0x3;
	v27 =	vmov s2;
	s2 =	rddreg [dreg:$0x1];
	s1 =	simm.s32 @!p1 $0x0  }
0x2a: {  	s21 =	rddreg [dreg:$0x10];
	[tilespmem:$0x1FF20] =	vst v55;
	v56 =	vmov s29;
	v26 =	vmov s1;
	s1 =	sadd.s32 s2, s3  }
0x2b: {  	v57 =	vmov s30;
	[tilespmem:$0x1FF30] =	vst v56;
	[dreg:$0x7] =	wrdreg s1;
	s1 =	sadd.s32 s3, s4;
	s3 =	sadd.s32 $0x1C00, s4  }
0x2c: {  	[tilespmem:$0x1FF40] =	vst v57;
	v58 =	vmov s9;
	[dreg:$0x8] =	wrdreg s3  }
0x2d: {  	s15 =	sshll.u32 s6, $0x4;
	s16 =	sadd.s32 $0x100, s10;
	[tilespmem:$0x1FF50] =	vst v58;
	s3 =	rddreg [dreg:$0x11]  }
0x2e: {  	s17 =	sadd.s32 $0x200, s10;
	s19 =	simm.s32 $0x3;
	v60 =	vmov s8;
	[tilespmem:$0x1FFC0] =	vst v27;
	v28 =	vmov s3;
	s3 =	rddreg [dreg:$0x12]  }
0x2f: {  	s14 =	smax.u32 s21, $0x1;
	[tilespmem:$0x1FF70] =	vst v60;
	v61 =	vmov s7;
	s2 =	simm.s32 $0x1;
	v29 =	vmov s3;
	s3 =	rddreg [dreg:$0x13]  }
0x30: {  	s21 =	simm.s32 $0xC180;
	[tilespmem:$0x1FF80] =	vst v61;
	s2 =	simm.s32 @!p2 $0x0;
	v30 =	vmov s3;
	s3 =	sadd.s32 $0x1E00, s4  }
0x31: {  	s5 =	sshll.u32 s5, $0x4;
	[tilespmem:$0x1FFB0] =	vst v26;
	v62 =	vmov s2;
	[dreg:$0x9] =	wrdreg s3;
	s3 =	sadd.s32 $0x2000, s4  }
.Ltmp0:
0x32: {  	[tilespmem:$0x1FF90] =	vst v62;
	s4 =	sadd.s32 s13, s15;
	[dreg:$0xa] =	wrdreg s3;
	(pc) =	sbr.rel .LBB2_1-.Ltmp0, $4  }
0x33: {  	p2 =	seq.s32 s6, $0x1F;
	[tilespmem:$0x1FFD0] =	vst v28;
	[dreg:$0xd] =	wrdreg s4;
	s4 =	simm.s32 $0x1  }
0x34: {  	s1 =	sadd.s32 $0x2400, s1;
	[tilespmem:$0x1FFE0] =	vst v29;
	s3 =	rddreg [dreg:$0x14];
	s4 =	simm.s32 @!p2 $0x0  }
0x35: {  	s2 =	simm.s32 $0x2;
	[dreg:$0xf] =	wrdreg s1;
	[tilespmem:$0x1FFF0] =	vst v30;
	v32 =	vmov s3;
	s3 =	sadd.s32 s13, s5;
	v63 =	vmov s4  }
0x36: {  	v31 =	vimm.s32 $0x0;
	s15 =	simm.s32 $0x180;
	[dreg:$0xe] =	wrdreg s3;
	s3 =	simm.s32 $0x180;
	[tilespmem:$0x1FFA0] =	vst v63  }
.LBB2_3:
0x37: {  	v38 =	vld [tilespmem:$0x1FE20];
	_ =	sdelay $0x2  }
0x38: {  	v1 =	vmul.u32 v26, v1;
	v2 =	vmul.u32 v27, v2;
	_ =	sdelay $0x1  }
0x39: {  	v1 =	vadd.s32 v1, v2;
	v2 =	vmul.u32 v38, v39;
	v39 =	vld [tilespmem:$0x1FE30];
	_ =	sdelay $0x1  }
0x3a: {  	v3 =	vmul.u32 v28, v3  }
0x3b: {  	v0 =	vmul.u32 v29, v0  }
0x3c: {  	v1 =	vadd.s32 v3, v1  }
0x3d: {  	v0 =	vadd.s32 v0, v1;
	v1 =	vmul.u32 v39, v40;
	v40 =	vld [tilespmem:$0x1FE40]  }
0x3e: {  	v23 =	vmul.u32 v30, v33  }
0x3f: {  	v33 =	vmul.u32 v32, v17  }
0x40: {  	v0 =	vadd.s32 v23, v0  }
0x41: {  	v0 =	vadd.s32 v33, v0  }
0x42: {  	v0 =	vadd.s32 v2, v0;
	v2 =	vmul.u32 v40, v41;
	v41 =	vld [tilespmem:$0x1FE50];
	_ =	sdelay $0x4  }
0x43: {  	v0 =	vadd.s32 v1, v0;
	v1 =	vmul.u32 v41, v42;
	v42 =	vld [tilespmem:$0x1FE60];
	_ =	sdelay $0x4  }
0x44: {  	v0 =	vadd.s32 v2, v0;
	v2 =	vmul.u32 v42, v43;
	v43 =	vld [tilespmem:$0x1FE70];
	_ =	sdelay $0x4  }
0x45: {  	v0 =	vadd.s32 v1, v0;
	v1 =	vmul.u32 v43, v44;
	v44 =	vld [tilespmem:$0x1FE80];
	_ =	sdelay $0x4  }
0x46: {  	v0 =	vadd.s32 v2, v0;
	v2 =	vmul.u32 v44, v45;
	v45 =	vld [tilespmem:$0x1FE90];
	_ =	sdelay $0x4  }
0x47: {  	v0 =	vadd.s32 v1, v0;
	v1 =	vmul.u32 v45, v46;
	v46 =	vld [tilespmem:$0x1FEA0];
	_ =	sdelay $0x4  }
0x48: {  	v0 =	vadd.s32 v2, v0;
	v2 =	vmul.u32 v46, v47;
	v47 =	vld [tilespmem:$0x1FEB0];
	_ =	sdelay $0x4  }
0x49: {  	v0 =	vadd.s32 v1, v0;
	v1 =	vmul.u32 v47, v48;
	v48 =	vld [tilespmem:$0x1FEC0];
	_ =	sdelay $0x4  }
0x4a: {  	v0 =	vadd.s32 v2, v0;
	v2 =	vmul.u32 v48, v49;
	v49 =	vld [tilespmem:$0x1FED0];
	_ =	sdelay $0x4  }
0x4b: {  	v0 =	vadd.s32 v1, v0;
	v1 =	vmul.u32 v49, v50;
	v50 =	vld [tilespmem:$0x1FEE0];
	_ =	sdelay $0x4  }
0x4c: {  	v0 =	vadd.s32 v2, v0;
	v2 =	vmul.u32 v50, v51;
	v51 =	vld [tilespmem:$0x1FEF0];
	_ =	sdelay $0x4  }
0x4d: {  	v0 =	vadd.s32 v1, v0;
	v1 =	vmul.u32 v51, v52;
	v52 =	vld [tilespmem:$0x1FF00];
	_ =	sdelay $0x4  }
0x4e: {  	v0 =	vadd.s32 v2, v0;
	v2 =	vmul.u32 v52, v53;
	v53 =	vld [tilespmem:$0x1FF10];
	_ =	sdelay $0x4  }
0x4f: {  	v0 =	vadd.s32 v1, v0;
	v1 =	vmul.u32 v53, v54;
	v54 =	vld [tilespmem:$0x1FF20];
	_ =	sdelay $0x4  }
0x50: {  	v0 =	vadd.s32 v2, v0;
	v2 =	vmul.u32 v54, v55;
	v55 =	vld [tilespmem:$0x1FF30];
	_ =	sdelay $0x2  }
0x51: {  	vm0 =	vmmov $0x1  }
0x52: {  	vm6 =	vcmask $0x308;
	vm7 =	vcmask $0x70C;
	vm8 =	vcmask $0xB10  }
0x53: {  	vm9 =	vcmask $0xF14;
	v0 =	vadd.s32 v1, v0;
	v1 =	vmul.u32 v55, v56;
	v56 =	vld [tilespmem:$0x1FF40]  }
0x54: {  	v5 =	vld [tilespmem:$0x1FF50];
	vm10 =	vcmask $0x1318;
	vm11 =	vcmask $0x171C;
	vm12 =	vcmask $0x1B20  }
0x55: {  	v6 =	vld [tilespmem:$0x1FF60];
	vm13 =	veq.s32 v37, $0x2;
	vm1 =	veq.s32 v37, $0x3;
	vm15 =	veq.s32 v37, $0x4  }
0x56: {  	v7 =	vld [tilespmem:$0x1FF70];
	vm4 =	veq.s32 v37, $0x5;
	vm3 =	veq.s32 v37, $0x6;
	vm2 =	veq.s32 v36, $0x0  }
0x57: {  	v8 =	vld [tilespmem:$0x1FF80];
	vm14 =	veq.s32 v36, $0x2;
	vm5 =	veq.s32 v36, $0x7;
	v21 =	vsel vm13, $0x1, v31  }
0x58: {  	v9 =	vld [tilespmem:$0x1FF90];
	v22 =	vsel vm1, $0x1, v31;
	v0 =	vadd.s32 v2, v0;
	v2 =	vmul.u32 v56, v57  }
0x59: {  	v10 =	vld [tilespmem:$0x1FFA0];
	v38 =	vsel vm15, $0x1, v31;
	v0 =	vadd.s32 v1, v0;
	v1 =	vmul.u32 v5, v58  }
0x5a: {  	v43 =	vsel vm4, $0x1, v31;
	v0 =	vadd.s32 v2, v0;
	v2 =	vmul.u32 v6, v59  }
0x5b: {  	v44 =	vsel vm3, $0x1, v31;
	v0 =	vadd.s32 v1, v0;
	v1 =	vmul.u32 v7, v60  }
0x5c: {  	v46 =	vsel vm2, $0x1, v31;
	v0 =	vadd.s32 v2, v0;
	v2 =	vmul.u32 v8, v61  }
0x5d: {  	v48 =	vsel vm14, $0x1, v31;
	v0 =	vadd.s32 v1, v0;
	v1 =	vmul.u32 v9, v62  }
0x5e: {  	v53 =	vimm.s32 $0x0;
	v0 =	vadd.s32 v2, v0;
	v2 =	vmul.u32 v10, v63  }
0x5f: {  	v54 =	vsel vm5, $0x1, v31;
	v55 =	vimm.s32 $0x0;
	v0 =	vadd.s32 v1, v0  }
0x60: {  	v57 =	vimm.s32 $0x0;
	v60 =	vimm.s32 $0x0;
	v0 =	vadd.s32 v2, v0  }
0x61: {  	v0 =	vadd.s32 v4, v0;
	v4 =	vsel vm5, $0xFFFFFFFF, v53;
	vm5 =	veq.s32 v35, $0x0  }
0x62: {  	v11 =	vnsel vm0, $0x0, v0;
	v12 =	vsel vm6, $0x0, v0;
	v13 =	vsel vm7, $0x0, v0  }
0x63: {  	v14 =	vsel vm8, $0x0, v0;
	v15 =	vsel vm9, $0x0, v0;
	v16 =	vsel vm10, $0x0, v0  }
0x64: {  	v17 =	vsel vm11, $0x0, v0;
	v0 =	vsel vm12, $0x0, v0;
	vm6 =	veq.s32 v37, $0x0  }
0x65: {  	vm0 =	veq.s32 v37, $0x1;
	vm8 =	veq.s32 v37, $0x7;
	vm7 =	veq.s32 v36, $0x1  }
0x66: {  	vm11 =	veq.s32 v36, $0x3;
	vm12 =	veq.s32 v36, $0x4;
	vm10 =	veq.s32 v36, $0x5;
	(xrf0) =	vadd.scan.msk.s32 $0xffff, v11  }
0x67: {  	vm9 =	veq.s32 v36, $0x6;
	[tilespmem:$0x1FDA0] =	vst v4;
	v4 =	vsel vm5, $0xFFFFFFFF, v55;
	(xrf0) =	vadd.scan.msk.s32 $0xffff, v12  }
0x68: {  	v56 =	vsel vm5, $0x1, v31;
	vm5 =	veq.s32 v35, $0x1;
	v19 =	vsel vm6, $0x1, v31;
	(xrf0) =	vadd.scan.msk.s32 $0xffff, v13  }
0x69: {  	v20 =	vsel vm0, $0x1, v31;
	v45 =	vsel vm8, $0x1, v31;
	v47 =	vsel vm7, $0x1, v31;
	(xrf0) =	vadd.scan.msk.s32 $0xffff, v14  }
0x6a: {  	v49 =	vsel vm11, $0x1, v31;
	v50 =	vsel vm12, $0x1, v31;
	[tilespmem:$0x1FD80] =	vst v4;
	(xrf0) =	vadd.scan.msk.s32 $0xffff, v15  }
0x6b: {  	v4 =	vsel vm5, $0xFFFFFFFF, v57;
	v58 =	vsel vm5, $0x1, v31;
	vm5 =	veq.s32 v35, $0x2;
	(xrf0) =	vadd.scan.msk.s32 $0xffff, v16  }
0x6c: {  	v51 =	vsel vm10, $0x1, v31;
	v52 =	vsel vm9, $0x1, v31;
	v61 =	vsel vm5, $0x1, v31;
	v18, _, _ =	vpop (xrf0);
	(xrf0) =	vadd.scan.msk.s32 $0xffff, v17  }
0x6d: {  	(v2sf) =	vpush v18, $0xF;
	v3, _, _ =	vpop (xrf0);
	(xrf0) =	vadd.scan.msk.s32 $0xffff, v0;
	v0 =	vsel vm5, $0xFFFFFFFF, v60;
	v2 =	vadd.s32 $0xFFFFFFFF, v18  }
0x6e: {  	vm5 =	veq.s32 v35, $0x3;
	(v2sf) =	vpush v3, $0xF;
	v5, _, _ =	vpop (xrf0);
	(xrf0) =	vadd.scan.msk.s32 $0xffff, v19;
	v3 =	vadd.s32 $0xFFFFFFFF, v3  }
0x6f: {  	v16 =	vbroadcast v2, $0xF;
	(v2sf) =	vpush v5, $0xF;
	v6, _, _ =	vpop (xrf0);
	(xrf0) =	vadd.scan.msk.s32 $0xffff, v20;
	v3 =	vbroadcast v3, $0xF  }
0x70: {  	v5 =	vadd.s32 $0xFFFFFFFF, v5;
	v20 =	vsel vm5, $0x1, v31;
	(v2sf) =	vpush v6, $0xF;
	v7, _, _ =	vpop (xrf0);
	(xrf0) =	vadd.scan.msk.s32 $0xffff, v21  }
0x71: {  	v5 =	vbroadcast v5, $0xF;
	v6 =	vadd.s32 $0xFFFFFFFF, v6;
	(v2sf) =	vpush v7, $0xF;
	v23, _, _ =	vpop (xrf0);
	(xrf0) =	vadd.scan.msk.s32 $0xffff, v22  }
0x72: {  	v6 =	vbroadcast v6, $0xF;
	v7 =	vadd.s32 $0xFFFFFFFF, v7;
	(v2sf) =	vpush v23, $0xF;
	v40, _, _ =	vpop (xrf0);
	(xrf0) =	vadd.scan.msk.s32 $0xffff, v38  }
0x73: {  	v22 =	vimm.s32 $0x0;
	v7 =	vbroadcast v7, $0xF;
	(v2sf) =	vpush v40, $0xF;
	v1, _, _ =	vpop (xrf0);
	(xrf0) =	vadd.scan.msk.s32 $0xffff, v43  }
0x74: {  	v23 =	vadd.s32 $0xFFFFFFFF, v23;
	v42 =	vadd.s32 $0xFFFFFFFF, v40;
	(v2sf) =	vpush v1, $0xF;
	v8, _, _ =	vpop (xrf0);
	(xrf0) =	vadd.scan.msk.s32 $0xffff, v44  }
0x75: {  	v1 =	vadd.s32 $0xFFFFFFFF, v1;
	(v2sf) =	vpush v8, $0xF;
	v9, _, _ =	vpop (xrf0);
	(xrf0) =	vadd.scan.msk.s32 $0xffff, v45;
	v8 =	vadd.s32 v8, v16  }
0x76: {  	v45 =	vbroadcast v42, $0xF;
	(v2sf) =	vpush v9, $0xF;
	v10, _, _ =	vpop (xrf0);
	(xrf0) =	vadd.scan.msk.s32 $0xffff, v46;
	v9 =	vadd.s32 v9, v3  }
0x77: {  	v8 =	vnsel vm6, $0x0, v8;
	vm6 =	veq.s32 v35, $0x4;
	(v2sf) =	vpush v10, $0xF;
	v11, _, _ =	vpop (xrf0);
	(xrf0) =	vadd.scan.msk.s32 $0xffff, v47  }
0x78: {  	v9 =	vnsel vm0, $0x0, v9;
	v5 =	vadd.s32 v10, v5;
	(v2sf) =	vpush v11, $0xF;
	v12, _, _ =	vpop (xrf0);
	(xrf0) =	vadd.scan.msk.s32 $0xffff, v48  }
0x79: {  	v21 =	vsel vm6, $0x1, v31;
	v6 =	vadd.s32 v11, v6;
	(v2sf) =	vpush v12, $0xF;
	v13, _, _ =	vpop (xrf0);
	(xrf0) =	vadd.scan.msk.s32 $0xffff, v49  }
0x7a: {  	v5 =	vnsel vm13, $0x0, v5;
	vm13 =	veq.s32 v35, $0x5;
	(v2sf) =	vpush v13, $0xF;
	v14, _, _ =	vpop (xrf0);
	(xrf0) =	vadd.scan.msk.s32 $0xffff, v50  }
0x7b: {  	v8 =	vadd.s32 v9, v8;
	v6 =	vnsel vm1, $0x0, v6;
	(v2sf) =	vpush v14, $0xF;
	v37, _, _ =	vpop (xrf0);
	(xrf0) =	vadd.scan.msk.s32 $0xffff, v51  }
0x7c: {  	v10 =	vsel vm13, $0xFFFFFFFF, v22;
	v7 =	vadd.s32 v12, v7;
	s30 =	spop (v2sf);
	(v2sf) =	vpush v37, $0xF;
	v15, _, _ =	vpop (xrf0);
	(xrf0) =	vadd.scan.msk.s32 $0xffff, v52  }
0x7d: {  	v41 =	vsel vm13, $0x1, v31;
	vm13 =	veq.s32 v35, $0x6;
	s24 =	spop (v2sf);
	(v2sf) =	vpush v15, $0xF;
	v44, _, _ =	vpop (xrf0);
	(xrf0) =	vadd.scan.msk.s32 $0xffff, v54  }
0x7e: {  	v5 =	vadd.s32 v5, v8;
	[tilespmem:$0x1FDC0] =	vst v10;
	v7 =	vnsel vm15, $0x0, v7;
	s25 =	spop (v2sf);
	v39, _, _ =	vpop (xrf0);
	(xrf0) =	vadd.scan.msk.s32 $0xffff, v56  }
0x7f: {  	v10 =	vbroadcast v23, $0xF;
	v48 =	vsel vm13, $0x1, v31;
	(v2sf) =	vpush v44, $0xF;
	s23 =	spop (v2sf);
	v59, _, _ =	vpop (xrf0);
	(xrf0) =	vadd.scan.msk.s32 $0xffff, v58  }
0x80: {  	vm15 =	veq.s32 v35, $0x7;
	v5 =	vadd.s32 v6, v5;
	(v2sf) =	vpush v39, $0xF;
	v38, _, _ =	vpop (xrf0);
	s20 =	spop (v2sf)  }
0x81: {  	v11 =	vadd.s32 v14, v45;
	v49 =	vsel vm15, $0x1, v31;
	(v2sf) =	vpush v59, $0xF;
	(xrf0) =	vadd.scan.msk.s32 $0xffff, v61;
	s8 =	spop (v2sf);
	v62, _, _ =	vpop (xrf0)  }
0x82: {  	[tilespmem:$0x1FD90] =	vst v4;
	v5 =	vadd.s32 v7, v5;
	v10 =	vadd.s32 v13, v10;
	(v2sf) =	vpush v38, $0xF;
	v63, _, _ =	vpop (xrf0);
	s9 =	spop (v2sf)  }
0x83: {  	[tilespmem:$0x1FDB0] =	vst v0;
	v10 =	vnsel vm4, $0x0, v10;
	v56 =	vbroadcast v1, $0xF;
	(v2sf) =	vpush v62, $0xF;
	v0, _, _ =	vpop (xrf0);
	s7 =	spop (v2sf)  }
0x84: {  	v11 =	vnsel vm3, $0x0, v11;
	v5 =	vadd.s32 v10, v5;
	(v2sf) =	vpush v63, $0xF;
	s1 =	spop (v2sf);
	v2, _, _ =	vpop (xrf0);
	(xrf0) =	vadd.scan.msk.s32 $0xffff, v20  }
0x85: {  	v5 =	vadd.s32 v11, v5;
	v6 =	vadd.s32 v37, v56;
	(v2sf) =	vpush v0, $0xF;
	s18 =	spop (v2sf);
	v4, _, _ =	vpop (xrf0);
	(xrf0) =	vadd.scan.msk.s32 $0xffff, v21;
	s3 =	sadd.s32 s1, s30  }
0x86: {  	v6 =	vnsel vm8, $0x0, v6;
	(v2sf) =	vpush v2, $0xF;
	s5 =	spop (v2sf);
	v46 =	vmov s3  }
0x87: {  	v5 =	vadd.s32 v6, v5;
	(v2sf) =	vpush v4, $0xF;
	v3, _, _ =	vpop (xrf0);
	(xrf0) =	vadd.scan.msk.s32 $0xffff, v41;
	s18 =	sadd.s32 s18, s24;
	s31 =	spop (v2sf);
	v12 =	vadd.s32 $0xFFFFFFFF, v46;
	s5 =	sadd.s32 s5, s25  }
0x88: {  	v50 =	vmov s18;
	s28 =	spop (v2sf);
	v12 =	vbroadcast v12, $0x0;
	v51 =	vmov s5  }
0x89: {  	(v2sf) =	vpush v3, $0xF;
	v54 =	vadd.s32 $0xFFFFFFFF, v50;
	s29 =	spop (v2sf);
	v13 =	vadd.s32 $0xFFFFFFFF, v51  }
0x8a: {  	v50 =	vld [tilespmem:$0x1FDB0];
	v8 =	vbroadcast v54, $0x0;
	s28 =	sadd.s32 s28, s20;
	s26 =	spop (v2sf);
	v47, _, _ =	vpop (xrf0);
	v12 =	vadd.s32 v15, v12;
	v13 =	vbroadcast v13, $0x0  }
0x8b: {  	s8 =	sadd.s32 s29, s8;
	v60 =	vmov s28;
	s22 =	spop (v2sf);
	(v2sf) =	vpush v47, $0xF;
	v40, _, _ =	vpop (xrf0);
	v12 =	vnsel vm2, $0x0, v12  }
0x8c: {  	(xrf0) =	vadd.scan.msk.s32 $0xffff, v48;
	v8 =	vadd.s32 v44, v8;
	v61 =	vmov s8;
	s11 =	spop (v2sf);
	(v2sf) =	vpush v40, $0xF  }
0x8d: {  	v41, _, _ =	vpop (xrf0);
	v8 =	vnsel vm7, $0x0, v8;
	v58 =	vadd.s32 v39, v13;
	v13 =	vadd.s32 $0xFFFFFFFF, v60  }
0x8e: {  	(xrf0) =	vadd.scan.msk.s32 $0xffff, v49;
	v39 =	vld [tilespmem:$0x1FD80];
	s12 =	spop (v2sf);
	(v2sf) =	vpush v41, $0xF;
	v57 =	vadd.s32 v8, v12;
	v13 =	vbroadcast v13, $0x0  }
0x8f: {  	s3 =	sadd.s32 s11, s3;
	v8 =	vnsel vm14, $0x0, v58;
	vm14 =	veq.s32 v34, $0x2;
	vm7 =	vnez.u8 v50;
	s13 =	spop (v2sf)  }
0x90: {  	s12 =	sadd.s32 s12, s18;
	v52 =	vmov s3;
	v7 =	vadd.s32 v8, v57;
	v51 =	vsel vm14, $0x1, v31;
	s4 =	spop (v2sf);
	s5 =	sadd.s32 s13, s5  }
0x91: {  	v53 =	vmov s12;
	v13 =	vadd.s32 v38, v13;
	s1 =	spop (v2sf);
	v55 =	vmov s5  }
0x92: {  	v35, _, _ =	vpop (xrf0);
	v13 =	vnsel vm12, $0x0, v13;
	v33 =	vadd.s32 $0xFFFFFFFF, v53;
	vm12 =	veq.s32 v34, $0x1;
	s6 =	spop (v2sf)  }
0x93: {  	(v2sf) =	vpush v35, $0xF;
	s1 =	sadd.s32 s1, s28;
	vm8 =	vnez.u8 v39;
	v9 =	vadd.s32 $0xFFFFFFFF, v55;
	s30 =	spop (v2sf)  }
0x94: {  	v1, _, _ =	vpop (xrf0);
	v49 =	vsel vm12, $0x1, v31;
	v23 =	vmov s1;
	s13 =	sadd.s32 s6, s8;
	v9 =	vbroadcast v9, $0x0;
	s24 =	spop (v2sf)  }
0x95: {  	(v2sf) =	vpush v1, $0xF;
	v25 =	vmov s13;
	v48 =	vadd.s32 $0xFFFFFFFF, v23;
	s25 =	spop (v2sf)  }
0x96: {  	v3 =	vadd.s32 v3, v9;
	v9 =	vbroadcast v48, $0x0;
	v48 =	vlaneseq.u32;
	s3 =	sadd.s32 s25, s3;
	s25 =	spop (v2sf)  }
0x97: {  	v54 =	vadd.s32 $0xFFFFFFFF, v25;
	v3 =	vnsel vm7, $0x0, v3;
	v50 =	vshrl.u32 v48, $0x3;
	s11 =	sadd.s32 s25, s12  }
0x98: {  	v16 =	vmov s3;
	s18 =	spop (v2sf);
	s25 =	sadd.s32 s31, s23;
	s31 =	sadd.s32 s26, s9;
	v53 =	vadd.s32 v40, v9;
	v17 =	vmov s11  }
0x99: {  	s3 =	sadd.s32 s18, s5;
	v19 =	vmov s25;
	s4 =	sadd.s32 s4, s25;
	v21 =	vmov s31;
	v55 =	vadd.s32 $0xFFFFFFFF, v16  }
0x9a: {  	v18 =	vmov s3;
	v19 =	vadd.s32 $0xFFFFFFFF, v19;
	v20 =	vmov s4  }
0x9b: {  	s20 =	sadd.s32 s22, s7;
	v21 =	vadd.s32 $0xFFFFFFFF, v21;
	v6 =	vbroadcast v55, $0x0;
	v56 =	vadd.s32 $0xFFFFFFFF, v17  }
0x9c: {  	v43 =	vld [tilespmem:$0x1FD90];
	s3 =	sadd.s32 s24, s20;
	v19 =	vbroadcast v19, $0x0;
	v21 =	vbroadcast v21, $0x0;
	v44 =	vadd.s32 $0xFFFFFFFF, v20  }
0x9d: {  	v36 =	vmov s3;
	v58 =	vadd.s32 $0xFFFFFFFF, v18;
	v45 =	vbroadcast v44, $0x0  }
0x9e: {  	s11 =	spop (v2sf);
	v10 =	vbroadcast v58, $0x0;
	v44 =	vshrl.u32 v5, $0x3;
	v59 =	vadd.s32 v59, v19  }
0x9f: {  	s4 =	sadd.s32 s11, s4;
	v19 =	vadd.s32 $0xFFFFFFFF, v61;
	v21 =	vadd.s32 v63, v21;
	v63 =	vadd.s32 $0xFFFFFFFF, v52  }
0xa0: {  	s12 =	spop (v2sf);
	v19 =	vbroadcast v19, $0x0;
	v22 =	vmov s4;
	v12 =	vnsel vm11, $0x0, v59  }
0xa1: {  	s1 =	sadd.s32 s12, s1;
	v21 =	vnsel vm9, $0x0, v21;
	v11 =	vbroadcast v63, $0x0;
	vm9 =	vnez.u8 v43  }
0xa2: {  	v46 =	vld [tilespmem:$0x1FDA0];
	s22 =	sadd.s32 s30, s31;
	s18 =	spop (v2sf);
	vm11 =	veq.s32 v34, $0x0;
	v24 =	vmov s1;
	v7 =	vadd.s32 v12, v7  }
0xa3: {  	s1 =	sadd.s32 s18, s13;
	v12 =	vmov s22;
	v17 =	vadd.s32 $0xFFFFFFFF, v22;
	v19 =	vadd.s32 v62, v19  }
0xa4: {  	v8 =	vmov s1;
	v62 =	vmov s20;
	v7 =	vadd.s32 v13, v7  }
0xa5: {  	v13 =	vbroadcast v33, $0x0;
	v2 =	vadd.s32 v2, v11;
	v12 =	vadd.s32 $0xFFFFFFFF, v12  }
0xa6: {  	v20 =	vbroadcast v17, $0x0;
	v23 =	vadd.s32 $0xFFFFFFFF, v24;
	v19 =	vnsel vm10, $0x0, v19  }
0xa7: {  	v38 =	vadd.s32 $0xFFFFFFFF, v62;
	v2 =	vnsel vm8, $0x0, v2;
	vm10 =	vnez.u8 v46  }
0xa8: {  	vm8 =	veq.s32 v34, $0x3;
	v16 =	vbroadcast v12, $0x0;
	v8 =	vadd.s32 $0xFFFFFFFF, v8  }
0xa9: {  	v46 =	vand.u32 $0x7, v5;
	v7 =	vadd.s32 v19, v7;
	v4 =	vadd.s32 v4, v13  }
0xaa: {  	v59 =	vsel vm8, $0x1, v31;
	v8 =	vbroadcast v8, $0x0;
	v4 =	vnsel vm9, $0x0, v4  }
0xab: {  	s23 =	spop (v2sf);
	v2 =	vadd.s32 v4, v2;
	v4 =	vadd.s32 v47, v45;
	v47 =	vsel vm11, $0x1, v31  }
0xac: {  	s1 =	sadd.s32 s23, s22;
	s25 =	spop (v2sf);
	v37 =	vadd.s32 v21, v7;
	v7 =	vbroadcast v38, $0x0;
	vm9 =	veq.s32 v34, $0x4;
	(xrf0) =	vadd.scan.msk.s32 $0xffff, v47  }
0xad: {  	v9 =	vadd.s32 v35, v16;
	v21 =	vadd.s32 $0xFFFFFFFF, v36;
	v15 =	vmov s1;
	s1 =	sadd.s32 s25, s3;
	(xrf0) =	vadd.scan.msk.s32 $0xffff, v49  }
0xae: {  	v63 =	vsel vm9, $0x1, v31;
	v39 =	vnsel vm13, $0x0, v9;
	v19 =	vmov s1;
	(xrf0) =	vadd.scan.msk.s32 $0xffff, v51  }
0xaf: {  	v0 =	vadd.s32 v0, v7;
	v2 =	vadd.s32 v3, v2;
	v52 =	vnsel vm5, $0x0, v4  }
0xb0: {  	v3 =	vnsel vm6, $0x0, v53;
	v4 =	vbroadcast v54, $0x0;
	v7 =	vbroadcast v56, $0x0  }
0xb1: {  	v40 =	vadd.s32 $0xFFFFFFFF, v15;
	v53 =	vmul.u32 $0x8, v50;
	v0 =	vnsel vm10, $0x0, v0  }
0xb2: {  	v2 =	vadd.s32 v52, v2;
	vm10 =	veq.s32 v34, $0x5;
	v42 =	vbroadcast v40, $0x0;
	v57, _, _ =	vpop (xrf0);
	(xrf0) =	vadd.scan.msk.s32 $0xffff, v59  }
0xb3: {  	v45 =	vadd.s32 $0xFFFFFFFF, v19;
	v0 =	vadd.s32 v0, v37;
	v13 =	vsel vm10, $0x1, v31;
	v61, _, _ =	vpop (xrf0);
	(xrf0) =	vadd.scan.msk.s32 $0xffff, v63  }
0xb4: {  	v38 =	vld [tilespmem:$0x1FDC0];
	v2 =	vadd.s32 v3, v2;
	v60 =	vadd.s32 v41, v4;
	v6 =	vadd.s32 v57, v6;
	v62, _, _ =	vpop (xrf0);
	(xrf0) =	vadd.scan.msk.s32 $0xffff, v13  }
0xb5: {  	v4 =	vadd.s32 v61, v7;
	v6 =	vnsel vm11, $0x0, v6;
	vm11 =	veq.s32 v34, $0x6  }
0xb6: {  	v7 =	vadd.s32 v62, v10;
	v4 =	vnsel vm12, $0x0, v4;
	v10 =	vbroadcast v21, $0x0  }
0xb7: {  	v33 =	vsel vm11, $0x1, v31;
	vm12 =	veq.s32 v34, $0x7;
	v4 =	vadd.s32 v4, v6  }
0xb8: {  	v18 =	vnsel vm14, $0x0, v7;
	v7 =	vbroadcast v23, $0x0;
	v37 =	vsel vm12, $0x1, v31;
	v22, _, _ =	vpop (xrf0);
	(xrf0) =	vadd.scan.msk.s32 $0xffff, v33  }
0xb9: {  	vm14 =	vnez.u8 v38;
	v4 =	vadd.s32 v18, v4;
	v6 =	vadd.s32 v22, v20;
	v35, _, _ =	vpop (xrf0);
	(xrf0) =	vadd.scan.msk.s32 $0xffff, v37  }
0xba: {  	v1 =	vadd.s32 v1, v10;
	v6 =	vnsel vm8, $0x0, v6;
	v36, _, _ =	vpop (xrf0);
	v7 =	vadd.s32 v35, v7  }
0xbb: {  	v4 =	vadd.s32 v6, v4;
	v6 =	vadd.s32 v36, v8;
	v7 =	vnsel vm9, $0x0, v7  }
0xbc: {  	v3 =	vnsel vm14, $0x0, v60;
	v6 =	vnsel vm10, $0x0, v6;
	v41 =	vadd.s32 v7, v4  }
0xbd: {  	v2 =	vadd.s32 v3, v2;
	v3 =	vadd.s32 v6, v41;
	v6 =	vmul.u32 $0x30, v44  }
0xbe: {  	v49 =	vand.u32 $0x7, v48;
	v1 =	vnsel vm15, $0x0, v1;
	v7 =	vbroadcast v45, $0x0;
	v43, _, _ =	vpop (xrf0)  }
0xbf: {  	v2 =	vadd.s32 v39, v2;
	v4 =	vadd.s32 v43, v42;
	v47, _, _ =	vpop (xrf0);
	v6 =	vor.u32 v46, v6  }
0xc0: {  	[tilespmem:$0x100] =	vst v5;
	v4 =	vnsel vm11, $0x0, v4;
	v51 =	vadd.s32 v47, v7;
	v52 =	vperm.xlane v6, v49  }
0xc1: {  	[tilespmem:$0x110] =	vst v0;
	v54 =	vadd.s32 v1, v2;
	v55 =	vadd.s32 v4, v3;
	v56 =	vnsel vm12, $0x0, v51  }
0xc2: {  	[tilespmem:$0x120] =	vst v54;
	v57 =	vadd.s32 v56, v55;
	v58 =	vadd.s32 v53, v52  }
0xc3: {  	s26 =	simm.s32 $0x1;
	[tilespmem:$0x130] =	vst v57  }
0xc4: {  	_ =	swait.ge [sflag:s26], $0xC000  }
0xc5: {  	v59 =	vor.u32 $0x8, v48;
	[sflag:s26] =	ssyncset.done $0x0  }
0xc6: {  	vm15 =	vmmov $0xffff;
	v60 =	vperm.xlane v6, v59;
	[sflag:s26] =	ssyncadd.s32 $0xFFFF4000  }
0xc7: {  	[hbm4b:s10+s0] =	stream.indirect_vreg.scatter [tilespmem:s15], [sflag:$0x2], $0x80, v58, vm15, $0xb8;
	[tilespmem:$0xD200] =	vst v63  }
0xc8: {  	s28 =	simm.s32 $0x980;
	v2 =	vadd.s32 v53, v60  }
0xc9: {  	[hbm4b:s16+s0] =	stream.indirect_vreg.scatter [tilespmem:s28], [sflag:$0x2], $0x80, v58, vm15, $0xb8;
	[tilespmem:$0xD200] =	vst v63  }
0xca: {  	s29 =	simm.s32 $0x1180  }
0xcb: {  	[hbm4b:s17+s0] =	stream.indirect_vreg.scatter [tilespmem:s29], [sflag:$0x2], $0x80, v58, vm15, $0xb8;
	[tilespmem:$0xD200] =	vst v63  }
0xcc: {  	s30 =	simm.s32 $0x1980  }
0xcd: {  	[hbm4b:s10+s0] =	stream.indirect_vreg.scatter [tilespmem:s30], [sflag:$0x2], $0x80, v2, vm15, $0xb8;
	[tilespmem:$0xD200] =	vst v63  }
0xce: {  	s31 =	simm.s32 $0x2180  }
0xcf: {  	[hbm4b:s16+s0] =	stream.indirect_vreg.scatter [tilespmem:s31], [sflag:$0x2], $0x80, v2, vm15, $0xb8;
	[tilespmem:$0xD200] =	vst v63  }
0xd0: {  	s3 =	simm.s32 $0x2980  }
0xd1: {  	[hbm4b:s17+s0] =	stream.indirect_vreg.scatter [tilespmem:s3], [sflag:$0x2], $0x80, v2, vm15, $0xb8;
	[tilespmem:$0xD200] =	vst v63  }
0xd2: {  	v1 =	vld [tilespmem:$0x110];
	_ =	sdelay $0x4  }
0xd3: {  	v61 =	vshrl.u32 v1, $0x3  }
0xd4: {  	v2 =	vmul.u32 $0x30, v61  }
0xd5: {  	v1 =	vand.u32 $0x7, v1  }
0xd6: {  	v1 =	vor.u32 v1, v2  }
0xd7: {  	v2 =	vperm.xlane v1, v49;
	_ =	sdelay $0x1  }
0xd8: {  	v2 =	vadd.s32 v53, v2;
	_ =	sdelay $0x3  }
0xd9: {  	s4 =	simm.s32 $0x3180;
	v1 =	vperm.xlane v1, v59  }
0xda: {  	[hbm4b:s10+s0] =	stream.indirect_vreg.scatter [tilespmem:s4], [sflag:$0x2], $0x80, v2, vm15, $0xb8;
	[tilespmem:$0xD200] =	vst v63  }
0xdb: {  	s5 =	simm.s32 $0x3980;
	v1 =	vadd.s32 v53, v1  }
0xdc: {  	[hbm4b:s16+s0] =	stream.indirect_vreg.scatter [tilespmem:s5], [sflag:$0x2], $0x80, v2, vm15, $0xb8;
	[tilespmem:$0xD200] =	vst v63  }
0xdd: {  	s6 =	simm.s32 $0x4180  }
0xde: {  	[hbm4b:s17+s0] =	stream.indirect_vreg.scatter [tilespmem:s6], [sflag:$0x2], $0x80, v2, vm15, $0xb8;
	[tilespmem:$0xD200] =	vst v63  }
0xdf: {  	s7 =	simm.s32 $0x4980  }
0xe0: {  	[hbm4b:s10+s0] =	stream.indirect_vreg.scatter [tilespmem:s7], [sflag:$0x2], $0x80, v1, vm15, $0xb8;
	[tilespmem:$0xD200] =	vst v63  }
0xe1: {  	s8 =	simm.s32 $0x5180  }
0xe2: {  	[hbm4b:s16+s0] =	stream.indirect_vreg.scatter [tilespmem:s8], [sflag:$0x2], $0x80, v1, vm15, $0xb8;
	[tilespmem:$0xD200] =	vst v63  }
0xe3: {  	s9 =	simm.s32 $0x5980  }
0xe4: {  	[hbm4b:s17+s0] =	stream.indirect_vreg.scatter [tilespmem:s9], [sflag:$0x2], $0x80, v1, vm15, $0xb8;
	[tilespmem:$0xD200] =	vst v63  }
0xe5: {  	v1 =	vld [tilespmem:$0x120];
	_ =	sdelay $0x4  }
0xe6: {  	v62 =	vshrl.u32 v1, $0x3  }
0xe7: {  	v2 =	vmul.u32 $0x30, v62  }
0xe8: {  	v1 =	vand.u32 $0x7, v1  }
0xe9: {  	v1 =	vor.u32 v1, v2  }
0xea: {  	v2 =	vperm.xlane v1, v49;
	_ =	sdelay $0x1  }
0xeb: {  	v2 =	vadd.s32 v53, v2;
	_ =	sdelay $0x3  }
0xec: {  	s11 =	simm.s32 $0x6180;
	v1 =	vperm.xlane v1, v59  }
0xed: {  	[hbm4b:s10+s0] =	stream.indirect_vreg.scatter [tilespmem:s11], [sflag:$0x2], $0x80, v2, vm15, $0xb8;
	[tilespmem:$0xD200] =	vst v63  }
0xee: {  	s12 =	simm.s32 $0x6980;
	v1 =	vadd.s32 v53, v1  }
0xef: {  	[hbm4b:s16+s0] =	stream.indirect_vreg.scatter [tilespmem:s12], [sflag:$0x2], $0x80, v2, vm15, $0xb8;
	[tilespmem:$0xD200] =	vst v63  }
0xf0: {  	s13 =	simm.s32 $0x7180  }
0xf1: {  	[hbm4b:s17+s0] =	stream.indirect_vreg.scatter [tilespmem:s13], [sflag:$0x2], $0x80, v2, vm15, $0xb8;
	[tilespmem:$0xD200] =	vst v63  }
0xf2: {  	s18 =	simm.s32 $0x7980  }
0xf3: {  	[hbm4b:s10+s0] =	stream.indirect_vreg.scatter [tilespmem:s18], [sflag:$0x2], $0x80, v1, vm15, $0xb8;
	[tilespmem:$0xD200] =	vst v63  }
0xf4: {  	s20 =	simm.s32 $0x8180  }
0xf5: {  	[hbm4b:s16+s0] =	stream.indirect_vreg.scatter [tilespmem:s20], [sflag:$0x2], $0x80, v1, vm15, $0xb8;
	[tilespmem:$0xD200] =	vst v63  }
0xf6: {  	s22 =	simm.s32 $0x8980  }
0xf7: {  	[hbm4b:s17+s0] =	stream.indirect_vreg.scatter [tilespmem:s22], [sflag:$0x2], $0x80, v1, vm15, $0xb8;
	[tilespmem:$0xD200] =	vst v63  }
0xf8: {  	v1 =	vld [tilespmem:$0x130];
	_ =	sdelay $0x4  }
0xf9: {  	v63 =	vshrl.u32 v1, $0x3  }
0xfa: {  	v2 =	vmul.u32 $0x30, v63  }
0xfb: {  	v1 =	vand.u32 $0x7, v1  }
0xfc: {  	v1 =	vor.u32 v1, v2  }
0xfd: {  	v2 =	vperm.xlane v1, v49;
	_ =	sdelay $0x1  }
0xfe: {  	v2 =	vadd.s32 v53, v2;
	_ =	sdelay $0x3  }
0xff: {  	s23 =	simm.s32 $0x9180;
	v0 =	vperm.xlane v1, v59  }
0x100: {  	[hbm4b:s10+s0] =	stream.indirect_vreg.scatter [tilespmem:s23], [sflag:$0x2], $0x80, v2, vm15, $0xb8;
	[tilespmem:$0xD200] =	vst v63  }
0x101: {  	s24 =	simm.s32 $0x9980;
	v0 =	vadd.s32 v53, v0  }
0x102: {  	[hbm4b:s16+s0] =	stream.indirect_vreg.scatter [tilespmem:s24], [sflag:$0x2], $0x80, v2, vm15, $0xb8;
	[tilespmem:$0xD200] =	vst v63  }
0x103: {  	s25 =	simm.s32 $0xA180  }
0x104: {  	[hbm4b:s17+s0] =	stream.indirect_vreg.scatter [tilespmem:s25], [sflag:$0x2], $0x80, v2, vm15, $0xb8;
	[tilespmem:$0xD200] =	vst v63  }
0x105: {  	s26 =	simm.s32 $0xA980  }
0x106: {  	[hbm4b:s10+s0] =	stream.indirect_vreg.scatter [tilespmem:s26], [sflag:$0x2], $0x80, v0, vm15, $0xb8;
	[tilespmem:$0xD200] =	vst v63  }
0x107: {  	s28 =	simm.s32 $0xB180  }
0x108: {  	[hbm4b:s16+s0] =	stream.indirect_vreg.scatter [tilespmem:s28], [sflag:$0x2], $0x80, v0, vm15, $0xb8;
	[tilespmem:$0xD200] =	vst v63  }
0x109: {  	s29 =	simm.s32 $0xB980  }
0x10a: {  	[hbm4b:s17+s0] =	stream.indirect_vreg.scatter [tilespmem:s29], [sflag:$0x2], $0x80, v0, vm15, $0xb8;
	[tilespmem:$0xD200] =	vst v63  }
0x10b: {  	s14 =	sadd.s32 $0xFFFFFFFF, s14;
	_ =	swait.ge [sflag:s2], $0xC000  }
0x10c: {  	p2 =	sne.s32 s14, $0x0;
	s31 =	simm.s32 $0x100;
	[sflag:s2] =	ssyncset.done $0x0  }
.Ltmp1:
0x10d: {  	s30 =	rddreg [dreg:$0xf];
	[sflag:s2] =	ssyncadd.s32 $0xFFFF4000;
	(pc) =	sbr.rel @!p2 .LBB2_4-.Ltmp1, $4  }
0x10e: {  	[hbm4b:s30+s0] =	stream.linear.scatter [tilespmem:s31], [sflag:$0x3], $0x40, $0x38;
	[tilespmem:$0xD200] =	vst v63  }
0x10f: {  	_ =	swait.ge [sflag:s19], $0x40  }
0x110: {  	[sflag:s19] =	ssyncset.done $0x0  }
0x111: {  	s3 =	simm.s32 $0x180;
	[sflag:s19] =	ssyncadd.s32 $0xFFFFFFC0  }
.LBB2_1:
0x112: {  	s1 =	rddreg [dreg:$0x5]  }
0x113: {  	[tilespmem:s3], [sflag:$0x1] =	stream.linear.gather [hbm4b:s1+s0], $0xC000, $0x38;
	[tilespmem:$0xD200] =	vst v63  }
0x114: {  	s29 =	rddreg [dreg:$0x7]  }
0x115: {  	[tilespmem:s0], [sflag:$0x3] =	stream.linear.gather [hbm4b:s29+s0], $0x40, $0x38;
	[tilespmem:$0xD200] =	vst v63  }
0x116: {  	_ =	swait.ge [sflag:s19], $0x40  }
0x117: {  	[sflag:s19] =	ssyncset.done $0x0  }
0x118: {  	s31 =	simm.s32 $0x80;
	s30 =	rddreg [dreg:$0x6];
	[sflag:s19] =	ssyncadd.s32 $0xFFFFFFC0  }
0x119: {  	[tilespmem:s31], [sflag:$0x3] =	stream.linear.gather [hbm4b:s30+s0], $0x40, $0x38;
	[tilespmem:$0xD200] =	vst v63  }
0x11a: {  	_ =	swait.ge [sflag:s19], $0x40  }
0x11b: {  	[sflag:s19] =	ssyncset.done $0x0  }
0x11c: {  	[sflag:s19] =	ssyncadd.s32 $0xFFFFFFC0  }
0x11d: {  	v3 =	vld [tilespmem:$0x0]  }
0x11e: {  	v2 =	vld [tilespmem:$0x10]  }
0x11f: {  	v1 =	vld [tilespmem:$0x20]  }
0x120: {  	v0 =	vld [tilespmem:$0x30];
	_ =	sdelay $0x1  }
0x121: {  	vm0 =	veq.s32 v3, $0x0  }
0x122: {  	vm5 =	veq.s32 v2, $0x0;
	v4 =	vsel vm0, $0x1, v31  }
0x123: {  	vm6 =	veq.s32 v1, $0x0;
	(xrf0) =	vadd.scan.msk.s32 $0xffff, v4;
	v4 =	vsel vm5, $0x1, v31  }
0x124: {  	vm7 =	veq.s32 v0, $0x0;
	(xrf0) =	vadd.scan.msk.s32 $0xffff, v4;
	v4 =	vsel vm6, $0x1, v31  }
0x125: {  	vm8 =	veq.s32 v3, $0x1;
	(xrf0) =	vadd.scan.msk.s32 $0xffff, v4;
	v4 =	vsel vm7, $0x1, v31  }
0x126: {  	vm9 =	veq.s32 v2, $0x1;
	(xrf0) =	vadd.scan.msk.s32 $0xffff, v4;
	v4 =	vsel vm8, $0x1, v31  }
0x127: {  	vm10 =	veq.s32 v1, $0x1;
	(xrf0) =	vadd.scan.msk.s32 $0xffff, v4;
	v4 =	vsel vm9, $0x1, v31  }
0x128: {  	vm11 =	veq.s32 v0, $0x1;
	(xrf0) =	vadd.scan.msk.s32 $0xffff, v4;
	v4 =	vsel vm10, $0x1, v31  }
0x129: {  	vm12 =	veq.s32 v3, $0x2;
	v5, _, _ =	vpop (xrf0);
	(xrf0) =	vadd.scan.msk.s32 $0xffff, v4;
	v4 =	vsel vm11, $0x1, v31  }
0x12a: {  	vm13 =	veq.s32 v2, $0x2;
	(v2sf) =	vpush v5, $0xF;
	v5, _, _ =	vpop (xrf0);
	(xrf0) =	vadd.scan.msk.s32 $0xffff, v4;
	v4 =	vsel vm12, $0x1, v31  }
0x12b: {  	vm14 =	veq.s32 v1, $0x2;
	(v2sf) =	vpush v5, $0xF;
	v5, _, _ =	vpop (xrf0);
	(xrf0) =	vadd.scan.msk.s32 $0xffff, v4;
	v4 =	vsel vm13, $0x1, v31  }
0x12c: {  	vm15 =	veq.s32 v0, $0x2;
	(v2sf) =	vpush v5, $0xF;
	v5, _, _ =	vpop (xrf0);
	(xrf0) =	vadd.scan.msk.s32 $0xffff, v4;
	v4 =	vsel vm14, $0x1, v31  }
0x12d: {  	vm4 =	veq.s32 v3, $0x3;
	(v2sf) =	vpush v5, $0xF;
	v5, _, _ =	vpop (xrf0);
	(xrf0) =	vadd.scan.msk.s32 $0xffff, v4;
	v4 =	vsel vm15, $0x1, v31  }
0x12e: {  	vm5 =	veq.s32 v2, $0x3;
	(v2sf) =	vpush v5, $0xF;
	v5, _, _ =	vpop (xrf0);
	(xrf0) =	vadd.scan.msk.s32 $0xffff, v4;
	v4 =	vsel vm4, $0x1, v31  }
0x12f: {  	vm6 =	veq.s32 v1, $0x3;
	(v2sf) =	vpush v5, $0xF;
	v5, _, _ =	vpop (xrf0);
	(xrf0) =	vadd.scan.msk.s32 $0xffff, v4;
	v4 =	vsel vm5, $0x1, v31  }
0x130: {  	vm7 =	veq.s32 v0, $0x3;
	(v2sf) =	vpush v5, $0xF;
	v5, _, _ =	vpop (xrf0);
	(xrf0) =	vadd.scan.msk.s32 $0xffff, v4;
	v4 =	vsel vm6, $0x1, v31  }
0x131: {  	vm8 =	veq.s32 v3, $0x4;
	(v2sf) =	vpush v5, $0xF;
	v5, _, _ =	vpop (xrf0);
	(xrf0) =	vadd.scan.msk.s32 $0xffff, v4;
	v4 =	vsel vm7, $0x1, v31  }
0x132: {  	vm9 =	veq.s32 v2, $0x4;
	(v2sf) =	vpush v5, $0xF;
	v5, _, _ =	vpop (xrf0);
	(xrf0) =	vadd.scan.msk.s32 $0xffff, v4;
	v4 =	vsel vm8, $0x1, v31  }
0x133: {  	vm10 =	veq.s32 v1, $0x4;
	(v2sf) =	vpush v5, $0xF;
	v5, _, _ =	vpop (xrf0);
	(xrf0) =	vadd.scan.msk.s32 $0xffff, v4;
	v4 =	vsel vm9, $0x1, v31  }
0x134: {  	vm11 =	veq.s32 v0, $0x4;
	(v2sf) =	vpush v5, $0xF;
	v5, _, _ =	vpop (xrf0);
	(xrf0) =	vadd.scan.msk.s32 $0xffff, v4;
	v4 =	vsel vm10, $0x1, v31  }
0x135: {  	vm12 =	veq.s32 v3, $0x5;
	(v2sf) =	vpush v5, $0xF;
	v5, _, _ =	vpop (xrf0);
	(xrf0) =	vadd.scan.msk.s32 $0xffff, v4;
	v4 =	vsel vm11, $0x1, v31  }
0x136: {  	vm13 =	veq.s32 v2, $0x5;
	(v2sf) =	vpush v5, $0xF;
	v5, _, _ =	vpop (xrf0);
	(xrf0) =	vadd.scan.msk.s32 $0xffff, v4;
	v4 =	vsel vm12, $0x1, v31  }
0x137: {  	vm14 =	veq.s32 v1, $0x5;
	(v2sf) =	vpush v5, $0xF;
	v5, _, _ =	vpop (xrf0);
	(xrf0) =	vadd.scan.msk.s32 $0xffff, v4;
	v4 =	vsel vm13, $0x1, v31  }
0x138: {  	vm15 =	veq.s32 v0, $0x5;
	(v2sf) =	vpush v5, $0xF;
	v5, _, _ =	vpop (xrf0);
	(xrf0) =	vadd.scan.msk.s32 $0xffff, v4;
	v4 =	vsel vm14, $0x1, v31  }
0x139: {  	vm4 =	veq.s32 v3, $0x6;
	s6 =	spop (v2sf);
	(v2sf) =	vpush v5, $0xF;
	v5, _, _ =	vpop (xrf0);
	(xrf0) =	vadd.scan.msk.s32 $0xffff, v4;
	v4 =	vsel vm15, $0x1, v31  }
0x13a: {  	vm5 =	veq.s32 v2, $0x6;
	s3 =	spop (v2sf);
	(v2sf) =	vpush v5, $0xF;
	v5, _, _ =	vpop (xrf0);
	(xrf0) =	vadd.scan.msk.s32 $0xffff, v4;
	v4 =	vsel vm4, $0x1, v31  }
0x13b: {  	vm6 =	veq.s32 v1, $0x6;
	s4 =	spop (v2sf);
	(v2sf) =	vpush v5, $0xF;
	v5, _, _ =	vpop (xrf0);
	(xrf0) =	vadd.scan.msk.s32 $0xffff, v4;
	v4 =	vsel vm5, $0x1, v31  }
0x13c: {  	vm7 =	veq.s32 v0, $0x6;
	s7 =	spop (v2sf);
	(v2sf) =	vpush v5, $0xF;
	v5, _, _ =	vpop (xrf0);
	(xrf0) =	vadd.scan.msk.s32 $0xffff, v4;
	v4 =	vsel vm6, $0x1, v31  }
0x13d: {  	vm8 =	veq.s32 v3, $0x7;
	s5 =	spop (v2sf);
	(v2sf) =	vpush v5, $0xF;
	v5, _, _ =	vpop (xrf0);
	(xrf0) =	vadd.scan.msk.s32 $0xffff, v4;
	v4 =	vsel vm7, $0x1, v31  }
0x13e: {  	vm9 =	veq.s32 v2, $0x7;
	s8 =	spop (v2sf);
	(v2sf) =	vpush v5, $0xF;
	v3, _, _ =	vpop (xrf0);
	(xrf0) =	vadd.scan.msk.s32 $0xffff, v4;
	v4 =	vsel vm8, $0x1, v31  }
0x13f: {  	vm10 =	veq.s32 v1, $0x7;
	s9 =	spop (v2sf);
	(v2sf) =	vpush v3, $0xF;
	v2, _, _ =	vpop (xrf0);
	(xrf0) =	vadd.scan.msk.s32 $0xffff, v4;
	v3 =	vsel vm9, $0x1, v31  }
0x140: {  	vm11 =	veq.s32 v0, $0x7;
	s18 =	spop (v2sf);
	(v2sf) =	vpush v2, $0xF;
	v1, _, _ =	vpop (xrf0);
	(xrf0) =	vadd.scan.msk.s32 $0xffff, v3;
	v2 =	vsel vm10, $0x1, v31  }
0x141: {  	s20 =	spop (v2sf);
	(v2sf) =	vpush v1, $0xF;
	v0, _, _ =	vpop (xrf0);
	(xrf0) =	vadd.scan.msk.s32 $0xffff, v2;
	v1 =	vsel vm11, $0x1, v31  }
0x142: {  	s22 =	spop (v2sf);
	(v2sf) =	vpush v0, $0xF;
	v0, _, _ =	vpop (xrf0);
	(xrf0) =	vadd.scan.msk.s32 $0xffff, v1  }
0x143: {  	s23 =	spop (v2sf);
	(v2sf) =	vpush v0, $0xF;
	v0, _, _ =	vpop (xrf0)  }
0x144: {  	s24 =	spop (v2sf);
	(v2sf) =	vpush v0, $0xF;
	v0, _, _ =	vpop (xrf0)  }
0x145: {  	s25 =	spop (v2sf);
	(v2sf) =	vpush v0, $0xF;
	v0, _, _ =	vpop (xrf0)  }
0x146: {  	s26 =	spop (v2sf);
	(v2sf) =	vpush v0, $0xF;
	v0, _, _ =	vpop (xrf0)  }
0x147: {  	s28 =	spop (v2sf);
	(v2sf) =	vpush v0, $0xF;
	v0, _, _ =	vpop (xrf0)  }
0x148: {  	s29 =	spop (v2sf);
	(v2sf) =	vpush v0, $0xF;
	v0, _, _ =	vpop (xrf0)  }
0x149: {  	s30 =	spop (v2sf);
	(v2sf) =	vpush v0, $0xF  }
0x14a: {  	s31 =	spop (v2sf)  }
0x14b: {  	s11 =	spop (v2sf)  }
0x14c: {  	s12 =	spop (v2sf)  }
0x14d: {  	s1 =	sadd.s32 s6, s3;
	s6 =	spop (v2sf)  }
0x14e: {  	s1 =	sadd.s32 s4, s1;
	s8 =	sadd.s32 s5, s8;
	s5 =	spop (v2sf)  }
0x14f: {  	s1 =	sadd.s32 s7, s1;
	s4 =	sadd.s32 s9, s8;
	s13 =	spop (v2sf)  }
0x150: {  	s4 =	sadd.s32 s18, s4;
	s20 =	sadd.s32 s20, s22;
	s22 =	spop (v2sf)  }
0x151: {  	vm1 =	vcmask $0x300;
	s8 =	sadd.s32 s23, s20;
	s25 =	sadd.s32 s25, s26;
	s26 =	spop (v2sf)  }
0x152: {  	vm2 =	vcmask $0x704;
	vm3 =	vcmask $0xB08;
	vm4 =	vcmask $0xF0C;
	s8 =	sadd.s32 s24, s8;
	s18 =	sadd.s32 s28, s25;
	s28 =	spop (v2sf)  }
0x153: {  	vm5 =	vcmask $0x1310;
	vm6 =	vcmask $0x1714;
	vm7 =	vcmask $0x1B18;
	s18 =	sadd.s32 s29, s18;
	s31 =	sadd.s32 s30, s31;
	s3 =	spop (v2sf)  }
0x154: {  	vm8 =	vcmask $0x1F1C;
	v1 =	vmov s4;
	v0 =	vmov s1;
	s4 =	sadd.s32 s11, s31;
	s6 =	sadd.s32 s6, s5;
	s11 =	spop (v2sf)  }
0x155: {  	v1 =	vnsel vm2, $0x0, v1;
	v2 =	vmov s8;
	v0 =	vnsel vm1, $0x0, v0;
	s1 =	sadd.s32 s12, s4;
	s4 =	sadd.s32 s13, s6;
	s13 =	spop (v2sf)  }
0x156: {  	v0 =	vadd.s32 v1, v0;
	v1 =	vnsel vm3, $0x0, v2;
	v2 =	vmov s18;
	s4 =	sadd.s32 s22, s4;
	s23 =	sadd.s32 s26, s28;
	s25 =	spop (v2sf)  }
0x157: {  	v0 =	vadd.s32 v1, v0;
	v1 =	vnsel vm4, $0x0, v2;
	v2 =	vmov s1;
	s26 =	sadd.s32 s3, s23;
	s6 =	sadd.s32 s13, s25;
	s28 =	spop (v2sf)  }
0x158: {  	v0 =	vadd.s32 v1, v0;
	v1 =	vnsel vm5, $0x0, v2;
	v2 =	vmov s4;
	s1 =	sadd.s32 s11, s26;
	s29 =	sadd.s32 s28, s6;
	s30 =	spop (v2sf)  }
0x159: {  	v0 =	vadd.s32 v1, v0;
	v1 =	vnsel vm6, $0x0, v2;
	v2 =	vmov s1;
	s31 =	sadd.s32 s30, s29  }
0x15a: {  	v0 =	vadd.s32 v1, v0;
	v1 =	vnsel vm7, $0x0, v2;
	v2 =	vmov s31  }
0x15b: {  	v0 =	vadd.s32 v1, v0;
	v1 =	vnsel vm8, $0x0, v2  }
0x15c: {  	v0 =	vadd.s32 v1, v0  }
0x15d: {  	s3 =	rddreg [dreg:$0xd];
	[tilespmem:$0xC180] =	vst v0  }
0x15e: {  	[hbm4b:s3+s0] =	stream.linear.scatter [tilespmem:s21], [sflag:$0x3], $0x80, $0x38;
	[tilespmem:$0xD200] =	vst v63  }
0x15f: {  	_ =	swait.ge [sflag:s19], $0x80  }
0x160: {  	[sflag:s19] =	ssyncset.done $0x0  }
0x161: {  	[sflag:s19] =	ssyncadd.s32 $0xFFFFFF80  }
0x162: {  	v3 =	vld [tilespmem:$0x80]  }
0x163: {  	v2 =	vld [tilespmem:$0x90]  }
0x164: {  	v1 =	vld [tilespmem:$0xA0]  }
0x165: {  	v0 =	vld [tilespmem:$0xB0];
	_ =	sdelay $0x1  }
0x166: {  	vm12 =	veq.s32 v3, $0x0  }
0x167: {  	vm13 =	veq.s32 v2, $0x0;
	v4 =	vsel vm12, $0x1, v31  }
0x168: {  	vm14 =	veq.s32 v1, $0x0;
	(xrf0) =	vadd.scan.msk.s32 $0xffff, v4;
	v4 =	vsel vm13, $0x1, v31  }
0x169: {  	vm15 =	veq.s32 v0, $0x0;
	(xrf0) =	vadd.scan.msk.s32 $0xffff, v4;
	v4 =	vsel vm14, $0x1, v31  }
0x16a: {  	vm9 =	veq.s32 v3, $0x1;
	(xrf0) =	vadd.scan.msk.s32 $0xffff, v4;
	v4 =	vsel vm15, $0x1, v31  }
0x16b: {  	vm10 =	veq.s32 v2, $0x1;
	(xrf0) =	vadd.scan.msk.s32 $0xffff, v4;
	v4 =	vsel vm9, $0x1, v31  }
0x16c: {  	vm11 =	veq.s32 v1, $0x1;
	(xrf0) =	vadd.scan.msk.s32 $0xffff, v4;
	v4 =	vsel vm10, $0x1, v31  }
0x16d: {  	vm12 =	veq.s32 v0, $0x1;
	(xrf0) =	vadd.scan.msk.s32 $0xffff, v4;
	v4 =	vsel vm11, $0x1, v31  }
0x16e: {  	vm13 =	veq.s32 v3, $0x2;
	v5, _, _ =	vpop (xrf0);
	(xrf0) =	vadd.scan.msk.s32 $0xffff, v4;
	v4 =	vsel vm12, $0x1, v31  }
0x16f: {  	vm14 =	veq.s32 v2, $0x2;
	(v2sf) =	vpush v5, $0xF;
	v5, _, _ =	vpop (xrf0);
	(xrf0) =	vadd.scan.msk.s32 $0xffff, v4;
	v4 =	vsel vm13, $0x1, v31  }
0x170: {  	vm15 =	veq.s32 v1, $0x2;
	(v2sf) =	vpush v5, $0xF;
	v5, _, _ =	vpop (xrf0);
	(xrf0) =	vadd.scan.msk.s32 $0xffff, v4;
	v4 =	vsel vm14, $0x1, v31  }
0x171: {  	vm9 =	veq.s32 v0, $0x2;
	(v2sf) =	vpush v5, $0xF;
	v5, _, _ =	vpop (xrf0);
	(xrf0) =	vadd.scan.msk.s32 $0xffff, v4;
	v4 =	vsel vm15, $0x1, v31  }
0x172: {  	vm10 =	veq.s32 v3, $0x3;
	(v2sf) =	vpush v5, $0xF;
	v5, _, _ =	vpop (xrf0);
	(xrf0) =	vadd.scan.msk.s32 $0xffff, v4;
	v4 =	vsel vm9, $0x1, v31  }
0x173: {  	vm11 =	veq.s32 v2, $0x3;
	(v2sf) =	vpush v5, $0xF;
	v5, _, _ =	vpop (xrf0);
	(xrf0) =	vadd.scan.msk.s32 $0xffff, v4;
	v4 =	vsel vm10, $0x1, v31  }
0x174: {  	vm12 =	veq.s32 v1, $0x3;
	(v2sf) =	vpush v5, $0xF;
	v5, _, _ =	vpop (xrf0);
	(xrf0) =	vadd.scan.msk.s32 $0xffff, v4;
	v4 =	vsel vm11, $0x1, v31  }
0x175: {  	vm13 =	veq.s32 v0, $0x3;
	(v2sf) =	vpush v5, $0xF;
	v5, _, _ =	vpop (xrf0);
	(xrf0) =	vadd.scan.msk.s32 $0xffff, v4;
	v4 =	vsel vm12, $0x1, v31  }
0x176: {  	vm14 =	veq.s32 v3, $0x4;
	(v2sf) =	vpush v5, $0xF;
	v5, _, _ =	vpop (xrf0);
	(xrf0) =	vadd.scan.msk.s32 $0xffff, v4;
	v4 =	vsel vm13, $0x1, v31  }
0x177: {  	vm15 =	veq.s32 v2, $0x4;
	(v2sf) =	vpush v5, $0xF;
	v5, _, _ =	vpop (xrf0);
	(xrf0) =	vadd.scan.msk.s32 $0xffff, v4;
	v4 =	vsel vm14, $0x1, v31  }
0x178: {  	vm9 =	veq.s32 v1, $0x4;
	(v2sf) =	vpush v5, $0xF;
	v5, _, _ =	vpop (xrf0);
	(xrf0) =	vadd.scan.msk.s32 $0xffff, v4;
	v4 =	vsel vm15, $0x1, v31  }
0x179: {  	vm10 =	veq.s32 v0, $0x4;
	(v2sf) =	vpush v5, $0xF;
	v5, _, _ =	vpop (xrf0);
	(xrf0) =	vadd.scan.msk.s32 $0xffff, v4;
	v4 =	vsel vm9, $0x1, v31  }
0x17a: {  	vm11 =	veq.s32 v3, $0x5;
	(v2sf) =	vpush v5, $0xF;
	v5, _, _ =	vpop (xrf0);
	(xrf0) =	vadd.scan.msk.s32 $0xffff, v4;
	v4 =	vsel vm10, $0x1, v31  }
0x17b: {  	vm12 =	veq.s32 v2, $0x5;
	(v2sf) =	vpush v5, $0xF;
	v5, _, _ =	vpop (xrf0);
	(xrf0) =	vadd.scan.msk.s32 $0xffff, v4;
	v4 =	vsel vm11, $0x1, v31  }
0x17c: {  	vm13 =	veq.s32 v1, $0x5;
	(v2sf) =	vpush v5, $0xF;
	v5, _, _ =	vpop (xrf0);
	(xrf0) =	vadd.scan.msk.s32 $0xffff, v4;
	v4 =	vsel vm12, $0x1, v31  }
0x17d: {  	vm14 =	veq.s32 v0, $0x5;
	(v2sf) =	vpush v5, $0xF;
	v5, _, _ =	vpop (xrf0);
	(xrf0) =	vadd.scan.msk.s32 $0xffff, v4;
	v4 =	vsel vm13, $0x1, v31  }
0x17e: {  	s4 =	spop (v2sf);
	(v2sf) =	vpush v5, $0xF;
	v5, _, _ =	vpop (xrf0);
	(xrf0) =	vadd.scan.msk.s32 $0xffff, v4;
	v4 =	vsel vm14, $0x1, v31  }
0x17f: {  	vm15 =	veq.s32 v3, $0x6;
	vm9 =	veq.s32 v2, $0x6;
	s5 =	spop (v2sf);
	(v2sf) =	vpush v5, $0xF;
	v5, _, _ =	vpop (xrf0);
	(xrf0) =	vadd.scan.msk.s32 $0xffff, v4  }
0x180: {  	vm10 =	veq.s32 v1, $0x6;
	v4 =	vsel vm15, $0x1, v31;
	s8 =	spop (v2sf);
	(v2sf) =	vpush v5, $0xF;
	v5, _, _ =	vpop (xrf0)  }
0x181: {  	vm11 =	veq.s32 v0, $0x6;
	(xrf0) =	vadd.scan.msk.s32 $0xffff, v4;
	v4 =	vsel vm9, $0x1, v31;
	s7 =	spop (v2sf);
	(v2sf) =	vpush v5, $0xF;
	v5, _, _ =	vpop (xrf0)  }
0x182: {  	vm12 =	veq.s32 v3, $0x7;
	(xrf0) =	vadd.scan.msk.s32 $0xffff, v4;
	v4 =	vsel vm10, $0x1, v31;
	s13 =	spop (v2sf);
	(v2sf) =	vpush v5, $0xF;
	v5, _, _ =	vpop (xrf0)  }
0x183: {  	vm13 =	veq.s32 v2, $0x7;
	(xrf0) =	vadd.scan.msk.s32 $0xffff, v4;
	v4 =	vsel vm11, $0x1, v31;
	s3 =	spop (v2sf);
	(v2sf) =	vpush v5, $0xF;
	v3, _, _ =	vpop (xrf0)  }
0x184: {  	vm14 =	veq.s32 v1, $0x7;
	(xrf0) =	vadd.scan.msk.s32 $0xffff, v4;
	v4 =	vsel vm12, $0x1, v31;
	s9 =	spop (v2sf);
	(v2sf) =	vpush v3, $0xF;
	v2, _, _ =	vpop (xrf0)  }
0x185: {  	vm15 =	veq.s32 v0, $0x7;
	(xrf0) =	vadd.scan.msk.s32 $0xffff, v4;
	v3 =	vsel vm13, $0x1, v31;
	s11 =	spop (v2sf);
	(v2sf) =	vpush v2, $0xF;
	v1, _, _ =	vpop (xrf0)  }
0x186: {  	(xrf0) =	vadd.scan.msk.s32 $0xffff, v3;
	v2 =	vsel vm14, $0x1, v31;
	s12 =	spop (v2sf);
	(v2sf) =	vpush v1, $0xF;
	v1 =	vsel vm15, $0x1, v31  }
0x187: {  	v0, _, _ =	vpop (xrf0);
	(xrf0) =	vadd.scan.msk.s32 $0xffff, v2  }
0x188: {  	s18 =	spop (v2sf);
	(v2sf) =	vpush v0, $0xF;
	v0, _, _ =	vpop (xrf0);
	(xrf0) =	vadd.scan.msk.s32 $0xffff, v1  }
0x189: {  	s20 =	spop (v2sf);
	(v2sf) =	vpush v0, $0xF;
	v1, _, _ =	vpop (xrf0)  }
0x18a: {  	s22 =	spop (v2sf);
	v0, _, _ =	vpop (xrf0);
	(v2sf) =	vpush v1, $0xF  }
0x18b: {  	s23 =	spop (v2sf);
	v1, _, _ =	vpop (xrf0);
	(v2sf) =	vpush v0, $0xF  }
0x18c: {  	s24 =	spop (v2sf);
	v0, _, _ =	vpop (xrf0);
	(v2sf) =	vpush v1, $0xF  }
0x18d: {  	s25 =	spop (v2sf);
	v1, _, _ =	vpop (xrf0);
	(v2sf) =	vpush v0, $0xF  }
0x18e: {  	s26 =	spop (v2sf);
	(v2sf) =	vpush v1, $0xF;
	v0, _, _ =	vpop (xrf0)  }
0x18f: {  	s28 =	spop (v2sf);
	(v2sf) =	vpush v0, $0xF  }
0x190: {  	s29 =	spop (v2sf)  }
0x191: {  	s30 =	spop (v2sf)  }
0x192: {  	s31 =	spop (v2sf)  }
0x193: {  	s1 =	sadd.s32 s4, s5;
	s6 =	spop (v2sf)  }
0x194: {  	s1 =	sadd.s32 s8, s1;
	s13 =	sadd.s32 s13, s3;
	s3 =	spop (v2sf)  }
0x195: {  	s1 =	sadd.s32 s7, s1;
	s4 =	sadd.s32 s9, s13;
	s9 =	spop (v2sf)  }
0x196: {  	s4 =	sadd.s32 s11, s4;
	s13 =	sadd.s32 s12, s18;
	s18 =	spop (v2sf)  }
0x197: {  	s8 =	sadd.s32 s20, s13;
	s23 =	sadd.s32 s23, s24;
	s24 =	spop (v2sf)  }
0x198: {  	s8 =	sadd.s32 s22, s8;
	s11 =	sadd.s32 s25, s23;
	s25 =	spop (v2sf)  }
0x199: {  	s11 =	sadd.s32 s26, s11;
	s26 =	sadd.s32 s28, s29;
	s28 =	spop (v2sf)  }
0x19a: {  	v1 =	vmov s4;
	v0 =	vmov s1;
	s29 =	sadd.s32 s30, s26;
	s30 =	sadd.s32 s6, s3;
	s3 =	spop (v2sf)  }
0x19b: {  	v2 =	vmov s8;
	v1 =	vnsel vm2, $0x0, v1;
	v0 =	vnsel vm1, $0x0, v0;
	s1 =	sadd.s32 s31, s29;
	s4 =	sadd.s32 s9, s30;
	s13 =	spop (v2sf)  }
0x19c: {  	v3 =	vmov s11;
	v0 =	vadd.s32 v1, v0;
	v1 =	vnsel vm3, $0x0, v2;
	s4 =	sadd.s32 s18, s4;
	s18 =	sadd.s32 s24, s25;
	s20 =	spop (v2sf)  }
0x19d: {  	v0 =	vadd.s32 v1, v0;
	v1 =	vnsel vm4, $0x0, v3;
	v2 =	vmov s1;
	s23 =	sadd.s32 s28, s18;
	s6 =	sadd.s32 s13, s20;
	s24 =	spop (v2sf)  }
0x19e: {  	v0 =	vadd.s32 v1, v0;
	v1 =	vnsel vm5, $0x0, v2;
	v3 =	vmov s4;
	s1 =	sadd.s32 s3, s23;
	s25 =	sadd.s32 s24, s6;
	s26 =	spop (v2sf)  }
0x19f: {  	v0 =	vadd.s32 v1, v0;
	v1 =	vnsel vm6, $0x0, v3;
	v2 =	vmov s1;
	s28 =	sadd.s32 s26, s25  }
0x1a0: {  	v0 =	vadd.s32 v1, v0;
	v1 =	vnsel vm7, $0x0, v2;
	v2 =	vmov s28  }
0x1a1: {  	v0 =	vadd.s32 v1, v0;
	v1 =	vnsel vm8, $0x0, v2  }
0x1a2: {  	v0 =	vadd.s32 v1, v0  }
0x1a3: {  	s29 =	rddreg [dreg:$0xe];
	[tilespmem:$0xC180] =	vst v0  }
0x1a4: {  	[hbm4b:s29+s0] =	stream.linear.scatter [tilespmem:s21], [sflag:$0x3], $0x80, $0x38;
	[tilespmem:$0xD200] =	vst v63  }
0x1a5: {  	_ =	swait.ge [sflag:s19], $0x80  }
0x1a6: {  	[sflag:s19] =	ssyncset.done $0x0  }
0x1a7: {  	[sflag:s19] =	ssyncadd.s32 $0xFFFFFF80  }
0x1a8: {  	[bflag:$0x0] =	sbarrier.arrive $0xFFFF  }
0x1a9: {  	v37 =	vld [tilespmem:$0x0]  }
0x1aa: {  	v36 =	vld [tilespmem:$0x10]  }
0x1ab: {  	s31 =	simm.s32 $0xC200;
	v35 =	vld [tilespmem:$0x20];
	s30 =	rddreg [dreg:$0xc]  }
0x1ac: {  	v34 =	vld [tilespmem:$0x30];
	[tilespmem:s31], [sflag:$0x3] =	stream.linear.gather [hbm4b:s30+s0], $0x1000, $0x38  }
0x1ad: {  	_ =	swait.ge [sflag:s19], $0x1000  }
0x1ae: {  	[sflag:s19] =	ssyncset.done $0x0  }
0x1af: {  	[sflag:s19] =	ssyncadd.s32 $0xFFFFF000  }
0x1b0: {  	v1 =	vld [tilespmem:$0xC200]  }
0x1b1: {  	v2 =	vld [tilespmem:$0xC280]  }
0x1b2: {  	v3 =	vld [tilespmem:$0xC300]  }
0x1b3: {  	v0 =	vld [tilespmem:$0xC380]  }
0x1b4: {  	v33 =	vld [tilespmem:$0xC400]  }
0x1b5: {  	v17 =	vld [tilespmem:$0xC480]  }
0x1b6: {  	v39 =	vld [tilespmem:$0xC500];
	v4 =	vadd.s32 v1, v2  }
0x1b7: {  	v40 =	vld [tilespmem:$0xC580];
	v4 =	vadd.s32 v3, v4  }
0x1b8: {  	v41 =	vld [tilespmem:$0xC600];
	v4 =	vadd.s32 v0, v4  }
0x1b9: {  	v42 =	vld [tilespmem:$0xC680];
	v4 =	vadd.s32 v33, v4  }
0x1ba: {  	v43 =	vld [tilespmem:$0xC700];
	v4 =	vadd.s32 v17, v4  }
0x1bb: {  	v44 =	vld [tilespmem:$0xC780];
	v4 =	vadd.s32 v39, v4  }
0x1bc: {  	v45 =	vld [tilespmem:$0xC800];
	v4 =	vadd.s32 v40, v4  }
0x1bd: {  	v46 =	vld [tilespmem:$0xC880];
	v4 =	vadd.s32 v41, v4  }
0x1be: {  	v47 =	vld [tilespmem:$0xC900];
	v4 =	vadd.s32 v42, v4  }
0x1bf: {  	v48 =	vld [tilespmem:$0xC980];
	v4 =	vadd.s32 v43, v4  }
0x1c0: {  	v49 =	vld [tilespmem:$0xCA00];
	v4 =	vadd.s32 v44, v4  }
0x1c1: {  	v50 =	vld [tilespmem:$0xCA80];
	v4 =	vadd.s32 v45, v4  }
0x1c2: {  	v51 =	vld [tilespmem:$0xCB00];
	v4 =	vadd.s32 v46, v4  }
0x1c3: {  	v52 =	vld [tilespmem:$0xCB80];
	v4 =	vadd.s32 v47, v4  }
0x1c4: {  	v53 =	vld [tilespmem:$0xCC00];
	v4 =	vadd.s32 v48, v4  }
0x1c5: {  	v54 =	vld [tilespmem:$0xCC80];
	v4 =	vadd.s32 v49, v4  }
0x1c6: {  	v55 =	vld [tilespmem:$0xCD00];
	v4 =	vadd.s32 v50, v4  }
0x1c7: {  	v56 =	vld [tilespmem:$0xCD80];
	v4 =	vadd.s32 v51, v4  }
0x1c8: {  	v57 =	vld [tilespmem:$0xCE00];
	v4 =	vadd.s32 v52, v4  }
0x1c9: {  	v58 =	vld [tilespmem:$0xCE80];
	v4 =	vadd.s32 v53, v4  }
0x1ca: {  	v59 =	vld [tilespmem:$0xCF00];
	v4 =	vadd.s32 v54, v4  }
0x1cb: {  	v60 =	vld [tilespmem:$0xCF80];
	v4 =	vadd.s32 v55, v4  }
0x1cc: {  	v61 =	vld [tilespmem:$0xD000];
	v4 =	vadd.s32 v56, v4  }
0x1cd: {  	v62 =	vld [tilespmem:$0xD080];
	v4 =	vadd.s32 v57, v4  }
0x1ce: {  	v63 =	vld [tilespmem:$0xD100];
	v4 =	vadd.s32 v58, v4  }
0x1cf: {  	v5 =	vld [tilespmem:$0xD180];
	v4 =	vadd.s32 v59, v4  }
0x1d0: {  	v4 =	vadd.s32 v60, v4  }
0x1d1: {  	v4 =	vadd.s32 v61, v4  }
0x1d2: {  	v4 =	vadd.s32 v62, v4  }
0x1d3: {  	v4 =	vadd.s32 v63, v4  }
0x1d4: {  	v4 =	vadd.s32 v5, v4  }
0x1d5: {  	(xrf0) =	vadd.scan.msk.s32 $0xffff, v4;
	_ =	sdelay $0x2  }
.Ltmp2:
0x1d6: {  	_ = 	snop;
	(pc) =	sbr.rel @p1 .LBB2_3-.Ltmp2, $3  }
0x1d7: {  	_ =	sdelay $0x1  }
0x1d8: {  	v6, _, _ =	vpop (xrf0)  }
0x1d9: {  	v4 =	vsub.s32 v6, v4  }
0x1da: {  	vm0 =	vlt.s32 v4, $0x0;
	vm2 =	vcmask $0x1F04  }
0x1db: {  	vm1 =	vlt.s32 v4, $0x200;
	v14 =	vlaneseq.u32;
	v12 =	vbroadcast v4, $0x1  }
0x1dc: {  	v8 =	vimm.s32 $0x800;
	v15 =	vbroadcast v4, $0x2;
	v18 =	vbroadcast v4, $0x3  }
0x1dd: {  	vm10 =	vlt.s32 v4, $0x400;
	v20 =	vbroadcast v4, $0x4;
	v23 =	vbroadcast v4, $0x5  }
0x1de: {  	vm12 =	vlt.s32 v4, $0x600;
	v24 =	vbroadcast v4, $0x6;
	v25 =	vbroadcast v4, $0x7  }
0x1df: {  	vm0 =	vmand vm0, vm2;
	vm7 =	vmand vm1, vm2;
	vm11 =	vmand vm10, vm2  }
0x1e0: {  	v10 =	vmul.u32 $0x200, v14;
	v13 =	vadd.s32 $0xFFFFFFFE, v14;
	v16 =	vadd.s32 $0xFFFFFFFD, v14  }
0x1e1: {  	v27 =	vadd.s32 $0xFFFFFFFC, v14;
	v28 =	vadd.s32 $0xFFFFFFFB, v14;
	v5 =	vmpcnt.ones.xlane vm0  }
0x1e2: {  	v7 =	vmpcnt.ones.xlane vm7;
	vm0 =	vmand vm12, vm2;
	v10 =	vadd.s32 $0xFFFFFFFF, v10  }
0x1e3: {  	v38 =	vmpcnt.ones.xlane vm0;
	vm0 =	vmmov $0xf;
	vm8 =	veq.s32 v5, v14  }
0x1e4: {  	[tilespmem:$0x1FDD0] =	vst v5;
	v5 =	vadd.s32 $0xFFFFFFFF, v14;
	vm13 =	vgt.s32 v12, v10;
	vm4 =	vgt.s32 v15, v10  }
0x1e5: {  	vm6 =	vgt.s32 v18, v10;
	v9 =	vsel vm8, $0x0, v8;
	vm9 =	veq.s32 v7, v5  }
0x1e6: {  	[tilespmem:$0x1FDE0] =	vst v7;
	v7 =	vmpcnt.ones.xlane vm11;
	vm1 =	vmand vm13, vm0;
	vm15 =	veq.s32 v38, v16  }
0x1e7: {  	vm2 =	vmand vm4, vm0;
	vm7 =	vmand vm6, vm0;
	vm11 =	vgt.s32 v23, v10  }
0x1e8: {  	vm13 =	vgt.s32 v24, v10;
	v9 =	vsel vm9, $0x200, v9;
	v19 =	vmpcnt.ones.xlane vm2  }
0x1e9: {  	v21 =	vmpcnt.ones.xlane vm7;
	vm9 =	vgt.s32 v20, v10;
	vm12 =	vmand vm11, vm0  }
0x1ea: {  	[tilespmem:$0x1FDF0] =	vst v7;
	vm14 =	veq.s32 v7, v13;
	v7 =	vmpcnt.ones.xlane vm1;
	vm1 =	vmand vm9, vm0  }
0x1eb: {  	v26 =	vmpcnt.ones.xlane vm12;
	v9 =	vsel vm14, $0x400, v9;
	vm8 =	veq.s32 v19, v5  }
0x1ec: {  	vm10 =	veq.s32 v21, v13;
	v9 =	vsel vm15, $0x600, v9;
	vm5 =	veq.s32 v7, v14  }
0x1ed: {  	v22 =	vmpcnt.ones.xlane vm1;
	vm14 =	vmand vm13, vm0;
	v9 =	vsel vm5, v12, v9  }
0x1ee: {  	vm15 =	vgt.s32 v25, v10;
	v10 =	vmpcnt.ones.xlane vm14;
	v9 =	vsel vm8, v15, v9  }
0x1ef: {  	vm1 =	veq.s32 v22, v16;
	vm0 =	vmand vm15, vm0;
	v9 =	vsel vm10, v18, v9  }
0x1f0: {  	vm4 =	veq.s32 v26, v27;
	v29 =	vmpcnt.ones.xlane vm0;
	v9 =	vsel vm1, v20, v9  }
0x1f1: {  	v30 =	vadd.s32 $0xFFFFFFFA, v14;
	vm5 =	veq.s32 v10, v28;
	v9 =	vsel vm4, v23, v9  }
0x1f2: {  	vm6 =	veq.s32 v29, v30;
	v9 =	vsel vm5, v24, v9  }
0x1f3: {  	v11 =	vmov v32;
	v32 =	vbroadcast v6, $0x0;
	[tilespmem:$0x1FE00] =	vst v38;
	v9 =	vsel vm6, v25, v9  }
0x1f4: {  	v38 =	vbroadcast v6, $0x1;
	[tilespmem:$0x1FE10] =	vst v7;
	v7 =	vbroadcast v6, $0x4;
	v30 =	vshra.s32 v9, $0x1F  }
0x1f5: {  	v8 =	vand.u32 $0x1FF, v9;
	vm0 =	vlt.s32 v9, $0x1;
	vm8 =	vle.s32 v32, v9  }
0x1f6: {  	v32 =	vbroadcast v6, $0x2;
	vm9 =	vle.s32 v38, v9;
	vm13 =	vle.s32 v7, v9  }
0x1f7: {  	v7 =	vbroadcast v6, $0x5;
	v30 =	vshrl.u32 v30, $0x17;
	vm7 =	vne.s32 v8, $0x0  }
0x1f8: {  	v30 =	vadd.s32 v30, v9;
	vm0 =	vmand vm0, vm7;
	vm10 =	vle.s32 v32, v9  }
0x1f9: {  	v32 =	vbroadcast v6, $0x3;
	v30 =	vshra.s32 v30, $0x9;
	v8 =	vsel vm0, $0xFFFFFFFF, v31  }
0x1fa: {  	v38 =	vsel vm9, $0x1, v31;
	v8 =	vadd.s32 v8, v30;
	v30 =	vsel vm8, $0x1, v31  }
0x1fb: {  	vm12 =	vle.s32 v32, v9;
	v30 =	vadd.s32 v38, v30;
	v38 =	vsel vm10, $0x1, v31  }
0x1fc: {  	v32 =	vsel vm12, $0x1, v31;
	v30 =	vadd.s32 v38, v30  }
0x1fd: {  	vm14 =	vle.s32 v7, v9;
	v38 =	vsel vm13, $0x1, v31;
	v30 =	vadd.s32 v32, v30  }
0x1fe: {  	vm11 =	vgt.s32 v8, $0x0;
	v30 =	vadd.s32 v38, v30;
	v38 =	vsel vm14, $0x1, v31  }
0x1ff: {  	v8 =	vnsel vm11, $0x0, v8;
	v30 =	vadd.s32 v38, v30;
	v38 =	vld [tilespmem:$0x1FDD0]  }
0x200: {  	v8 =	vmin.u32 v8, $0x3  }
0x201: {  	s1 =	rddreg [dreg:$0x8];
	v7 =	vbroadcast v6, $0x6;
	[tilespmem:$0xC180] =	vst v8  }
0x202: {  	[hbm4b:s1+s0] =	stream.linear.scatter [tilespmem:s21], [sflag:$0x3], $0x80, $0x38;
	[tilespmem:$0xD200] =	vst v63  }
0x203: {  	vm15 =	vle.s32 v7, v9;
	v7 =	vadd.s32 $0x1, v14;
	_ =	swait.ge [sflag:s19], $0x80  }
0x204: {  	vm5 =	veq.s32 v38, v7;
	v38 =	vld [tilespmem:$0x1FDE0]  }
0x205: {  	v6 =	vbroadcast v6, $0x7;
	_ =	sdelay $0x1  }
0x206: {  	vm4 =	vle.s32 v6, v9;
	v6 =	vsel vm15, $0x1, v31  }
0x207: {  	v6 =	vadd.s32 v6, v30  }
0x208: {  	v30 =	vsel vm4, $0x1, v31;
	vm6 =	veq.s32 v38, v14;
	v38 =	vimm.s32 $0x800  }
0x209: {  	v6 =	vadd.s32 v30, v6;
	v30 =	vsel vm5, $0x0, v38;
	v38 =	vld [tilespmem:$0x1FDF0];
	_ =	sdelay $0x4  }
0x20a: {  	vm7 =	veq.s32 v38, v5;
	v38 =	vld [tilespmem:$0x1FE00];
	_ =	sdelay $0x4  }
0x20b: {  	vm8 =	veq.s32 v38, v13;
	v38 =	vld [tilespmem:$0x1FE10];
	_ =	sdelay $0x1  }
0x20c: {  	[sflag:s19] =	ssyncset.done $0x0  }
0x20d: {  	v6 =	vmin.u32 v6, $0x7;
	[sflag:s19] =	ssyncadd.s32 $0xFFFFFF80;
	v30 =	vsel vm6, $0x200, v30  }
0x20e: {  	s29 =	rddreg [dreg:$0x9];
	[tilespmem:$0xC180] =	vst v6;
	v6 =	vsel vm7, $0x400, v30  }
0x20f: {  	[hbm4b:s29+s0] =	stream.linear.scatter [tilespmem:s21], [sflag:$0x3], $0x80, $0x38;
	v6 =	vsel vm8, $0x600, v6;
	vm9 =	veq.s32 v38, v7;
	[tilespmem:$0xD200] =	vst v63  }
0x210: {  	vm10 =	veq.s32 v19, v14;
	vm12 =	veq.s32 v22, v13;
	v30 =	vld [tilespmem:$0x1FFF0];
	_ =	swait.ge [sflag:s19], $0x80;
	v6 =	vsel vm9, v12, v6  }
0x211: {  	vm11 =	veq.s32 v21, v5;
	[sflag:s19] =	ssyncset.done $0x0;
	v5 =	vsel vm10, v15, v6;
	v6 =	vshll.u32 v8, $0x9  }
0x212: {  	vm13 =	veq.s32 v26, v16;
	v26 =	vld [tilespmem:$0x1FFB0];
	[sflag:s19] =	ssyncadd.s32 $0xFFFFFF80;
	v5 =	vsel vm11, v18, v5;
	v7 =	vsub.s32 v9, v6  }
0x213: {  	vm14 =	veq.s32 v10, v27;
	v27 =	vld [tilespmem:$0x1FFC0];
	s30 =	rddreg [dreg:$0xa];
	v5 =	vsel vm12, v20, v5;
	[tilespmem:$0xC180] =	vst v7  }
0x214: {  	vm15 =	veq.s32 v29, v28;
	v29 =	vld [tilespmem:$0x1FFE0];
	v5 =	vsel vm13, v23, v5;
	[hbm4b:s30+s0] =	stream.linear.scatter [tilespmem:s21], [sflag:$0x3], $0x80, $0x38  }
0x215: {  	v28 =	vld [tilespmem:$0x1FFD0];
	v5 =	vsel vm14, v24, v5;
	_ =	swait.ge [sflag:s19], $0x80  }
0x216: {  	v5 =	vsel vm15, v25, v5;
	[sflag:s19] =	ssyncset.done $0x0  }
0x217: {  	[sflag:s19] =	ssyncadd.s32 $0xFFFFFF80;
	v5 =	vsub.s32 v5, v6  }
.Ltmp3:
0x218: {  	s31 =	rddreg [dreg:$0xb];
	[tilespmem:$0xC180] =	vst v5;
	(pc) =	sbr.rel .LBB2_3-.Ltmp3, $4  }
0x219: {  	[hbm4b:s31+s0] =	stream.linear.scatter [tilespmem:s21], [sflag:$0x3], $0x80, $0x38;
	[tilespmem:$0xD200] =	vst v63  }
0x21a: {  	_ =	swait.ge [sflag:s19], $0x80  }
0x21b: {  	[sflag:s19] =	ssyncset.done $0x0  }
0x21c: {  	v32 =	vmov v11;
	[sflag:s19] =	ssyncadd.s32 $0xFFFFFF80  }
.LBB2_4:
0x21d: {  	_ =	sfence.sel $0x180000  }
0x21e: {  	[bflag:$0x0] =	sbarrier.arrive $0xFFFF  }
0x21f: {  	_ =	strace $0x90000047  }
0x220: {  	[bflag:$0x2] =	sbarrier.arrive $0xFFFF  }
0x221: {  	s0 =	rddreg [dreg:$0x4]  }
0x222: {  	s0 =	sadd.s32 @!p0 $0x100000, s0  }
0x223: {  	[sflag:s0] =	ssyncadd.tile.s32 @!p0 $0x1;
	_ =	shalt  }
.Lfunc_end2:
_tile_overlayer_lowered:
.L_overlay_start_2:
0x224: {  	(tag) =	ssettag $0x2  }
0x225: {  	s0 =	rddreg [dreg:$0x0];
	s2 =	stileid.u32  }
0x226: {  	s1 =	rddreg [dreg:$0x1];
	p0 =	sne.s32 s2, $0x0  }
0x227: {  	s3 =	rddreg [dreg:$0x2];
	[bflag:$0x3] =	sbarrier.arrive $0xFFFF;
	s2 =	simm.s32 @!p0 $0x1C03  }
0x228: {  	[timem:s3], [sflag:s2] =	dma.local @!p0 [hbm:s0], s1  }
0x229: {  	s0 =	simm.s32 @!p0 $0x3  }
0x22a: {  	_ =	swait.ge @!p0 [sflag:s0], s1  }
0x22b: {  	s1 =	ssub.s32 @!p0 $0x0, s1;
	[sflag:s0] =	ssyncset.done @!p0 $0x0  }
0x22c: {  	[sflag:s0] =	ssyncadd.s32 @!p0 s1  }
0x22d: {  	[bflag:$0x3] =	sbarrier.arrive $0xFFFF  }
0x22e: {  	_ =	shalt  }

// kernel: kernel.8.cloned.1.call-start
scs
__scs_entry_jumppad:
0x0: {  	(pc) =	sbr.rel $0x88, $3  }
0x1: {  	(tag) =	ssettag $0x0;
	lr =	simm.s32 $0x1  }
0x2: {  	[smem:$0x3F9D] =	sst lr;
	_ =	strace $0xD0000000  }
0x3: {  	_ = 	snop  }
0x4: {  	_ = 	snop  }
0x5: {  	_ = 	snop  }
0x6: {  	_ = 	snop  }
0x7: {  	_ = 	snop  }
__scs_overlays_trampoline_lowered:
0x8: {  	[smem:$0x3FAC] =	sst s0  }
0x9: {  	[smem:$0x3FAD] =	sst s1  }
0xa: {  	[smem:$0x3FAE] =	sst s2  }
0xb: {  	[smem:$0x3FAF] =	sst s3  }
0xc: {  	[smem:$0x3FB0] =	sst s4  }
0xd: {  	[smem:$0x3FB1] =	sst s5  }
0xe: {  	[smem:$0x3FB2] =	sst s6  }
0xf: {  	[smem:$0x3FB3] =	sst s7  }
0x10: {  	[smem:$0x3FB4] =	sst s8  }
0x11: {  	[smem:$0x3FB5] =	sst s9;
	s0 =	simm.s32 @!p0 $0x0  }
0x12: {  	s1 =	sld [smem:$0x3F9B];
	s0 =	simm.s32 @p0 $0x1  }
0x13: {  	[smem:$0x3FB6] =	sst s0;
	s0 =	simm.s32 @!p1 $0x0  }
0x14: {  	s2 =	sld [smem:$0x3F9A];
	s0 =	simm.s32 @p1 $0x1  }
0x15: {  	[smem:$0x3FB7] =	sst s0;
	s0 =	simm.s32 @!p2 $0x0  }
0x16: {  	s3 =	sld [smem:$0x3FDB];
	s0 =	simm.s32 @p2 $0x1  }
0x17: {  	s4 =	simm.s32 $0x1BF5;
	[smem:$0x3FB9] =	sst s0  }
0x18: {  	s0 =	sld [smem:$0x3F9C];
	_ =	swait.ge [sflag:s4], $0x0  }
0x19: {  	s7 =	sld [smem:$0x3F9D]  }
0x1a: {  	s8 =	sadd.s32 $0xFFFFE003, lr  }
0x1b: {  	s9 =	sadd.s32 $0xFFFFFEF7, lr;
	s5 =	simm.s32 $0xFFFFFFFF;
	p2 =	slt.u32 s8, $0xFFFFF086  }
0x1c: {  	p1 =	slt.u32 s9, $0xF7A;
	s5 =	simm.s32 @!p2 $0x0  }
0x1d: {  	s5 =	simm.s32 @p1 $0x1;
	p0 =	seq.s32 s7, s2  }
0x1e: {  	s7 =	smul.u32 @!p0 $0xF7A, s2;
	p2 =	seq.s32 @!p0 s5, $0x0  }
0x1f: {  	s9 =	smul.u32 $0xF7A, s1;
	s8 =	simm.s32 @!p0 $0x1BF5;
	p2 =	por !p2, p0  }
0x20: {  	[sflag:s8] =	ssyncset.s32 @!p0 $0xFFFFF086;
	s6 =	sadd.s32 @!p0 s3, s7;
	s7 =	simm.s32 @!p0 $0x108  }
0x21: {  	s3 =	sadd.s32 s3, s9;
	s6 =	sadd.s32 @!p0 $0x88, s6;
	s7 =	simm.s32 @p2 $0x1082  }
0x22: {  	[simem:s7], [sflag:s8] =	dma.local @!p0 [hbm:s6], $0xF7A  }
0x23: {  	s9 =	sor.u32 $0xD0000000, s2;
	s6 =	simm.s32 $0x108;
	_ =	swait.ge @!p0 [sflag:s8], $0x0  }
0x24: {  	s3 =	sadd.s32 $0x88, s3;
	s6 =	simm.s32 @!p1 $0x1082;
	[sflag:s4] =	ssyncset.s32 $0xFFFFF086  }
0x25: {  	[simem:s6], [sflag:s4] =	dma.local [hbm:s3], $0xF7A  }
0x26: {  	[smem:$0x3F9D] =	sst s1;
	(tag) =	ssettag s2;
	_ =	strace s9  }
0x27: {  	s1 =	sld [smem:$0x3FAD]  }
0x28: {  	s2 =	sld [smem:$0x3FAE]  }
0x29: {  	s4 =	sld [smem:$0x3FB0]  }
0x2a: {  	p0 =	seq.s32 s5, $0x0;
	s5 =	sld [smem:$0x3FB1]  }
0x2b: {  	s6 =	sld [smem:$0x3FB2]  }
0x2c: {  	s7 =	sld [smem:$0x3FB3]  }
0x2d: {  	s3 =	simm.s32 $0x108;
	s8 =	sld [smem:$0x3FB4]  }
0x2e: {  	s3 =	simm.s32 @!p0 $0x1082;
	s9 =	sld [smem:$0x3FB5]  }
0x2f: {  	lr =	sadd.s32 s0, s3;
	s0 =	sld [smem:$0x3FAC]  }
0x30: {  	s3 =	sld [smem:$0x3FAF]  }
0x31: {  	[smem:$0x3FB8] =	sst s10  }
0x32: {  	s10 =	sld [smem:$0x3FB6];
	_ =	sdelay $0x3  }
0x33: {  	p0 =	seq.s32 s10, $0x1;
	s10 =	sld [smem:$0x3FB8];
	_ =	sdelay $0x3  }
0x34: {  	[smem:$0x3FB8] =	sst s10  }
0x35: {  	s10 =	sld [smem:$0x3FB7];
	_ =	sdelay $0x3  }
0x36: {  	p1 =	seq.s32 s10, $0x1;
	s10 =	sld [smem:$0x3FB8];
	_ =	sdelay $0x3  }
0x37: {  	[smem:$0x3FB8] =	sst s10  }
0x38: {  	s10 =	sld [smem:$0x3FB9]  }
0x39: {  	_ = 	snop;
	(pc) =	sbr.ind lr, $3  }
0x3a: {  	_ = 	snop  }
0x3b: {  	_ = 	snop  }
0x3c: {  	p2 =	seq.s32 s10, $0x1;
	s10 =	sld [smem:$0x3FB8]  }
0x3d: {  	_ =	shalt  }
0x3e: {  	_ =	shalt  }
0x3f: {  	_ =	shalt  }
0x40: {  	_ =	shalt  }
0x41: {  	_ =	shalt  }
0x42: {  	_ =	shalt  }
0x43: {  	_ =	shalt  }
0x44: {  	_ =	shalt  }
0x45: {  	_ =	shalt  }
0x46: {  	_ =	shalt  }
0x47: {  	_ =	shalt  }
0x48: {  	_ =	shalt  }
0x49: {  	_ =	shalt  }
0x4a: {  	_ =	shalt  }
0x4b: {  	_ =	shalt  }
0x4c: {  	_ =	shalt  }
0x4d: {  	_ =	shalt  }
0x4e: {  	_ =	shalt  }
0x4f: {  	_ =	shalt  }
0x50: {  	_ =	shalt  }
0x51: {  	_ =	shalt  }
0x52: {  	_ =	shalt  }
0x53: {  	_ =	shalt  }
0x54: {  	_ =	shalt  }
0x55: {  	_ =	shalt  }
0x56: {  	_ =	shalt  }
0x57: {  	_ =	shalt  }
0x58: {  	_ =	shalt  }
0x59: {  	_ =	shalt  }
0x5a: {  	_ =	shalt  }
0x5b: {  	_ =	shalt  }
0x5c: {  	_ =	shalt  }
0x5d: {  	_ =	shalt  }
0x5e: {  	_ =	shalt  }
0x5f: {  	_ =	shalt  }
0x60: {  	_ =	shalt  }
0x61: {  	_ =	shalt  }
0x62: {  	_ =	shalt  }
0x63: {  	_ =	shalt  }
0x64: {  	_ =	shalt  }
0x65: {  	_ =	shalt  }
0x66: {  	_ =	shalt  }
0x67: {  	_ =	shalt  }
0x68: {  	_ =	shalt  }
0x69: {  	_ =	shalt  }
0x6a: {  	_ =	shalt  }
0x6b: {  	_ =	shalt  }
0x6c: {  	_ =	shalt  }
0x6d: {  	_ =	shalt  }
0x6e: {  	_ =	shalt  }
0x6f: {  	_ =	shalt  }
0x70: {  	_ =	shalt  }
0x71: {  	_ =	shalt  }
0x72: {  	_ =	shalt  }
0x73: {  	_ =	shalt  }
0x74: {  	_ =	shalt  }
0x75: {  	_ =	shalt  }
0x76: {  	_ =	shalt  }
0x77: {  	_ =	shalt  }
0x78: {  	_ =	shalt  }
0x79: {  	_ =	shalt  }
0x7a: {  	_ =	shalt  }
0x7b: {  	_ =	shalt  }
0x7c: {  	_ =	shalt  }
0x7d: {  	_ =	shalt  }
0x7e: {  	_ =	shalt  }
0x7f: {  	_ =	shalt  }
0x80: {  	_ =	shalt  }
0x81: {  	_ =	shalt  }
0x82: {  	_ =	shalt  }
0x83: {  	_ =	shalt  }
0x84: {  	_ =	shalt  }
0x85: {  	_ =	shalt  }
0x86: {  	_ =	shalt  }
0x87: {  	_ =	shalt  }
.Lfunc_end0:
.L_simem_size_0:
called_computation.1_lowered:
.L_overlay_start_0:
0x88: {  	s2 =	sld [smem:$0x3FD9]  }
0x89: {  	s3 =	sld [smem:$0x3FFE];
	_ =	sdelay $0x1  }
0x8a: {  	s1 =	srdreg.scid  }
0x8b: {  	s0 =	sand.u32 $0x1, s1  }
0x8c: {  	s17 =	sshll.u32 s0, $0xA;
	s2 =	sadd.s32 s3, s2  }
0x8d: {  	s2 =	sadd.s32 s2, s17  }
0x8e: {  	[smem:$0x3FC4] =	sst s2  }
0x8f: {  	_ = 	snop  }
0x90: {  	s2 =	sld [smem:$0x3FD0];
	(tm) =	ssettm $0x1  }
0x91: {  	s18 =	sld [smem:$0x3FFB];
	_ =	sdelay $0x3  }
0x92: {  	_ =	strace s18  }
0x93: {  	s3 =	sld [smem:$0x3FFC];
	_ =	sdelay $0x3  }
0x94: {  	_ =	strace s3  }
0x95: {  	s3 =	sld [smem:$0x3FFD];
	_ =	sdelay $0x3  }
0x96: {  	_ =	strace s3  }
0x97: {  	_ =	strace $0x8FFFFFFF  }
0x98: {  	s19 =	sld [smem:$0x3FDB];
	_ =	sdelay $0x1  }
0x99: {  	s4 =	simm.s32 $_scs_section_size  }
0x9a: {  	s5 =	simm.s32 $_size__tile_overlayer_lowered;
	s6 =	simm.s32 $_tile_overlayer_lowered  }
0x9b: {  	s22 =	simm.s32 $0x1BFF;
	s21 =	sshll.u32 s6, $0x1;
	s3 =	sadd.s32 s4, s19  }
0x9c: {  	s7 =	simm.s32 $0x0;
	s20 =	sshll.u32 s5, $0x1;
	s5 =	sadd.s32 s21, s3  }
0x9d: {  	[timem:s7], [sflag:s22] =	dma.local [hbm:s5], s20  }
0x9e: {  	_ =	swait.ge [sflag:s22], s20  }
0x9f: {  	s4 =	ssub.s32 $0x0, s20;
	[sflag:s22] =	ssyncset.done $0x0  }
0xa0: {  	[sflag:s22] =	ssyncadd.s32 s4;
	_ =	sdelay $0x1  }
0xa1: {  	s23 =	simm.s32 $0x1B8B  }
0xa2: {  	_ =	swait.ge [sflag:s23], $0x1  }
0xa3: {  	[sflag:s23] =	ssyncset.done $0x0  }
0xa4: {  	s25 =	simm.s32 $0x1B8E;
	s24 =	sld [smem:$0x3FFE];
	[sflag:s23] =	ssyncadd.s32 $0xFFFFFFFF  }
0xa5: {  	s26 =	simm.s32 $execute0_lowered;
	[smem:$0x3FD2] =	sst s25  }
0xa6: {  	s5 =	sshll.u32 s26, $0x1;
	_ =	strace $0x80000049;
	[dreg:$0x1] =	wrdreg $0xFFFFFFFF  }
0xa7: {  	s28 =	simm.s32 $_size_execute0_lowered;
	s3 =	sadd.s32 s3, s5;
	[dreg:$0x0] =	wrdreg $0x0  }
0xa8: {  	s5 =	sshll.u32 s28, $0x1;
	[dreg:$0x2] =	wrdreg s3  }
0xa9: {  	[dreg:$0x3] =	wrdreg s5  }
0xaa: {  	[dreg:$0x4] =	wrdreg $0xC0  }
0xab: {  	_ =	task [dreg:s7], $0x5FFFF  }
0xac: {  	[dreg:$0x1] =	wrdreg $0xFFFFFFFF  }
0xad: {  	[dreg:$0x0] =	wrdreg $0x60  }
0xae: {  	[dreg:$0x2] =	wrdreg s24  }
0xaf: {  	[dreg:$0x3] =	wrdreg s2  }
0xb0: {  	[dreg:$0x4] =	wrdreg $0x9  }
0xb1: {  	_ =	task.clear_ibuf [dreg:s7], $0x5FFFF;
	_ =	strace $0x90000049  }
0xb2: {  	s29 =	simm.s32 $0x9;
	_ =	strace $0x8000004B  }
0xb3: {  	_ =	swait.ge [sflag:s29], $0x1  }
0xb4: {  	[sflag:s29] =	ssyncadd.s32 $0xFFFFFFFF  }
0xb5: {  	_ =	strace $0x9000004B  }
0xb6: {  	_ =	sfence  }
0xb7: {  	s30 =	sld [smem:$0x0];
	_ =	sdelay $0x2  }
0xb8: {  	s31 =	sshll.u32 s1, $0xD;
	s1 =	sshrl.u32 s1, $0x2  }
0xb9: {  	s3 =	sand.u32 $0x4000, s31;
	s1 =	sadd.s32 s1, s30  }
0xba: {  	s0 =	sor.u32 s3, s0;
	s1 =	sshll.u32 s1, $0x11  }
0xbb: {  	s0 =	sor.u32 s1, s0  }
0xbc: {  	s0 =	sadd.s32 $0x8F2B, s0  }
0xbd: {  	[sflag:s0] =	ssyncadd.remote.s32 $0x1  }
0xbe: {  	_ =	sfence.sel $0xFFFF  }
0xbf: {  	[dreg:$0x0] =	wrdreg $0xFFFFFFFF;
	(pc) =	sbr.abs _section_cstart, $3  }
0xc0: {  	[dreg:$0x1] =	wrdreg $0xFFFFFFFF  }
0xc1: {  	_ =	task.clear_ibuf [dreg:s7], $0x2FFFF;
	_ =	strace $0x9FFFFFFF  }
0xc2: {  	(tm) =	ssettm $0x7FFFFFFF  }
0xc3: {  	_ =	shalt  }
tec
execute0_lowered:
.L_overlay_start_1:
0x0: {  	(tag) =	ssettag $0x1  }
0x1: {  	s0 =	rddreg [dreg:$0x0]  }
0x2: {  	s5 =	rddreg [dreg:$0x1];
	s3 =	srdreg.scid  }
0x3: {  	s2 =	simm.s32 $0x0;
	s1 =	stileid.u32;
	s26 =	simm.s32 $0x880  }
0x4: {  	s10 =	simm.s32 $0x1880;
	s11 =	simm.s32 $0x2080;
	s12 =	simm.s32 $0x2880  }
0x5: {  	s13 =	simm.s32 $0x3080;
	s14 =	simm.s32 $0x3880;
	s15 =	simm.s32 $0x4080  }
0x6: {  	s16 =	simm.s32 $0x4880;
	s17 =	simm.s32 $0x5080;
	s18 =	simm.s32 $0x5880  }
0x7: {  	s19 =	simm.s32 $0x6080;
	s20 =	simm.s32 $0x6880;
	s21 =	simm.s32 $0x7080  }
0x8: {  	s22 =	simm.s32 $0x7880;
	s28 =	simm.s32 $0xA080;
	s29 =	simm.s32 $0xA880  }
0x9: {  	s30 =	simm.s32 $0xB080;
	s31 =	simm.s32 $0xB880;
	s3 =	sand.u32 $0x1, s3  }
0xa: {  	[smem:$0x7FF] =	sst s2;
	s4 =	sshll.u32 s1, $0x4;
	s6 =	sshll.u32 s3, $0x3  }
0xb: {  	_ =	strace $0x8000004A;
	s23 =	ssub.s32 $0x2, s3;
	s3 =	sadd.s32 $0x2600, s0  }
0xc: {  	[dreg:$0x5] =	wrdreg s26;
	s26 =	simm.s32 $0x9880;
	s4 =	sor.u32 s6, s4  }
0xd: {  	s8 =	sshrl.u32 s23, $0x1;
	s7 =	sadd.s32 s4, s0;
	s9 =	smul.u32 $0x300, s4  }
0xe: {  	s6 =	ssub.s32 s23, s8;
	s4 =	sadd.s32 $0x2700, s0;
	s8 =	simm.s32 $0x80  }
0xf: {  	s23 =	simm.s32 $0x8080;
	s24 =	sadd.s32 $0x2400, s7;
	s6 =	smax.u32 s6, $0x1  }
0x10: {  	v2 =	vlaneseq.u32;
	s7 =	simm.s32 $0x2;
	[dreg:$0x3] =	wrdreg s24;
	s25 =	sadd.s32 s5, s9  }
0x11: {  	vm0 =	vmmov $0xffff;
	v1 =	vshrl.u32 v2, $0x3;
	s5 =	sadd.s32 $0x2800, s0;
	s9 =	simm.s32 $0x1080;
	s24 =	simm.s32 $0x8880  }
0x12: {  	v0 =	vand.u32 $0x7, v2;
	v2 =	vor.u32 $0x8, v2;
	v1 =	vmul.u32 $0x8, v1;
	s0 =	simm.s32 $0x1;
	[dreg:$0x4] =	wrdreg s25;
	s25 =	simm.s32 $0x9080  }
.LBB2_1:
0x13: {  	s1 =	rddreg [dreg:$0x3]  }
0x14: {  	[tilespmem:s2], [sflag:$0x2] =	stream.linear.gather [hbm4b:s1+s2], $0x40, $0x38;
	[tilespmem:$0xC080] =	vst v63  }
0x15: {  	_ =	swait.ge [sflag:s7], $0x40  }
0x16: {  	[sflag:s7] =	ssyncset.done $0x0  }
0x17: {  	[sflag:s7] =	ssyncadd.s32 $0xFFFFFFC0  }
0x18: {  	v3 =	vld [tilespmem:$0x0];
	_ =	sdelay $0x4  }
0x19: {  	v4 =	vshrl.u32 v3, $0x3  }
0x1a: {  	v4 =	vmul.u32 $0x30, v4  }
0x1b: {  	v3 =	vand.u32 $0x7, v3  }
0x1c: {  	v3 =	vor.u32 v3, v4  }
0x1d: {  	v4 =	vperm.xlane v3, v0;
	_ =	sdelay $0x1  }
0x1e: {  	v4 =	vadd.s32 v1, v4;
	_ =	sdelay $0x3  }
0x1f: {  	v3 =	vperm.xlane v3, v2  }
0x20: {  	[tilespmem:s8], [sflag:$0x1] =	stream.indirect_vreg.gather [hbm4b:s3+s2], $0x80, v4, vm0, $0xb8;
	[tilespmem:$0xC080] =	vst v63  }
0x21: {  	s1 =	rddreg [dreg:$0x5];
	v3 =	vadd.s32 v1, v3  }
0x22: {  	[tilespmem:s1], [sflag:$0x1] =	stream.indirect_vreg.gather [hbm4b:s4+s2], $0x80, v4, vm0, $0xb8;
	[tilespmem:$0xC080] =	vst v63  }
0x23: {  	_ = 	snop  }
0x24: {  	[tilespmem:s9], [sflag:$0x1] =	stream.indirect_vreg.gather [hbm4b:s5+s2], $0x80, v4, vm0, $0xb8;
	[tilespmem:$0xC080] =	vst v63  }
0x25: {  	_ = 	snop  }
0x26: {  	[tilespmem:s10], [sflag:$0x1] =	stream.indirect_vreg.gather [hbm4b:s3+s2], $0x80, v3, vm0, $0xb8;
	[tilespmem:$0xC080] =	vst v63  }
0x27: {  	_ = 	snop  }
0x28: {  	[tilespmem:s11], [sflag:$0x1] =	stream.indirect_vreg.gather [hbm4b:s4+s2], $0x80, v3, vm0, $0xb8;
	[tilespmem:$0xC080] =	vst v63  }
0x29: {  	_ = 	snop  }
0x2a: {  	[tilespmem:s12], [sflag:$0x1] =	stream.indirect_vreg.gather [hbm4b:s5+s2], $0x80, v3, vm0, $0xb8;
	[tilespmem:$0xC080] =	vst v63  }
0x2b: {  	v3 =	vld [tilespmem:$0x10];
	_ =	sdelay $0x4  }
0x2c: {  	v61 =	vshrl.u32 v3, $0x3  }
0x2d: {  	v4 =	vmul.u32 $0x30, v61  }
0x2e: {  	v3 =	vand.u32 $0x7, v3  }
0x2f: {  	v3 =	vor.u32 v3, v4  }
0x30: {  	v4 =	vperm.xlane v3, v0;
	_ =	sdelay $0x1  }
0x31: {  	v4 =	vadd.s32 v1, v4;
	_ =	sdelay $0x3  }
0x32: {  	v3 =	vperm.xlane v3, v2  }
0x33: {  	[tilespmem:s13], [sflag:$0x1] =	stream.indirect_vreg.gather [hbm4b:s3+s2], $0x80, v4, vm0, $0xb8;
	[tilespmem:$0xC080] =	vst v63  }
0x34: {  	v3 =	vadd.s32 v1, v3  }
0x35: {  	[tilespmem:s14], [sflag:$0x1] =	stream.indirect_vreg.gather [hbm4b:s4+s2], $0x80, v4, vm0, $0xb8;
	[tilespmem:$0xC080] =	vst v63  }
0x36: {  	_ = 	snop  }
0x37: {  	[tilespmem:s15], [sflag:$0x1] =	stream.indirect_vreg.gather [hbm4b:s5+s2], $0x80, v4, vm0, $0xb8;
	[tilespmem:$0xC080] =	vst v63  }
0x38: {  	_ = 	snop  }
0x39: {  	[tilespmem:s16], [sflag:$0x1] =	stream.indirect_vreg.gather [hbm4b:s3+s2], $0x80, v3, vm0, $0xb8;
	[tilespmem:$0xC080] =	vst v63  }
0x3a: {  	_ = 	snop  }
0x3b: {  	[tilespmem:s17], [sflag:$0x1] =	stream.indirect_vreg.gather [hbm4b:s4+s2], $0x80, v3, vm0, $0xb8;
	[tilespmem:$0xC080] =	vst v63  }
0x3c: {  	_ = 	snop  }
0x3d: {  	[tilespmem:s18], [sflag:$0x1] =	stream.indirect_vreg.gather [hbm4b:s5+s2], $0x80, v3, vm0, $0xb8;
	[tilespmem:$0xC080] =	vst v63  }
0x3e: {  	v3 =	vld [tilespmem:$0x20];
	_ =	sdelay $0x4  }
0x3f: {  	v62 =	vshrl.u32 v3, $0x3  }
0x40: {  	v4 =	vmul.u32 $0x30, v62  }
0x41: {  	v3 =	vand.u32 $0x7, v3  }
0x42: {  	v3 =	vor.u32 v3, v4  }
0x43: {  	v4 =	vperm.xlane v3, v0;
	_ =	sdelay $0x1  }
0x44: {  	v4 =	vadd.s32 v1, v4;
	_ =	sdelay $0x3  }
0x45: {  	v3 =	vperm.xlane v3, v2  }
0x46: {  	[tilespmem:s19], [sflag:$0x1] =	stream.indirect_vreg.gather [hbm4b:s3+s2], $0x80, v4, vm0, $0xb8;
	[tilespmem:$0xC080] =	vst v63  }
0x47: {  	v3 =	vadd.s32 v1, v3  }
0x48: {  	[tilespmem:s20], [sflag:$0x1] =	stream.indirect_vreg.gather [hbm4b:s4+s2], $0x80, v4, vm0, $0xb8;
	[tilespmem:$0xC080] =	vst v63  }
0x49: {  	_ = 	snop  }
0x4a: {  	[tilespmem:s21], [sflag:$0x1] =	stream.indirect_vreg.gather [hbm4b:s5+s2], $0x80, v4, vm0, $0xb8;
	[tilespmem:$0xC080] =	vst v63  }
0x4b: {  	_ = 	snop  }
0x4c: {  	[tilespmem:s22], [sflag:$0x1] =	stream.indirect_vreg.gather [hbm4b:s3+s2], $0x80, v3, vm0, $0xb8;
	[tilespmem:$0xC080] =	vst v63  }
0x4d: {  	_ = 	snop  }
0x4e: {  	[tilespmem:s23], [sflag:$0x1] =	stream.indirect_vreg.gather [hbm4b:s4+s2], $0x80, v3, vm0, $0xb8;
	[tilespmem:$0xC080] =	vst v63  }
0x4f: {  	_ = 	snop  }
0x50: {  	[tilespmem:s24], [sflag:$0x1] =	stream.indirect_vreg.gather [hbm4b:s5+s2], $0x80, v3, vm0, $0xb8;
	[tilespmem:$0xC080] =	vst v63  }
0x51: {  	v3 =	vld [tilespmem:$0x30];
	_ =	sdelay $0x4  }
0x52: {  	v63 =	vshrl.u32 v3, $0x3  }
0x53: {  	v4 =	vmul.u32 $0x30, v63  }
0x54: {  	v3 =	vand.u32 $0x7, v3  }
0x55: {  	v3 =	vor.u32 v3, v4  }
0x56: {  	v4 =	vperm.xlane v3, v0;
	_ =	sdelay $0x1  }
0x57: {  	v4 =	vadd.s32 v1, v4;
	_ =	sdelay $0x3  }
0x58: {  	v3 =	vperm.xlane v3, v2  }
0x59: {  	[tilespmem:s25], [sflag:$0x1] =	stream.indirect_vreg.gather [hbm4b:s3+s2], $0x80, v4, vm0, $0xb8;
	[tilespmem:$0xC080] =	vst v63  }
0x5a: {  	v3 =	vadd.s32 v1, v3  }
0x5b: {  	[tilespmem:s26], [sflag:$0x1] =	stream.indirect_vreg.gather [hbm4b:s4+s2], $0x80, v4, vm0, $0xb8;
	[tilespmem:$0xC080] =	vst v63  }
0x5c: {  	_ = 	snop  }
0x5d: {  	[tilespmem:s28], [sflag:$0x1] =	stream.indirect_vreg.gather [hbm4b:s5+s2], $0x80, v4, vm0, $0xb8;
	[tilespmem:$0xC080] =	vst v63  }
0x5e: {  	_ = 	snop  }
0x5f: {  	[tilespmem:s29], [sflag:$0x1] =	stream.indirect_vreg.gather [hbm4b:s3+s2], $0x80, v3, vm0, $0xb8;
	[tilespmem:$0xC080] =	vst v63  }
0x60: {  	_ = 	snop  }
0x61: {  	[tilespmem:s30], [sflag:$0x1] =	stream.indirect_vreg.gather [hbm4b:s4+s2], $0x80, v3, vm0, $0xb8;
	[tilespmem:$0xC080] =	vst v63  }
0x62: {  	_ = 	snop  }
0x63: {  	[tilespmem:s31], [sflag:$0x1] =	stream.indirect_vreg.gather [hbm4b:s5+s2], $0x80, v3, vm0, $0xb8;
	[tilespmem:$0xC080] =	vst v63  }
0x64: {  	_ =	swait.ge [sflag:s0], $0xC000  }
0x65: {  	p0 =	sne.s32 s6, $0x1;
	[sflag:s0] =	ssyncset.done $0x0  }
.Ltmp0:
0x66: {  	s1 =	rddreg [dreg:$0x4];
	[sflag:s0] =	ssyncadd.s32 $0xFFFF4000;
	(pc) =	sbr.rel @p0 .LBB2_1-.Ltmp0, $4  }
0x67: {  	[hbm4b:s1+s2] =	stream.linear.scatter [tilespmem:s8], [sflag:$0x2], $0xC000, $0x38;
	[tilespmem:$0xC080] =	vst v63  }
0x68: {  	_ =	swait.ge [sflag:s7], $0xC000  }
0x69: {  	[sflag:s7] =	ssyncset.done $0x0  }
0x6a: {  	s6 =	sadd.s32 $0xFFFFFFFF, s6;
	[sflag:s7] =	ssyncadd.s32 $0xFFFF4000  }
0x6b: {  	_ =	sfence.sel $0x180000  }
0x6c: {  	[bflag:$0x0] =	sbarrier.arrive $0xFFFF  }
0x6d: {  	_ =	strace $0x9000004A  }
0x6e: {  	s0 =	stileid.u32;
	[bflag:$0x2] =	sbarrier.arrive $0xFFFF  }
0x6f: {  	p0 =	sne.s32 s0, $0x0;
	s0 =	rddreg [dreg:$0x2]  }
0x70: {  	s0 =	sadd.s32 @!p0 $0x100000, s0  }
0x71: {  	[sflag:s0] =	ssyncadd.tile.s32 @!p0 $0x1;
	_ =	shalt  }
.Lfunc_end2:
_tile_overlayer_lowered:
.L_overlay_start_2:
0x72: {  	(tag) =	ssettag $0x2  }
0x73: {  	s0 =	rddreg [dreg:$0x0];
	s2 =	stileid.u32  }
0x74: {  	s1 =	rddreg [dreg:$0x1];
	p0 =	sne.s32 s2, $0x0  }
0x75: {  	s3 =	rddreg [dreg:$0x2];
	[bflag:$0x3] =	sbarrier.arrive $0xFFFF;
	s2 =	simm.s32 @!p0 $0x1C02  }
0x76: {  	[timem:s3], [sflag:s2] =	dma.local @!p0 [hbm:s0], s1  }
0x77: {  	s0 =	simm.s32 @!p0 $0x2  }
0x78: {  	_ =	swait.ge @!p0 [sflag:s0], s1  }
0x79: {  	s1 =	ssub.s32 @!p0 $0x0, s1;
	[sflag:s0] =	ssyncset.done @!p0 $0x0  }
0x7a: {  	[sflag:s0] =	ssyncadd.s32 @!p0 s1  }
0x7b: {  	[bflag:$0x3] =	sbarrier.arrive $0xFFFF  }
0x7c: {  	_ =	shalt  }

</sc_bundles>
